<compile_context>
chip_gen: v7x
topology: tpu7x:2x2x1
jax: 0.10.2.dev20260603
libtpu: 0.0.44.dev20260713+nightly
codegen_flags: <defaults>
</compile_context>

<pallas_src>
import functools

import jax
import jax.numpy as jnp
from jax import lax
from jax.experimental import pallas as pl
from jax.experimental.pallas import tpu as pltpu
from jax.experimental.pallas import tpu_sc as plsc

_NC = 2
_NS = 16
_NW = _NC * _NS

_f32 = jnp.float32


def _leaky(x):
    return jnp.where(x > 0, x, 0.01 * x)


def _dot(a, b):
    return lax.dot(a, b, preferred_element_type=_f32)



def _prep_body(vis_ref, wproj_ref, bproj_ref, wps_ref, bps_ref, wl_ref,
               bl_ref, wr_ref, br_ref, qts_ref, qrel_ref,
               hn_ref, lq_ref, rq_ref):
    wproj = wproj_ref[...]
    bproj = bproj_ref[...]
    wl = wl_ref[...]
    wr = wr_ref[...]
    ds = wproj.shape[1]
    sds = wps_ref.shape[1]
    wl_c, wl_d = wl[2 * ds:2 * ds + sds], wl[2 * ds + sds:]
    wr_c, wr_d = wr[2 * ds:2 * ds + sds], wr[2 * ds + sds:]
    hn_ref[...] = _dot(vis_ref[...], wproj) + bproj
    qsv = _dot(qts_ref[...], wps_ref[...]) + bps_ref[...]
    qrv = _dot(qrel_ref[...], wproj) + bproj
    lq_ref[...] = _dot(qsv, wl_c) + _dot(qrv, wl_d) + bl_ref[...]
    rq_ref[...] = _dot(qsv, wr_c) + _dot(qrv, wr_d) + br_ref[...]


def _prep_call(N, B, D, DS, SDS):
    return pl.pallas_call(
        _prep_body,
        out_shape=(
            jax.ShapeDtypeStruct((N, DS), _f32),
            jax.ShapeDtypeStruct((B, DS), _f32),
            jax.ShapeDtypeStruct((B, DS), _f32),
        ),
    )



def _sc_gather_call(N, E, DS):
    EW = E // _NW
    SUP = 2000
    CH = 80
    NSUP = EW // SUP
    NCH = SUP // CH
    assert EW % SUP == 0 and SUP % CH == 0 and EW % 16 == 0

    mesh = plsc.VectorSubcoreMesh(core_axis_name="c", subcore_axis_name="s")

    @functools.partial(
        pl.kernel,
        out_type=(
            jax.ShapeDtypeStruct((E, 2 * DS), _f32),
            jax.ShapeDtypeStruct((E,), _f32),
        ),
        mesh=mesh,
        scratch_types=[
            pltpu.VMEM((EW,), jnp.int32),
            pltpu.VMEM((SUP, DS), _f32),
            pltpu.VMEM((EW,), _f32),
            pltpu.SemaphoreType.DMA,
        ],
        compiler_params=pltpu.CompilerParams(use_tc_tiling_on_sc=False),
    )
    def sc_gather(hn_hbm, ns_hbm, ii_hbm, jj_hbm,
                  hnij_hbm, nsi_hbm,
                  idx_v, rows_v, nsout_v, gsem):
        cid = lax.axis_index("c")
        sid = lax.axis_index("s")
        wid = sid * _NC + cid
        base = wid * EW

        def do_table(idx_hbm, col, do_ns):
            pltpu.sync_copy(idx_hbm.at[pl.ds(base, EW)], idx_v)
            for s in range(NSUP):
                off = s * SUP

                def fire(cc, carry):
                    pltpu.async_copy(
                        hn_hbm.at[idx_v.at[pl.ds(off + cc * CH, CH)]],
                        rows_v.at[pl.ds(cc * CH, CH)], gsem)
                    if do_ns:
                        pltpu.async_copy(
                            ns_hbm.at[idx_v.at[pl.ds(off + cc * CH, CH)]],
                            nsout_v.at[pl.ds(off + cc * CH, CH)], gsem)
                    return carry

                def drain(cc, carry):
                    pltpu.make_async_copy(
                        hn_hbm.at[idx_v.at[pl.ds(off + cc * CH, CH)]],
                        rows_v.at[pl.ds(cc * CH, CH)], gsem).wait()
                    if do_ns:
                        pltpu.make_async_copy(
                            ns_hbm.at[idx_v.at[pl.ds(off + cc * CH, CH)]],
                            nsout_v.at[pl.ds(off + cc * CH, CH)], gsem).wait()
                    return carry

                lax.fori_loop(0, NCH, fire, 0)
                lax.fori_loop(0, NCH, drain, 0)
                pltpu.sync_copy(
                    rows_v,
                    hnij_hbm.at[pl.ds(base + off, SUP), pl.ds(col, DS)])
            if do_ns:
                pltpu.sync_copy(nsout_v, nsi_hbm.at[pl.ds(base, EW)])

        do_table(ii_hbm, 0, True)
        do_table(jj_hbm, DS, False)

    return sc_gather



def _edge_body(rel_ref, hnij_ref, lq_ref, rq_ref,
               wproj_ref, bproj_ref, wl_ref, wr_ref, wc_ref, bc_ref,
               logit_ref):
    ds = wproj_ref.shape[1]
    wl = wl_ref[...]
    wr = wr_ref[...]
    z = jnp.zeros((ds, ds), _f32)
    wd = jnp.concatenate(
        [jnp.concatenate([wl[0:ds], z], axis=1),
         jnp.concatenate([z, wr[0:ds]], axis=1)], axis=0)
    wrelb = jnp.concatenate([wl[ds:2 * ds], wr[ds:2 * ds]], axis=1)
    wc2 = jnp.concatenate([z, wc_ref[...]], axis=0)
    lqrq = jnp.concatenate([lq_ref[0], rq_ref[0]], axis=1)
    relp = _dot(rel_ref[0], wproj_ref[...]) + bproj_ref[...]
    alar = _leaky(_dot(hnij_ref[0], wd) + _dot(relp, wrelb) + lqrq)
    m2 = _dot(alar, wc2) + bc_ref[...]
    al = alar[:, 0:ds]
    logit_ref[0] = jnp.sum(al * m2, axis=1, keepdims=True)


def _edge_call(B, EQ, D, DS, GIN):
    return pl.pallas_call(
        _edge_body,
        grid=(B,),
        in_specs=[
            pl.BlockSpec((1, EQ, D), lambda b: (b, 0, 0)),
            pl.BlockSpec((1, EQ, 2 * DS), lambda b: (b, 0, 0)),
            pl.BlockSpec((1, 1, DS), lambda b: (b, 0, 0)),
            pl.BlockSpec((1, 1, DS), lambda b: (b, 0, 0)),
            pl.BlockSpec((D, DS), lambda b: (0, 0)),
            pl.BlockSpec((1, DS), lambda b: (0, 0)),
            pl.BlockSpec((GIN, DS), lambda b: (0, 0)),
            pl.BlockSpec((GIN, DS), lambda b: (0, 0)),
            pl.BlockSpec((DS, DS), lambda b: (0, 0)),
            pl.BlockSpec((1, DS), lambda b: (0, 0)),
        ],
        out_specs=pl.BlockSpec((1, EQ, 1), lambda b: (b, 0, 0)),
        out_shape=jax.ShapeDtypeStruct((B, EQ, 1), _f32),
    )



def _topk_body(k_ref, lg_ref, ns_ref, out_ref):
    lg = lg_ref[...]
    m = jnp.max(lg, axis=1, keepdims=True)
    p = jnp.exp(lg - m)
    z = jnp.sum(p, axis=1, keepdims=True)
    att = (p / z) * ns_ref[...]
    bits = lax.bitcast_convert_type(att, jnp.int32)
    k = k_ref[0]
    b = att.shape[0]

    def body(_, carry):
        lo, hi = carry
        mid = lo + lax.shift_right_logical(hi - lo, 1)
        cnt = jnp.sum((bits >= mid).astype(jnp.int32), axis=1, keepdims=True)
        ge = cnt >= k
        return jnp.where(ge, mid, lo), jnp.where(ge, hi, mid)

    lo0 = jnp.zeros((b, 1), jnp.int32)
    hi0 = jnp.full((b, 1), jnp.int32(0x7FFFFFFF))
    lo, _ = lax.fori_loop(0, 31, body, (lo0, hi0))
    out_ref[...] = jnp.where(bits >= lo, att, 0.0)


def _topk_call(B, EQ):
    return pl.pallas_call(
        _topk_body,
        in_specs=[
            pl.BlockSpec(memory_space=pltpu.SMEM),
            pl.BlockSpec((B, EQ), lambda: (0, 0)),
            pl.BlockSpec((B, EQ), lambda: (0, 0)),
        ],
        out_specs=pl.BlockSpec((B, EQ), lambda: (0, 0)),
        out_shape=jax.ShapeDtypeStruct((B, EQ), _f32),
    )



def _sc_scatter_call(N, JC):
    mesh = plsc.VectorSubcoreMesh(core_axis_name="c", subcore_axis_name="s")

    @functools.partial(
        pl.kernel,
        out_type=jax.ShapeDtypeStruct((_NC, N), _f32),
        mesh=mesh,
        scratch_types=[
            pltpu.VMEM((JC, 128), _f32),
            pltpu.VMEM((JC, 128), jnp.int32),
            pltpu.VMEM((N,), _f32),
            pltpu.VMEM_SHARED((N,), _f32),
            pltpu.SemaphoreType.DMA,
        ],
    )
    def sc_scatter(val_hbm, idx_hbm, out_hbm, val_v, idx_v, z_v, acc_sh, sem):
        cid = lax.axis_index("c")
        sid = lax.axis_index("s")
        wid = sid * _NC + cid

        @pl.when(sid == 0)
        def _zero():
            def zb(t, carry):
                z_v[pl.ds(t * 16, 16)] = jnp.zeros((16,), _f32)
                return carry
            lax.fori_loop(0, N // 16, zb, 0)
            pltpu.sync_copy(z_v, acc_sh)

        pltpu.sync_copy(val_hbm.at[wid], val_v)
        pltpu.sync_copy(idx_hbm.at[wid], idx_v)
        plsc.subcore_barrier()

        def scat(j, carry):
            pltpu.sync_copy(val_v.at[j], acc_sh.at[idx_v.at[j]], add=True)
            return carry
        lax.fori_loop(0, JC, scat, 0)

        plsc.subcore_barrier()

        @pl.when(sid == 0)
        def _out():
            pltpu.sync_copy(acc_sh, out_hbm.at[cid])

    return sc_scatter



def _add_body(p_ref, o_ref):
    o_ref[...] = p_ref[0, :] + p_ref[1, :]


def _add_call(N):
    return pl.pallas_call(
        _add_body,
        out_shape=jax.ShapeDtypeStruct((N,), _f32),
    )



def kernel(node_score, selected_edges_l, visited_node_representation,
           rel_emb_l, query_src_ts_emb, query_rel_emb, W_proj, b_proj,
           W_ps, b_ps, Wl, bl, Wr, br, Wc, bc, max_edges):
    B = query_rel_emb.shape[0]
    E = selected_edges_l.shape[0]
    EQ = E // B
    N = node_score.shape[0]
    D = visited_node_representation.shape[1]
    DS = W_proj.shape[1]
    SDS = W_ps.shape[1]

    GIN = Wl.shape[0]

    hn, lq, rq = _prep_call(N, B, D, DS, SDS)(
        visited_node_representation, W_proj, b_proj.reshape(1, DS),
        W_ps, b_ps.reshape(1, SDS), Wl, bl.reshape(1, DS),
        Wr, br.reshape(1, DS), query_src_ts_emb, query_rel_emb)

    idx_i = selected_edges_l[:, 6]
    idx_j = selected_edges_l[:, 7]

    hnij, nsi = _sc_gather_call(N, E, DS)(
        hn, node_score, idx_i, idx_j)

    logits = _edge_call(B, EQ, D, DS, GIN)(
        rel_emb_l.reshape(B, EQ, D), hnij.reshape(B, EQ, 2 * DS),
        lq.reshape(B, 1, DS), rq.reshape(B, 1, DS), W_proj,
        b_proj.reshape(1, DS), Wl, Wr, Wc, bc.reshape(1, DS))

    pruned = _topk_call(B, EQ)(
        jnp.asarray(max_edges, jnp.int32).reshape(1),
        logits.reshape(B, EQ), nsi.reshape(B, EQ))

    JC = -(-(E // _NW) // 128)
    EPAD = _NW * JC * 128
    pv = jnp.concatenate([pruned.reshape(E),
                          jnp.zeros((EPAD - E,), _f32)])
    pj = jnp.concatenate([idx_j, jnp.zeros((EPAD - E,), jnp.int32)])

    partials = _sc_scatter_call(N, JC)(
        pv.reshape(_NW, JC, 128), pj.reshape(_NW, JC, 128))

    return _add_call(N)(partials)

# --- scband reference (transcript-rebuilt; emitter-appended) ---
"""Pipeline reference for scband-attention-flow-23819888623966 (READ-ONLY COPY).

The authoritative reference and input builder live on the scoring server;
editing this copy changes nothing except your own understanding.
"""

import jax, jax.numpy as jnp
import numpy as np


def _leaky(x):
    return jnp.where(x > 0, x, 0.01 * x)


def setup_inputs(seed: int = 0):
    key = jax.random.key(seed)
    ks = jax.random.split(key, 16)
    B, EQ, N, D, DS, SD, SDS = 64, 5000, 10000, 128, 32, 64, 16
    E = B * EQ
    GIN = 2 * DS + SDS + DS  # 112 = left/right input dims of bilinear G
    eg = jnp.repeat(jnp.arange(B, dtype=jnp.int32), EQ)
    cols = jax.random.randint(ks[0], (E, 5), 0, N, dtype=jnp.int32)
    ni = jax.random.randint(ks[1], (E,), 0, N, dtype=jnp.int32)
    nj = jax.random.randint(ks[2], (E,), 0, N, dtype=jnp.int32)
    edges = jnp.concatenate([eg[:, None], cols, ni[:, None], nj[:, None]], axis=1)
    inp = {
        "node_score": jax.random.uniform(ks[3], (N,), dtype=jnp.float32),
        "selected_edges_l": edges,
        "visited_node_representation": jax.random.normal(ks[4], (N, D), dtype=jnp.float32),
        "rel_emb_l": jax.random.normal(ks[5], (E, D), dtype=jnp.float32),
        "query_src_ts_emb": jax.random.normal(ks[6], (B, SD), dtype=jnp.float32),
        "query_rel_emb": jax.random.normal(ks[7], (B, D), dtype=jnp.float32),
        "W_proj": jax.random.normal(ks[8], (D, DS), dtype=jnp.float32) * np.sqrt(2.0 / D),
        "b_proj": jnp.zeros((DS,), dtype=jnp.float32),
        "W_ps": jax.random.normal(ks[9], (SD, SDS), dtype=jnp.float32) * np.sqrt(2.0 / SD),
        "b_ps": jnp.zeros((SDS,), dtype=jnp.float32),
        "Wl": jax.random.normal(ks[10], (GIN, DS), dtype=jnp.float32) * np.sqrt(2.0 / GIN),
        "bl": jnp.zeros((DS,), dtype=jnp.float32),
        "Wr": jax.random.normal(ks[11], (GIN, DS), dtype=jnp.float32) * np.sqrt(2.0 / GIN),
        "br": jnp.zeros((DS,), dtype=jnp.float32),
        "Wc": jax.random.normal(ks[12], (DS, DS), dtype=jnp.float32) * np.sqrt(2.0 / DS),
        "bc": jnp.zeros((DS,), dtype=jnp.float32),
        "max_edges": 200,
    }
    return inp


def reference(node_score, selected_edges_l, visited_node_representation, rel_emb_l, query_src_ts_emb, query_rel_emb, W_proj, b_proj, W_ps, b_ps, Wl, bl, Wr, br, Wc, bc, max_edges):
    B = query_rel_emb.shape[0]
    E = selected_edges_l.shape[0]
    EQ = E // B
    N = node_score.shape[0]
    eg = selected_edges_l[:, 0]
    idx_i = selected_edges_l[:, 6]
    idx_j = selected_edges_l[:, 7]
    # context_dim_red
    query_src_ts_vec = query_src_ts_emb @ W_ps + b_ps
    query_rel_vec = query_rel_emb @ W_proj + b_proj
    # cal_attention_score: project gathered node states and per-edge relation embeddings
    hidden_vi = visited_node_representation[idx_i] @ W_proj + b_proj
    hidden_vj = visited_node_representation[idx_j] @ W_proj + b_proj
    rel = rel_emb_l @ W_proj + b_proj
    qsv = query_src_ts_vec[eg]
    qrv = query_rel_vec[eg]
    left = jnp.concatenate([hidden_vi, rel, qsv, qrv], axis=-1)
    right = jnp.concatenate([hidden_vj, rel, qsv, qrv], axis=-1)
    # bilinear G: sum(LeakyReLU(L Wl) * (LeakyReLU(R Wr) Wc), -1)
    transition_logits = jnp.sum(_leaky(left @ Wl + bl) * (_leaky(right @ Wr + br) @ Wc + bc), axis=-1)
    logits2d = transition_logits.reshape(B, EQ)
    # per-query softmax over the attended-from horizon, scaled by source node score
    att = jax.nn.softmax(logits2d, axis=-1) * node_score[idx_i].reshape(B, EQ)
    # _topk_att_score: keep top max_edges attention scores per query (top-k masking)
    sorted_desc = jnp.sort(att, axis=-1)[:, ::-1]
    kidx = jnp.broadcast_to(jnp.asarray(max_edges - 1, dtype=jnp.int32), (B, 1))
    thresh = jnp.take_along_axis(sorted_desc, kidx, axis=-1)
    pruned = jnp.where(att >= thresh, att, 0.0)
    # node_score_aggregation='sum': scatter-add pruned scores onto destination nodes
    new_node_score = jax.ops.segment_sum(pruned.reshape(-1), idx_j, num_segments=N)
    return new_node_score

if __name__ == "__main__":
    import jax
    _d = setup_inputs()
    print(jax.jit(kernel)(*tuple(_d.values())))

</pallas_src>

<mosaic_0001>
#map = affine_map<(d0, d1) -> (0, 0)>
#map1 = affine_map<(d0, d1) -> (0)>
module attributes {stable_mosaic.version = 14 : i64} {
  func.func @sc_gather(%arg0: i32, %arg1: i32, %arg2: memref<10000x32xf32, #tpu.memory_space<hbm>>, %arg3: memref<10000xf32, #tpu.memory_space<hbm>>, %arg4: memref<320000xi32, #tpu.memory_space<hbm>>, %arg5: memref<320000xi32, #tpu.memory_space<hbm>>, %arg6: memref<320000x64xf32, #tpu.memory_space<hbm>>, %arg7: memref<320000xf32, #tpu.memory_space<hbm>>, %arg8: memref<10000xi32, #tpu.memory_space<vmem>>, %arg9: memref<2000x32xf32, #tpu.memory_space<vmem>>, %arg10: memref<10000xf32, #tpu.memory_space<vmem>>, %arg11: memref<!tpu.dma_semaphore, #tpu.memory_space<semaphore_mem>>) attributes {dimension_semantics = [#tpu.dimension_semantics<core_parallel>, #tpu.dimension_semantics<subcore_parallel>], iteration_bounds = array<i64: 2, 16>, scalar_prefetch = 0 : i64, scratch_operands = 4 : i64, tpu.core_type = #tpu.core_type<sc_vector_subcore>, window_params = [{transform_indices = #map}, {transform_indices = #map1}, {transform_indices = #map1}, {transform_indices = #map1}, {transform_indices = #map}, {transform_indices = #map1}]} {
    %mul3A = arith.constant 2 : i32
    %mul3A_0 = arith.muli %arg1, %mul3A : i32
    %add3A = arith.addi %mul3A_0, %arg0 : i32
    %mul3A_1 = arith.constant 10000 : i32
    %mul3A_2 = arith.muli %add3A, %mul3A_1 : i32
    "tpu.region"() ({
      %run_scoped3A = tpu.sem_alloc : memref<!tpu.dma_semaphore, #tpu.memory_space<semaphore_mem>>
      %dma_start3A = tpu.memref_slice %arg4[%mul3A_2] : memref<320000xi32, #tpu.memory_space<hbm>> -> memref<10000xi32, #tpu.memory_space<hbm>>
      %dma_start3A_142 = tpu.memref_slice %arg4[%mul3A_2] : memref<320000xi32, #tpu.memory_space<hbm>> -> memref<10000xi32, #tpu.memory_space<hbm>>
      tpu.enqueue_dma source(%dma_start3A_142 : memref<10000xi32, #tpu.memory_space<hbm>>) target(%arg8 : memref<10000xi32, #tpu.memory_space<vmem>>) target_semaphore(%run_scoped3A : memref<!tpu.dma_semaphore, #tpu.memory_space<semaphore_mem>>)
      %dma_wait3A = tpu.memref_slice %arg4[%mul3A_2] : memref<320000xi32, #tpu.memory_space<hbm>> -> memref<10000xi32, #tpu.memory_space<hbm>>
      %dma_wait3A_143 = tpu.memref_slice %arg4[%mul3A_2] : memref<320000xi32, #tpu.memory_space<hbm>> -> memref<10000xi32, #tpu.memory_space<hbm>>
      tpu.wait_dma2 semaphore(%run_scoped3A : memref<!tpu.dma_semaphore, #tpu.memory_space<semaphore_mem>>) src(%dma_wait3A_143 : memref<10000xi32, #tpu.memory_space<hbm>>) dst(%arg8 : memref<10000xi32, #tpu.memory_space<vmem>>)
      tpu.yield
    }) : () -> ()
    %scan3A = arith.constant 0 : i32
    %scan3A_3 = arith.constant 0 : i32
    %scan3A_4 = arith.constant 25 : i32
    %scan3A_5 = arith.addi %scan3A_3, %scan3A_4 : i32
    %scan3A_6 = arith.constant 1 : i32
    scf.for %scan3A_142 = %scan3A_3 to %scan3A_5 step %scan3A_6  : i32 {
      %mul3A_143 = arith.constant 80 : i32
      %mul3A_144 = arith.muli %scan3A_142, %mul3A_143 : i32
      %add3A_145 = arith.constant 0 : i32
      %add3A_146 = arith.addi %add3A_145, %mul3A_144 : i32
      %mul3A_147 = arith.constant 80 : i32
      %mul3A_148 = arith.muli %scan3A_142, %mul3A_147 : i32
      %dma_start3A = arith.constant 0 : i32
      %dma_start3A_149 = tpu.memref_slice %arg9[%mul3A_148, %dma_start3A] : memref<2000x32xf32, #tpu.memory_space<vmem>> -> memref<80x32xf32, #tpu.memory_space<vmem>>
      %dma_start3A_150 = tpu.memref_slice %arg8[%add3A_146] : memref<10000xi32, #tpu.memory_space<vmem>> -> memref<80xi32, #tpu.memory_space<vmem>>
      %dma_start3A_151 = arith.constant 0 : i32
      %dma_start3A_152 = arith.constant 0 : i32
      %dma_start3A_153 = tpu.memref_slice %arg2[%dma_start3A_151, %dma_start3A_152] : memref<10000x32xf32, #tpu.memory_space<hbm>> -> memref<10000x32xf32, #tpu.memory_space<hbm>>
      tpu.enqueue_indirect_dma source(%dma_start3A_153 : memref<10000x32xf32, #tpu.memory_space<hbm>>) target(%dma_start3A_149 : memref<80x32xf32, #tpu.memory_space<vmem>>) offsets(%dma_start3A_150 : memref<80xi32, #tpu.memory_space<vmem>>) semaphore(%arg11 : memref<!tpu.dma_semaphore, #tpu.memory_space<semaphore_mem>>)
      %mul3A_154 = arith.constant 80 : i32
      %mul3A_155 = arith.muli %scan3A_142, %mul3A_154 : i32
      %add3A_156 = arith.constant 0 : i32
      %add3A_157 = arith.addi %add3A_156, %mul3A_155 : i32
      %mul3A_158 = arith.constant 80 : i32
      %mul3A_159 = arith.muli %scan3A_142, %mul3A_158 : i32
      %add3A_160 = arith.constant 0 : i32
      %add3A_161 = arith.addi %add3A_160, %mul3A_159 : i32
      %dma_start3A_162 = tpu.memref_slice %arg10[%add3A_161] : memref<10000xf32, #tpu.memory_space<vmem>> -> memref<80xf32, #tpu.memory_space<vmem>>
      %dma_start3A_163 = tpu.memref_slice %arg8[%add3A_157] : memref<10000xi32, #tpu.memory_space<vmem>> -> memref<80xi32, #tpu.memory_space<vmem>>
      %dma_start3A_164 = arith.constant 0 : i32
      %dma_start3A_165 = tpu.memref_slice %arg3[%dma_start3A_164] : memref<10000xf32, #tpu.memory_space<hbm>> -> memref<10000xf32, #tpu.memory_space<hbm>>
      tpu.enqueue_indirect_dma source(%dma_start3A_165 : memref<10000xf32, #tpu.memory_space<hbm>>) target(%dma_start3A_162 : memref<80xf32, #tpu.memory_space<vmem>>) offsets(%dma_start3A_163 : memref<80xi32, #tpu.memory_space<vmem>>) semaphore(%arg11 : memref<!tpu.dma_semaphore, #tpu.memory_space<semaphore_mem>>)
    }
    %scan3A_7 = arith.constant 25 : i32
    %scan3A_8 = arith.constant 0 : i32
    %scan3A_9 = arith.constant 0 : i32
    %scan3A_10 = arith.constant 25 : i32
    %scan3A_11 = arith.addi %scan3A_9, %scan3A_10 : i32
    %scan3A_12 = arith.constant 1 : i32
    scf.for %scan3A_142 = %scan3A_9 to %scan3A_11 step %scan3A_12  : i32 {
      %mul3A_143 = arith.constant 80 : i32
      %mul3A_144 = arith.muli %scan3A_142, %mul3A_143 : i32
      %add3A_145 = arith.constant 0 : i32
      %add3A_146 = arith.addi %add3A_145, %mul3A_144 : i32
      %mul3A_147 = arith.constant 80 : i32
      %mul3A_148 = arith.muli %scan3A_142, %mul3A_147 : i32
      %dma_wait3A = arith.constant 0 : i32
      %dma_wait3A_149 = tpu.memref_slice %arg9[%mul3A_148, %dma_wait3A] : memref<2000x32xf32, #tpu.memory_space<vmem>> -> memref<80x32xf32, #tpu.memory_space<vmem>>
      %dma_wait3A_150 = tpu.memref_slice %arg8[%add3A_146] : memref<10000xi32, #tpu.memory_space<vmem>> -> memref<80xi32, #tpu.memory_space<vmem>>
      %dma_wait3A_151 = arith.constant 0 : i32
      %dma_wait3A_152 = arith.constant 0 : i32
      %dma_wait3A_153 = tpu.memref_slice %arg2[%dma_wait3A_151, %dma_wait3A_152] : memref<10000x32xf32, #tpu.memory_space<hbm>> -> memref<10000x32xf32, #tpu.memory_space<hbm>>
      tpu.wait_indirect_dma semaphore(%arg11 : memref<!tpu.dma_semaphore, #tpu.memory_space<semaphore_mem>>) src(%dma_wait3A_153 : memref<10000x32xf32, #tpu.memory_space<hbm>>) dst(%dma_wait3A_149 : memref<80x32xf32, #tpu.memory_space<vmem>>)
      %mul3A_154 = arith.constant 80 : i32
      %mul3A_155 = arith.muli %scan3A_142, %mul3A_154 : i32
      %add3A_156 = arith.constant 0 : i32
      %add3A_157 = arith.addi %add3A_156, %mul3A_155 : i32
      %mul3A_158 = arith.constant 80 : i32
      %mul3A_159 = arith.muli %scan3A_142, %mul3A_158 : i32
      %add3A_160 = arith.constant 0 : i32
      %add3A_161 = arith.addi %add3A_160, %mul3A_159 : i32
      %dma_wait3A_162 = tpu.memref_slice %arg10[%add3A_161] : memref<10000xf32, #tpu.memory_space<vmem>> -> memref<80xf32, #tpu.memory_space<vmem>>
      %dma_wait3A_163 = tpu.memref_slice %arg8[%add3A_157] : memref<10000xi32, #tpu.memory_space<vmem>> -> memref<80xi32, #tpu.memory_space<vmem>>
      %dma_wait3A_164 = arith.constant 0 : i32
      %dma_wait3A_165 = tpu.memref_slice %arg3[%dma_wait3A_164] : memref<10000xf32, #tpu.memory_space<hbm>> -> memref<10000xf32, #tpu.memory_space<hbm>>
      tpu.wait_indirect_dma semaphore(%arg11 : memref<!tpu.dma_semaphore, #tpu.memory_space<semaphore_mem>>) src(%dma_wait3A_165 : memref<10000xf32, #tpu.memory_space<hbm>>) dst(%dma_wait3A_162 : memref<80xf32, #tpu.memory_space<vmem>>)
    }
    %scan3A_13 = arith.constant 25 : i32
    %add3A_14 = arith.constant 0 : i32
    %add3A_15 = arith.addi %mul3A_2, %add3A_14 : i32
    "tpu.region"() ({
      %run_scoped3A = tpu.sem_alloc : memref<!tpu.dma_semaphore, #tpu.memory_space<semaphore_mem>>
      %dma_start3A = arith.constant 0 : i32
      %dma_start3A_142 = tpu.memref_slice %arg6[%add3A_15, %dma_start3A] : memref<320000x64xf32, #tpu.memory_space<hbm>> -> memref<2000x32xf32, #tpu.memory_space<hbm>>
      %dma_start3A_143 = arith.constant 0 : i32
      %dma_start3A_144 = tpu.memref_slice %arg6[%add3A_15, %dma_start3A_143] : memref<320000x64xf32, #tpu.memory_space<hbm>> -> memref<2000x32xf32, #tpu.memory_space<hbm>>
      tpu.enqueue_dma source(%arg9 : memref<2000x32xf32, #tpu.memory_space<vmem>>) target(%dma_start3A_144 : memref<2000x32xf32, #tpu.memory_space<hbm>>) target_semaphore(%run_scoped3A : memref<!tpu.dma_semaphore, #tpu.memory_space<semaphore_mem>>)
      %dma_wait3A = arith.constant 0 : i32
      %dma_wait3A_145 = tpu.memref_slice %arg6[%add3A_15, %dma_wait3A] : memref<320000x64xf32, #tpu.memory_space<hbm>> -> memref<2000x32xf32, #tpu.memory_space<hbm>>
      %dma_wait3A_146 = arith.constant 0 : i32
      %dma_wait3A_147 = tpu.memref_slice %arg6[%add3A_15, %dma_wait3A_146] : memref<320000x64xf32, #tpu.memory_space<hbm>> -> memref<2000x32xf32, #tpu.memory_space<hbm>>
      tpu.wait_dma2 semaphore(%run_scoped3A : memref<!tpu.dma_semaphore, #tpu.memory_space<semaphore_mem>>) src(%arg9 : memref<2000x32xf32, #tpu.memory_space<vmem>>) dst(%dma_wait3A_147 : memref<2000x32xf32, #tpu.memory_space<hbm>>)
      tpu.yield
    }) : () -> ()
    %scan3A_16 = arith.constant 0 : i32
    %scan3A_17 = arith.constant 0 : i32
    %scan3A_18 = arith.constant 25 : i32
    %scan3A_19 = arith.addi %scan3A_17, %scan3A_18 : i32
    %scan3A_20 = arith.constant 1 : i32
    scf.for %scan3A_142 = %scan3A_17 to %scan3A_19 step %scan3A_20  : i32 {
      %mul3A_143 = arith.constant 80 : i32
      %mul3A_144 = arith.muli %scan3A_142, %mul3A_143 : i32
      %add3A_145 = arith.constant 2000 : i32
      %add3A_146 = arith.addi %add3A_145, %mul3A_144 : i32
      %mul3A_147 = arith.constant 80 : i32
      %mul3A_148 = arith.muli %scan3A_142, %mul3A_147 : i32
      %dma_start3A = arith.constant 0 : i32
      %dma_start3A_149 = tpu.memref_slice %arg9[%mul3A_148, %dma_start3A] : memref<2000x32xf32, #tpu.memory_space<vmem>> -> memref<80x32xf32, #tpu.memory_space<vmem>>
      %dma_start3A_150 = tpu.memref_slice %arg8[%add3A_146] : memref<10000xi32, #tpu.memory_space<vmem>> -> memref<80xi32, #tpu.memory_space<vmem>>
      %dma_start3A_151 = arith.constant 0 : i32
      %dma_start3A_152 = arith.constant 0 : i32
      %dma_start3A_153 = tpu.memref_slice %arg2[%dma_start3A_151, %dma_start3A_152] : memref<10000x32xf32, #tpu.memory_space<hbm>> -> memref<10000x32xf32, #tpu.memory_space<hbm>>
      tpu.enqueue_indirect_dma source(%dma_start3A_153 : memref<10000x32xf32, #tpu.memory_space<hbm>>) target(%dma_start3A_149 : memref<80x32xf32, #tpu.memory_space<vmem>>) offsets(%dma_start3A_150 : memref<80xi32, #tpu.memory_space<vmem>>) semaphore(%arg11 : memref<!tpu.dma_semaphore, #tpu.memory_space<semaphore_mem>>)
      %mul3A_154 = arith.constant 80 : i32
      %mul3A_155 = arith.muli %scan3A_142, %mul3A_154 : i32
      %add3A_156 = arith.constant 2000 : i32
      %add3A_157 = arith.addi %add3A_156, %mul3A_155 : i32
      %mul3A_158 = arith.constant 80 : i32
      %mul3A_159 = arith.muli %scan3A_142, %mul3A_158 : i32
      %add3A_160 = arith.constant 2000 : i32
      %add3A_161 = arith.addi %add3A_160, %mul3A_159 : i32
      %dma_start3A_162 = tpu.memref_slice %arg10[%add3A_161] : memref<10000xf32, #tpu.memory_space<vmem>> -> memref<80xf32, #tpu.memory_space<vmem>>
      %dma_start3A_163 = tpu.memref_slice %arg8[%add3A_157] : memref<10000xi32, #tpu.memory_space<vmem>> -> memref<80xi32, #tpu.memory_space<vmem>>
      %dma_start3A_164 = arith.constant 0 : i32
      %dma_start3A_165 = tpu.memref_slice %arg3[%dma_start3A_164] : memref<10000xf32, #tpu.memory_space<hbm>> -> memref<10000xf32, #tpu.memory_space<hbm>>
      tpu.enqueue_indirect_dma source(%dma_start3A_165 : memref<10000xf32, #tpu.memory_space<hbm>>) target(%dma_start3A_162 : memref<80xf32, #tpu.memory_space<vmem>>) offsets(%dma_start3A_163 : memref<80xi32, #tpu.memory_space<vmem>>) semaphore(%arg11 : memref<!tpu.dma_semaphore, #tpu.memory_space<semaphore_mem>>)
    }
    %scan3A_21 = arith.constant 25 : i32
    %scan3A_22 = arith.constant 0 : i32
    %scan3A_23 = arith.constant 0 : i32
    %scan3A_24 = arith.constant 25 : i32
    %scan3A_25 = arith.addi %scan3A_23, %scan3A_24 : i32
    %scan3A_26 = arith.constant 1 : i32
    scf.for %scan3A_142 = %scan3A_23 to %scan3A_25 step %scan3A_26  : i32 {
      %mul3A_143 = arith.constant 80 : i32
      %mul3A_144 = arith.muli %scan3A_142, %mul3A_143 : i32
      %add3A_145 = arith.constant 2000 : i32
      %add3A_146 = arith.addi %add3A_145, %mul3A_144 : i32
      %mul3A_147 = arith.constant 80 : i32
      %mul3A_148 = arith.muli %scan3A_142, %mul3A_147 : i32
      %dma_wait3A = arith.constant 0 : i32
      %dma_wait3A_149 = tpu.memref_slice %arg9[%mul3A_148, %dma_wait3A] : memref<2000x32xf32, #tpu.memory_space<vmem>> -> memref<80x32xf32, #tpu.memory_space<vmem>>
      %dma_wait3A_150 = tpu.memref_slice %arg8[%add3A_146] : memref<10000xi32, #tpu.memory_space<vmem>> -> memref<80xi32, #tpu.memory_space<vmem>>
      %dma_wait3A_151 = arith.constant 0 : i32
      %dma_wait3A_152 = arith.constant 0 : i32
      %dma_wait3A_153 = tpu.memref_slice %arg2[%dma_wait3A_151, %dma_wait3A_152] : memref<10000x32xf32, #tpu.memory_space<hbm>> -> memref<10000x32xf32, #tpu.memory_space<hbm>>
      tpu.wait_indirect_dma semaphore(%arg11 : memref<!tpu.dma_semaphore, #tpu.memory_space<semaphore_mem>>) src(%dma_wait3A_153 : memref<10000x32xf32, #tpu.memory_space<hbm>>) dst(%dma_wait3A_149 : memref<80x32xf32, #tpu.memory_space<vmem>>)
      %mul3A_154 = arith.constant 80 : i32
      %mul3A_155 = arith.muli %scan3A_142, %mul3A_154 : i32
      %add3A_156 = arith.constant 2000 : i32
      %add3A_157 = arith.addi %add3A_156, %mul3A_155 : i32
      %mul3A_158 = arith.constant 80 : i32
      %mul3A_159 = arith.muli %scan3A_142, %mul3A_158 : i32
      %add3A_160 = arith.constant 2000 : i32
      %add3A_161 = arith.addi %add3A_160, %mul3A_159 : i32
      %dma_wait3A_162 = tpu.memref_slice %arg10[%add3A_161] : memref<10000xf32, #tpu.memory_space<vmem>> -> memref<80xf32, #tpu.memory_space<vmem>>
      %dma_wait3A_163 = tpu.memref_slice %arg8[%add3A_157] : memref<10000xi32, #tpu.memory_space<vmem>> -> memref<80xi32, #tpu.memory_space<vmem>>
      %dma_wait3A_164 = arith.constant 0 : i32
      %dma_wait3A_165 = tpu.memref_slice %arg3[%dma_wait3A_164] : memref<10000xf32, #tpu.memory_space<hbm>> -> memref<10000xf32, #tpu.memory_space<hbm>>
      tpu.wait_indirect_dma semaphore(%arg11 : memref<!tpu.dma_semaphore, #tpu.memory_space<semaphore_mem>>) src(%dma_wait3A_165 : memref<10000xf32, #tpu.memory_space<hbm>>) dst(%dma_wait3A_162 : memref<80xf32, #tpu.memory_space<vmem>>)
    }
    %scan3A_27 = arith.constant 25 : i32
    %add3A_28 = arith.constant 2000 : i32
    %add3A_29 = arith.addi %mul3A_2, %add3A_28 : i32
    "tpu.region"() ({
      %run_scoped3A = tpu.sem_alloc : memref<!tpu.dma_semaphore, #tpu.memory_space<semaphore_mem>>
      %dma_start3A = arith.constant 0 : i32
      %dma_start3A_142 = tpu.memref_slice %arg6[%add3A_29, %dma_start3A] : memref<320000x64xf32, #tpu.memory_space<hbm>> -> memref<2000x32xf32, #tpu.memory_space<hbm>>
      %dma_start3A_143 = arith.constant 0 : i32
      %dma_start3A_144 = tpu.memref_slice %arg6[%add3A_29, %dma_start3A_143] : memref<320000x64xf32, #tpu.memory_space<hbm>> -> memref<2000x32xf32, #tpu.memory_space<hbm>>
      tpu.enqueue_dma source(%arg9 : memref<2000x32xf32, #tpu.memory_space<vmem>>) target(%dma_start3A_144 : memref<2000x32xf32, #tpu.memory_space<hbm>>) target_semaphore(%run_scoped3A : memref<!tpu.dma_semaphore, #tpu.memory_space<semaphore_mem>>)
      %dma_wait3A = arith.constant 0 : i32
      %dma_wait3A_145 = tpu.memref_slice %arg6[%add3A_29, %dma_wait3A] : memref<320000x64xf32, #tpu.memory_space<hbm>> -> memref<2000x32xf32, #tpu.memory_space<hbm>>
      %dma_wait3A_146 = arith.constant 0 : i32
      %dma_wait3A_147 = tpu.memref_slice %arg6[%add3A_29, %dma_wait3A_146] : memref<320000x64xf32, #tpu.memory_space<hbm>> -> memref<2000x32xf32, #tpu.memory_space<hbm>>
      tpu.wait_dma2 semaphore(%run_scoped3A : memref<!tpu.dma_semaphore, #tpu.memory_space<semaphore_mem>>) src(%arg9 : memref<2000x32xf32, #tpu.memory_space<vmem>>) dst(%dma_wait3A_147 : memref<2000x32xf32, #tpu.memory_space<hbm>>)
      tpu.yield
    }) : () -> ()
    %scan3A_30 = arith.constant 0 : i32
    %scan3A_31 = arith.constant 0 : i32
    %scan3A_32 = arith.constant 25 : i32
    %scan3A_33 = arith.addi %scan3A_31, %scan3A_32 : i32
    %scan3A_34 = arith.constant 1 : i32
    scf.for %scan3A_142 = %scan3A_31 to %scan3A_33 step %scan3A_34  : i32 {
      %mul3A_143 = arith.constant 80 : i32
      %mul3A_144 = arith.muli %scan3A_142, %mul3A_143 : i32
      %add3A_145 = arith.constant 4000 : i32
      %add3A_146 = arith.addi %add3A_145, %mul3A_144 : i32
      %mul3A_147 = arith.constant 80 : i32
      %mul3A_148 = arith.muli %scan3A_142, %mul3A_147 : i32
      %dma_start3A = arith.constant 0 : i32
      %dma_start3A_149 = tpu.memref_slice %arg9[%mul3A_148, %dma_start3A] : memref<2000x32xf32, #tpu.memory_space<vmem>> -> memref<80x32xf32, #tpu.memory_space<vmem>>
      %dma_start3A_150 = tpu.memref_slice %arg8[%add3A_146] : memref<10000xi32, #tpu.memory_space<vmem>> -> memref<80xi32, #tpu.memory_space<vmem>>
      %dma_start3A_151 = arith.constant 0 : i32
      %dma_start3A_152 = arith.constant 0 : i32
      %dma_start3A_153 = tpu.memref_slice %arg2[%dma_start3A_151, %dma_start3A_152] : memref<10000x32xf32, #tpu.memory_space<hbm>> -> memref<10000x32xf32, #tpu.memory_space<hbm>>
      tpu.enqueue_indirect_dma source(%dma_start3A_153 : memref<10000x32xf32, #tpu.memory_space<hbm>>) target(%dma_start3A_149 : memref<80x32xf32, #tpu.memory_space<vmem>>) offsets(%dma_start3A_150 : memref<80xi32, #tpu.memory_space<vmem>>) semaphore(%arg11 : memref<!tpu.dma_semaphore, #tpu.memory_space<semaphore_mem>>)
      %mul3A_154 = arith.constant 80 : i32
      %mul3A_155 = arith.muli %scan3A_142, %mul3A_154 : i32
      %add3A_156 = arith.constant 4000 : i32
      %add3A_157 = arith.addi %add3A_156, %mul3A_155 : i32
      %mul3A_158 = arith.constant 80 : i32
      %mul3A_159 = arith.muli %scan3A_142, %mul3A_158 : i32
      %add3A_160 = arith.constant 4000 : i32
      %add3A_161 = arith.addi %add3A_160, %mul3A_159 : i32
      %dma_start3A_162 = tpu.memref_slice %arg10[%add3A_161] : memref<10000xf32, #tpu.memory_space<vmem>> -> memref<80xf32, #tpu.memory_space<vmem>>
      %dma_start3A_163 = tpu.memref_slice %arg8[%add3A_157] : memref<10000xi32, #tpu.memory_space<vmem>> -> memref<80xi32, #tpu.memory_space<vmem>>
      %dma_start3A_164 = arith.constant 0 : i32
      %dma_start3A_165 = tpu.memref_slice %arg3[%dma_start3A_164] : memref<10000xf32, #tpu.memory_space<hbm>> -> memref<10000xf32, #tpu.memory_space<hbm>>
      tpu.enqueue_indirect_dma source(%dma_start3A_165 : memref<10000xf32, #tpu.memory_space<hbm>>) target(%dma_start3A_162 : memref<80xf32, #tpu.memory_space<vmem>>) offsets(%dma_start3A_163 : memref<80xi32, #tpu.memory_space<vmem>>) semaphore(%arg11 : memref<!tpu.dma_semaphore, #tpu.memory_space<semaphore_mem>>)
    }
    %scan3A_35 = arith.constant 25 : i32
    %scan3A_36 = arith.constant 0 : i32
    %scan3A_37 = arith.constant 0 : i32
    %scan3A_38 = arith.constant 25 : i32
    %scan3A_39 = arith.addi %scan3A_37, %scan3A_38 : i32
    %scan3A_40 = arith.constant 1 : i32
    scf.for %scan3A_142 = %scan3A_37 to %scan3A_39 step %scan3A_40  : i32 {
      %mul3A_143 = arith.constant 80 : i32
      %mul3A_144 = arith.muli %scan3A_142, %mul3A_143 : i32
      %add3A_145 = arith.constant 4000 : i32
      %add3A_146 = arith.addi %add3A_145, %mul3A_144 : i32
      %mul3A_147 = arith.constant 80 : i32
      %mul3A_148 = arith.muli %scan3A_142, %mul3A_147 : i32
      %dma_wait3A = arith.constant 0 : i32
      %dma_wait3A_149 = tpu.memref_slice %arg9[%mul3A_148, %dma_wait3A] : memref<2000x32xf32, #tpu.memory_space<vmem>> -> memref<80x32xf32, #tpu.memory_space<vmem>>
      %dma_wait3A_150 = tpu.memref_slice %arg8[%add3A_146] : memref<10000xi32, #tpu.memory_space<vmem>> -> memref<80xi32, #tpu.memory_space<vmem>>
      %dma_wait3A_151 = arith.constant 0 : i32
      %dma_wait3A_152 = arith.constant 0 : i32
      %dma_wait3A_153 = tpu.memref_slice %arg2[%dma_wait3A_151, %dma_wait3A_152] : memref<10000x32xf32, #tpu.memory_space<hbm>> -> memref<10000x32xf32, #tpu.memory_space<hbm>>
      tpu.wait_indirect_dma semaphore(%arg11 : memref<!tpu.dma_semaphore, #tpu.memory_space<semaphore_mem>>) src(%dma_wait3A_153 : memref<10000x32xf32, #tpu.memory_space<hbm>>) dst(%dma_wait3A_149 : memref<80x32xf32, #tpu.memory_space<vmem>>)
      %mul3A_154 = arith.constant 80 : i32
      %mul3A_155 = arith.muli %scan3A_142, %mul3A_154 : i32
      %add3A_156 = arith.constant 4000 : i32
      %add3A_157 = arith.addi %add3A_156, %mul3A_155 : i32
      %mul3A_158 = arith.constant 80 : i32
      %mul3A_159 = arith.muli %scan3A_142, %mul3A_158 : i32
      %add3A_160 = arith.constant 4000 : i32
      %add3A_161 = arith.addi %add3A_160, %mul3A_159 : i32
      %dma_wait3A_162 = tpu.memref_slice %arg10[%add3A_161] : memref<10000xf32, #tpu.memory_space<vmem>> -> memref<80xf32, #tpu.memory_space<vmem>>
      %dma_wait3A_163 = tpu.memref_slice %arg8[%add3A_157] : memref<10000xi32, #tpu.memory_space<vmem>> -> memref<80xi32, #tpu.memory_space<vmem>>
      %dma_wait3A_164 = arith.constant 0 : i32
      %dma_wait3A_165 = tpu.memref_slice %arg3[%dma_wait3A_164] : memref<10000xf32, #tpu.memory_space<hbm>> -> memref<10000xf32, #tpu.memory_space<hbm>>
      tpu.wait_indirect_dma semaphore(%arg11 : memref<!tpu.dma_semaphore, #tpu.memory_space<semaphore_mem>>) src(%dma_wait3A_165 : memref<10000xf32, #tpu.memory_space<hbm>>) dst(%dma_wait3A_162 : memref<80xf32, #tpu.memory_space<vmem>>)
    }
    %scan3A_41 = arith.constant 25 : i32
    %add3A_42 = arith.constant 4000 : i32
    %add3A_43 = arith.addi %mul3A_2, %add3A_42 : i32
    "tpu.region"() ({
      %run_scoped3A = tpu.sem_alloc : memref<!tpu.dma_semaphore, #tpu.memory_space<semaphore_mem>>
      %dma_start3A = arith.constant 0 : i32
      %dma_start3A_142 = tpu.memref_slice %arg6[%add3A_43, %dma_start3A] : memref<320000x64xf32, #tpu.memory_space<hbm>> -> memref<2000x32xf32, #tpu.memory_space<hbm>>
      %dma_start3A_143 = arith.constant 0 : i32
      %dma_start3A_144 = tpu.memref_slice %arg6[%add3A_43, %dma_start3A_143] : memref<320000x64xf32, #tpu.memory_space<hbm>> -> memref<2000x32xf32, #tpu.memory_space<hbm>>
      tpu.enqueue_dma source(%arg9 : memref<2000x32xf32, #tpu.memory_space<vmem>>) target(%dma_start3A_144 : memref<2000x32xf32, #tpu.memory_space<hbm>>) target_semaphore(%run_scoped3A : memref<!tpu.dma_semaphore, #tpu.memory_space<semaphore_mem>>)
      %dma_wait3A = arith.constant 0 : i32
      %dma_wait3A_145 = tpu.memref_slice %arg6[%add3A_43, %dma_wait3A] : memref<320000x64xf32, #tpu.memory_space<hbm>> -> memref<2000x32xf32, #tpu.memory_space<hbm>>
      %dma_wait3A_146 = arith.constant 0 : i32
      %dma_wait3A_147 = tpu.memref_slice %arg6[%add3A_43, %dma_wait3A_146] : memref<320000x64xf32, #tpu.memory_space<hbm>> -> memref<2000x32xf32, #tpu.memory_space<hbm>>
      tpu.wait_dma2 semaphore(%run_scoped3A : memref<!tpu.dma_semaphore, #tpu.memory_space<semaphore_mem>>) src(%arg9 : memref<2000x32xf32, #tpu.memory_space<vmem>>) dst(%dma_wait3A_147 : memref<2000x32xf32, #tpu.memory_space<hbm>>)
      tpu.yield
    }) : () -> ()
    %scan3A_44 = arith.constant 0 : i32
    %scan3A_45 = arith.constant 0 : i32
    %scan3A_46 = arith.constant 25 : i32
    %scan3A_47 = arith.addi %scan3A_45, %scan3A_46 : i32
    %scan3A_48 = arith.constant 1 : i32
    scf.for %scan3A_142 = %scan3A_45 to %scan3A_47 step %scan3A_48  : i32 {
      %mul3A_143 = arith.constant 80 : i32
      %mul3A_144 = arith.muli %scan3A_142, %mul3A_143 : i32
      %add3A_145 = arith.constant 6000 : i32
      %add3A_146 = arith.addi %add3A_145, %mul3A_144 : i32
      %mul3A_147 = arith.constant 80 : i32
      %mul3A_148 = arith.muli %scan3A_142, %mul3A_147 : i32
      %dma_start3A = arith.constant 0 : i32
      %dma_start3A_149 = tpu.memref_slice %arg9[%mul3A_148, %dma_start3A] : memref<2000x32xf32, #tpu.memory_space<vmem>> -> memref<80x32xf32, #tpu.memory_space<vmem>>
      %dma_start3A_150 = tpu.memref_slice %arg8[%add3A_146] : memref<10000xi32, #tpu.memory_space<vmem>> -> memref<80xi32, #tpu.memory_space<vmem>>
      %dma_start3A_151 = arith.constant 0 : i32
      %dma_start3A_152 = arith.constant 0 : i32
      %dma_start3A_153 = tpu.memref_slice %arg2[%dma_start3A_151, %dma_start3A_152] : memref<10000x32xf32, #tpu.memory_space<hbm>> -> memref<10000x32xf32, #tpu.memory_space<hbm>>
      tpu.enqueue_indirect_dma source(%dma_start3A_153 : memref<10000x32xf32, #tpu.memory_space<hbm>>) target(%dma_start3A_149 : memref<80x32xf32, #tpu.memory_space<vmem>>) offsets(%dma_start3A_150 : memref<80xi32, #tpu.memory_space<vmem>>) semaphore(%arg11 : memref<!tpu.dma_semaphore, #tpu.memory_space<semaphore_mem>>)
      %mul3A_154 = arith.constant 80 : i32
      %mul3A_155 = arith.muli %scan3A_142, %mul3A_154 : i32
      %add3A_156 = arith.constant 6000 : i32
      %add3A_157 = arith.addi %add3A_156, %mul3A_155 : i32
      %mul3A_158 = arith.constant 80 : i32
      %mul3A_159 = arith.muli %scan3A_142, %mul3A_158 : i32
      %add3A_160 = arith.constant 6000 : i32
      %add3A_161 = arith.addi %add3A_160, %mul3A_159 : i32
      %dma_start3A_162 = tpu.memref_slice %arg10[%add3A_161] : memref<10000xf32, #tpu.memory_space<vmem>> -> memref<80xf32, #tpu.memory_space<vmem>>
      %dma_start3A_163 = tpu.memref_slice %arg8[%add3A_157] : memref<10000xi32, #tpu.memory_space<vmem>> -> memref<80xi32, #tpu.memory_space<vmem>>
      %dma_start3A_164 = arith.constant 0 : i32
      %dma_start3A_165 = tpu.memref_slice %arg3[%dma_start3A_164] : memref<10000xf32, #tpu.memory_space<hbm>> -> memref<10000xf32, #tpu.memory_space<hbm>>
      tpu.enqueue_indirect_dma source(%dma_start3A_165 : memref<10000xf32, #tpu.memory_space<hbm>>) target(%dma_start3A_162 : memref<80xf32, #tpu.memory_space<vmem>>) offsets(%dma_start3A_163 : memref<80xi32, #tpu.memory_space<vmem>>) semaphore(%arg11 : memref<!tpu.dma_semaphore, #tpu.memory_space<semaphore_mem>>)
    }
    %scan3A_49 = arith.constant 25 : i32
    %scan3A_50 = arith.constant 0 : i32
    %scan3A_51 = arith.constant 0 : i32
    %scan3A_52 = arith.constant 25 : i32
    %scan3A_53 = arith.addi %scan3A_51, %scan3A_52 : i32
    %scan3A_54 = arith.constant 1 : i32
    scf.for %scan3A_142 = %scan3A_51 to %scan3A_53 step %scan3A_54  : i32 {
      %mul3A_143 = arith.constant 80 : i32
      %mul3A_144 = arith.muli %scan3A_142, %mul3A_143 : i32
      %add3A_145 = arith.constant 6000 : i32
      %add3A_146 = arith.addi %add3A_145, %mul3A_144 : i32
      %mul3A_147 = arith.constant 80 : i32
      %mul3A_148 = arith.muli %scan3A_142, %mul3A_147 : i32
      %dma_wait3A = arith.constant 0 : i32
      %dma_wait3A_149 = tpu.memref_slice %arg9[%mul3A_148, %dma_wait3A] : memref<2000x32xf32, #tpu.memory_space<vmem>> -> memref<80x32xf32, #tpu.memory_space<vmem>>
      %dma_wait3A_150 = tpu.memref_slice %arg8[%add3A_146] : memref<10000xi32, #tpu.memory_space<vmem>> -> memref<80xi32, #tpu.memory_space<vmem>>
      %dma_wait3A_151 = arith.constant 0 : i32
      %dma_wait3A_152 = arith.constant 0 : i32
      %dma_wait3A_153 = tpu.memref_slice %arg2[%dma_wait3A_151, %dma_wait3A_152] : memref<10000x32xf32, #tpu.memory_space<hbm>> -> memref<10000x32xf32, #tpu.memory_space<hbm>>
      tpu.wait_indirect_dma semaphore(%arg11 : memref<!tpu.dma_semaphore, #tpu.memory_space<semaphore_mem>>) src(%dma_wait3A_153 : memref<10000x32xf32, #tpu.memory_space<hbm>>) dst(%dma_wait3A_149 : memref<80x32xf32, #tpu.memory_space<vmem>>)
      %mul3A_154 = arith.constant 80 : i32
      %mul3A_155 = arith.muli %scan3A_142, %mul3A_154 : i32
      %add3A_156 = arith.constant 6000 : i32
      %add3A_157 = arith.addi %add3A_156, %mul3A_155 : i32
      %mul3A_158 = arith.constant 80 : i32
      %mul3A_159 = arith.muli %scan3A_142, %mul3A_158 : i32
      %add3A_160 = arith.constant 6000 : i32
      %add3A_161 = arith.addi %add3A_160, %mul3A_159 : i32
      %dma_wait3A_162 = tpu.memref_slice %arg10[%add3A_161] : memref<10000xf32, #tpu.memory_space<vmem>> -> memref<80xf32, #tpu.memory_space<vmem>>
      %dma_wait3A_163 = tpu.memref_slice %arg8[%add3A_157] : memref<10000xi32, #tpu.memory_space<vmem>> -> memref<80xi32, #tpu.memory_space<vmem>>
      %dma_wait3A_164 = arith.constant 0 : i32
      %dma_wait3A_165 = tpu.memref_slice %arg3[%dma_wait3A_164] : memref<10000xf32, #tpu.memory_space<hbm>> -> memref<10000xf32, #tpu.memory_space<hbm>>
      tpu.wait_indirect_dma semaphore(%arg11 : memref<!tpu.dma_semaphore, #tpu.memory_space<semaphore_mem>>) src(%dma_wait3A_165 : memref<10000xf32, #tpu.memory_space<hbm>>) dst(%dma_wait3A_162 : memref<80xf32, #tpu.memory_space<vmem>>)
    }
    %scan3A_55 = arith.constant 25 : i32
    %add3A_56 = arith.constant 6000 : i32
    %add3A_57 = arith.addi %mul3A_2, %add3A_56 : i32
    "tpu.region"() ({
      %run_scoped3A = tpu.sem_alloc : memref<!tpu.dma_semaphore, #tpu.memory_space<semaphore_mem>>
      %dma_start3A = arith.constant 0 : i32
      %dma_start3A_142 = tpu.memref_slice %arg6[%add3A_57, %dma_start3A] : memref<320000x64xf32, #tpu.memory_space<hbm>> -> memref<2000x32xf32, #tpu.memory_space<hbm>>
      %dma_start3A_143 = arith.constant 0 : i32
      %dma_start3A_144 = tpu.memref_slice %arg6[%add3A_57, %dma_start3A_143] : memref<320000x64xf32, #tpu.memory_space<hbm>> -> memref<2000x32xf32, #tpu.memory_space<hbm>>
      tpu.enqueue_dma source(%arg9 : memref<2000x32xf32, #tpu.memory_space<vmem>>) target(%dma_start3A_144 : memref<2000x32xf32, #tpu.memory_space<hbm>>) target_semaphore(%run_scoped3A : memref<!tpu.dma_semaphore, #tpu.memory_space<semaphore_mem>>)
      %dma_wait3A = arith.constant 0 : i32
      %dma_wait3A_145 = tpu.memref_slice %arg6[%add3A_57, %dma_wait3A] : memref<320000x64xf32, #tpu.memory_space<hbm>> -> memref<2000x32xf32, #tpu.memory_space<hbm>>
      %dma_wait3A_146 = arith.constant 0 : i32
      %dma_wait3A_147 = tpu.memref_slice %arg6[%add3A_57, %dma_wait3A_146] : memref<320000x64xf32, #tpu.memory_space<hbm>> -> memref<2000x32xf32, #tpu.memory_space<hbm>>
      tpu.wait_dma2 semaphore(%run_scoped3A : memref<!tpu.dma_semaphore, #tpu.memory_space<semaphore_mem>>) src(%arg9 : memref<2000x32xf32, #tpu.memory_space<vmem>>) dst(%dma_wait3A_147 : memref<2000x32xf32, #tpu.memory_space<hbm>>)
      tpu.yield
    }) : () -> ()
    %scan3A_58 = arith.constant 0 : i32
    %scan3A_59 = arith.constant 0 : i32
    %scan3A_60 = arith.constant 25 : i32
    %scan3A_61 = arith.addi %scan3A_59, %scan3A_60 : i32
    %scan3A_62 = arith.constant 1 : i32
    scf.for %scan3A_142 = %scan3A_59 to %scan3A_61 step %scan3A_62  : i32 {
      %mul3A_143 = arith.constant 80 : i32
      %mul3A_144 = arith.muli %scan3A_142, %mul3A_143 : i32
      %add3A_145 = arith.constant 8000 : i32
      %add3A_146 = arith.addi %add3A_145, %mul3A_144 : i32
      %mul3A_147 = arith.constant 80 : i32
      %mul3A_148 = arith.muli %scan3A_142, %mul3A_147 : i32
      %dma_start3A = arith.constant 0 : i32
      %dma_start3A_149 = tpu.memref_slice %arg9[%mul3A_148, %dma_start3A] : memref<2000x32xf32, #tpu.memory_space<vmem>> -> memref<80x32xf32, #tpu.memory_space<vmem>>
      %dma_start3A_150 = tpu.memref_slice %arg8[%add3A_146] : memref<10000xi32, #tpu.memory_space<vmem>> -> memref<80xi32, #tpu.memory_space<vmem>>
      %dma_start3A_151 = arith.constant 0 : i32
      %dma_start3A_152 = arith.constant 0 : i32
      %dma_start3A_153 = tpu.memref_slice %arg2[%dma_start3A_151, %dma_start3A_152] : memref<10000x32xf32, #tpu.memory_space<hbm>> -> memref<10000x32xf32, #tpu.memory_space<hbm>>
      tpu.enqueue_indirect_dma source(%dma_start3A_153 : memref<10000x32xf32, #tpu.memory_space<hbm>>) target(%dma_start3A_149 : memref<80x32xf32, #tpu.memory_space<vmem>>) offsets(%dma_start3A_150 : memref<80xi32, #tpu.memory_space<vmem>>) semaphore(%arg11 : memref<!tpu.dma_semaphore, #tpu.memory_space<semaphore_mem>>)
      %mul3A_154 = arith.constant 80 : i32
      %mul3A_155 = arith.muli %scan3A_142, %mul3A_154 : i32
      %add3A_156 = arith.constant 8000 : i32
      %add3A_157 = arith.addi %add3A_156, %mul3A_155 : i32
      %mul3A_158 = arith.constant 80 : i32
      %mul3A_159 = arith.muli %scan3A_142, %mul3A_158 : i32
      %add3A_160 = arith.constant 8000 : i32
      %add3A_161 = arith.addi %add3A_160, %mul3A_159 : i32
      %dma_start3A_162 = tpu.memref_slice %arg10[%add3A_161] : memref<10000xf32, #tpu.memory_space<vmem>> -> memref<80xf32, #tpu.memory_space<vmem>>
      %dma_start3A_163 = tpu.memref_slice %arg8[%add3A_157] : memref<10000xi32, #tpu.memory_space<vmem>> -> memref<80xi32, #tpu.memory_space<vmem>>
      %dma_start3A_164 = arith.constant 0 : i32
      %dma_start3A_165 = tpu.memref_slice %arg3[%dma_start3A_164] : memref<10000xf32, #tpu.memory_space<hbm>> -> memref<10000xf32, #tpu.memory_space<hbm>>
      tpu.enqueue_indirect_dma source(%dma_start3A_165 : memref<10000xf32, #tpu.memory_space<hbm>>) target(%dma_start3A_162 : memref<80xf32, #tpu.memory_space<vmem>>) offsets(%dma_start3A_163 : memref<80xi32, #tpu.memory_space<vmem>>) semaphore(%arg11 : memref<!tpu.dma_semaphore, #tpu.memory_space<semaphore_mem>>)
    }
    %scan3A_63 = arith.constant 25 : i32
    %scan3A_64 = arith.constant 0 : i32
    %scan3A_65 = arith.constant 0 : i32
    %scan3A_66 = arith.constant 25 : i32
    %scan3A_67 = arith.addi %scan3A_65, %scan3A_66 : i32
    %scan3A_68 = arith.constant 1 : i32
    scf.for %scan3A_142 = %scan3A_65 to %scan3A_67 step %scan3A_68  : i32 {
      %mul3A_143 = arith.constant 80 : i32
      %mul3A_144 = arith.muli %scan3A_142, %mul3A_143 : i32
      %add3A_145 = arith.constant 8000 : i32
      %add3A_146 = arith.addi %add3A_145, %mul3A_144 : i32
      %mul3A_147 = arith.constant 80 : i32
      %mul3A_148 = arith.muli %scan3A_142, %mul3A_147 : i32
      %dma_wait3A = arith.constant 0 : i32
      %dma_wait3A_149 = tpu.memref_slice %arg9[%mul3A_148, %dma_wait3A] : memref<2000x32xf32, #tpu.memory_space<vmem>> -> memref<80x32xf32, #tpu.memory_space<vmem>>
      %dma_wait3A_150 = tpu.memref_slice %arg8[%add3A_146] : memref<10000xi32, #tpu.memory_space<vmem>> -> memref<80xi32, #tpu.memory_space<vmem>>
      %dma_wait3A_151 = arith.constant 0 : i32
      %dma_wait3A_152 = arith.constant 0 : i32
      %dma_wait3A_153 = tpu.memref_slice %arg2[%dma_wait3A_151, %dma_wait3A_152] : memref<10000x32xf32, #tpu.memory_space<hbm>> -> memref<10000x32xf32, #tpu.memory_space<hbm>>
      tpu.wait_indirect_dma semaphore(%arg11 : memref<!tpu.dma_semaphore, #tpu.memory_space<semaphore_mem>>) src(%dma_wait3A_153 : memref<10000x32xf32, #tpu.memory_space<hbm>>) dst(%dma_wait3A_149 : memref<80x32xf32, #tpu.memory_space<vmem>>)
      %mul3A_154 = arith.constant 80 : i32
      %mul3A_155 = arith.muli %scan3A_142, %mul3A_154 : i32
      %add3A_156 = arith.constant 8000 : i32
      %add3A_157 = arith.addi %add3A_156, %mul3A_155 : i32
      %mul3A_158 = arith.constant 80 : i32
      %mul3A_159 = arith.muli %scan3A_142, %mul3A_158 : i32
      %add3A_160 = arith.constant 8000 : i32
      %add3A_161 = arith.addi %add3A_160, %mul3A_159 : i32
      %dma_wait3A_162 = tpu.memref_slice %arg10[%add3A_161] : memref<10000xf32, #tpu.memory_space<vmem>> -> memref<80xf32, #tpu.memory_space<vmem>>
      %dma_wait3A_163 = tpu.memref_slice %arg8[%add3A_157] : memref<10000xi32, #tpu.memory_space<vmem>> -> memref<80xi32, #tpu.memory_space<vmem>>
      %dma_wait3A_164 = arith.constant 0 : i32
      %dma_wait3A_165 = tpu.memref_slice %arg3[%dma_wait3A_164] : memref<10000xf32, #tpu.memory_space<hbm>> -> memref<10000xf32, #tpu.memory_space<hbm>>
      tpu.wait_indirect_dma semaphore(%arg11 : memref<!tpu.dma_semaphore, #tpu.memory_space<semaphore_mem>>) src(%dma_wait3A_165 : memref<10000xf32, #tpu.memory_space<hbm>>) dst(%dma_wait3A_162 : memref<80xf32, #tpu.memory_space<vmem>>)
    }
    %scan3A_69 = arith.constant 25 : i32
    %add3A_70 = arith.constant 8000 : i32
    %add3A_71 = arith.addi %mul3A_2, %add3A_70 : i32
    "tpu.region"() ({
      %run_scoped3A = tpu.sem_alloc : memref<!tpu.dma_semaphore, #tpu.memory_space<semaphore_mem>>
      %dma_start3A = arith.constant 0 : i32
      %dma_start3A_142 = tpu.memref_slice %arg6[%add3A_71, %dma_start3A] : memref<320000x64xf32, #tpu.memory_space<hbm>> -> memref<2000x32xf32, #tpu.memory_space<hbm>>
      %dma_start3A_143 = arith.constant 0 : i32
      %dma_start3A_144 = tpu.memref_slice %arg6[%add3A_71, %dma_start3A_143] : memref<320000x64xf32, #tpu.memory_space<hbm>> -> memref<2000x32xf32, #tpu.memory_space<hbm>>
      tpu.enqueue_dma source(%arg9 : memref<2000x32xf32, #tpu.memory_space<vmem>>) target(%dma_start3A_144 : memref<2000x32xf32, #tpu.memory_space<hbm>>) target_semaphore(%run_scoped3A : memref<!tpu.dma_semaphore, #tpu.memory_space<semaphore_mem>>)
      %dma_wait3A = arith.constant 0 : i32
      %dma_wait3A_145 = tpu.memref_slice %arg6[%add3A_71, %dma_wait3A] : memref<320000x64xf32, #tpu.memory_space<hbm>> -> memref<2000x32xf32, #tpu.memory_space<hbm>>
      %dma_wait3A_146 = arith.constant 0 : i32
      %dma_wait3A_147 = tpu.memref_slice %arg6[%add3A_71, %dma_wait3A_146] : memref<320000x64xf32, #tpu.memory_space<hbm>> -> memref<2000x32xf32, #tpu.memory_space<hbm>>
      tpu.wait_dma2 semaphore(%run_scoped3A : memref<!tpu.dma_semaphore, #tpu.memory_space<semaphore_mem>>) src(%arg9 : memref<2000x32xf32, #tpu.memory_space<vmem>>) dst(%dma_wait3A_147 : memref<2000x32xf32, #tpu.memory_space<hbm>>)
      tpu.yield
    }) : () -> ()
    "tpu.region"() ({
      %run_scoped3A = tpu.sem_alloc : memref<!tpu.dma_semaphore, #tpu.memory_space<semaphore_mem>>
      %dma_start3A = tpu.memref_slice %arg7[%mul3A_2] : memref<320000xf32, #tpu.memory_space<hbm>> -> memref<10000xf32, #tpu.memory_space<hbm>>
      %dma_start3A_142 = tpu.memref_slice %arg7[%mul3A_2] : memref<320000xf32, #tpu.memory_space<hbm>> -> memref<10000xf32, #tpu.memory_space<hbm>>
      tpu.enqueue_dma source(%arg10 : memref<10000xf32, #tpu.memory_space<vmem>>) target(%dma_start3A_142 : memref<10000xf32, #tpu.memory_space<hbm>>) target_semaphore(%run_scoped3A : memref<!tpu.dma_semaphore, #tpu.memory_space<semaphore_mem>>)
      %dma_wait3A = tpu.memref_slice %arg7[%mul3A_2] : memref<320000xf32, #tpu.memory_space<hbm>> -> memref<10000xf32, #tpu.memory_space<hbm>>
      %dma_wait3A_143 = tpu.memref_slice %arg7[%mul3A_2] : memref<320000xf32, #tpu.memory_space<hbm>> -> memref<10000xf32, #tpu.memory_space<hbm>>
      tpu.wait_dma2 semaphore(%run_scoped3A : memref<!tpu.dma_semaphore, #tpu.memory_space<semaphore_mem>>) src(%arg10 : memref<10000xf32, #tpu.memory_space<vmem>>) dst(%dma_wait3A_143 : memref<10000xf32, #tpu.memory_space<hbm>>)
      tpu.yield
    }) : () -> ()
    "tpu.region"() ({
      %run_scoped3A = tpu.sem_alloc : memref<!tpu.dma_semaphore, #tpu.memory_space<semaphore_mem>>
      %dma_start3A = tpu.memref_slice %arg5[%mul3A_2] : memref<320000xi32, #tpu.memory_space<hbm>> -> memref<10000xi32, #tpu.memory_space<hbm>>
      %dma_start3A_142 = tpu.memref_slice %arg5[%mul3A_2] : memref<320000xi32, #tpu.memory_space<hbm>> -> memref<10000xi32, #tpu.memory_space<hbm>>
      tpu.enqueue_dma source(%dma_start3A_142 : memref<10000xi32, #tpu.memory_space<hbm>>) target(%arg8 : memref<10000xi32, #tpu.memory_space<vmem>>) target_semaphore(%run_scoped3A : memref<!tpu.dma_semaphore, #tpu.memory_space<semaphore_mem>>)
      %dma_wait3A = tpu.memref_slice %arg5[%mul3A_2] : memref<320000xi32, #tpu.memory_space<hbm>> -> memref<10000xi32, #tpu.memory_space<hbm>>
      %dma_wait3A_143 = tpu.memref_slice %arg5[%mul3A_2] : memref<320000xi32, #tpu.memory_space<hbm>> -> memref<10000xi32, #tpu.memory_space<hbm>>
      tpu.wait_dma2 semaphore(%run_scoped3A : memref<!tpu.dma_semaphore, #tpu.memory_space<semaphore_mem>>) src(%dma_wait3A_143 : memref<10000xi32, #tpu.memory_space<hbm>>) dst(%arg8 : memref<10000xi32, #tpu.memory_space<vmem>>)
      tpu.yield
    }) : () -> ()
    %scan3A_72 = arith.constant 0 : i32
    %scan3A_73 = arith.constant 0 : i32
    %scan3A_74 = arith.constant 25 : i32
    %scan3A_75 = arith.addi %scan3A_73, %scan3A_74 : i32
    %scan3A_76 = arith.constant 1 : i32
    scf.for %scan3A_142 = %scan3A_73 to %scan3A_75 step %scan3A_76  : i32 {
      %mul3A_143 = arith.constant 80 : i32
      %mul3A_144 = arith.muli %scan3A_142, %mul3A_143 : i32
      %add3A_145 = arith.constant 0 : i32
      %add3A_146 = arith.addi %add3A_145, %mul3A_144 : i32
      %mul3A_147 = arith.constant 80 : i32
      %mul3A_148 = arith.muli %scan3A_142, %mul3A_147 : i32
      %dma_start3A = arith.constant 0 : i32
      %dma_start3A_149 = tpu.memref_slice %arg9[%mul3A_148, %dma_start3A] : memref<2000x32xf32, #tpu.memory_space<vmem>> -> memref<80x32xf32, #tpu.memory_space<vmem>>
      %dma_start3A_150 = tpu.memref_slice %arg8[%add3A_146] : memref<10000xi32, #tpu.memory_space<vmem>> -> memref<80xi32, #tpu.memory_space<vmem>>
      %dma_start3A_151 = arith.constant 0 : i32
      %dma_start3A_152 = arith.constant 0 : i32
      %dma_start3A_153 = tpu.memref_slice %arg2[%dma_start3A_151, %dma_start3A_152] : memref<10000x32xf32, #tpu.memory_space<hbm>> -> memref<10000x32xf32, #tpu.memory_space<hbm>>
      tpu.enqueue_indirect_dma source(%dma_start3A_153 : memref<10000x32xf32, #tpu.memory_space<hbm>>) target(%dma_start3A_149 : memref<80x32xf32, #tpu.memory_space<vmem>>) offsets(%dma_start3A_150 : memref<80xi32, #tpu.memory_space<vmem>>) semaphore(%arg11 : memref<!tpu.dma_semaphore, #tpu.memory_space<semaphore_mem>>)
    }
    %scan3A_77 = arith.constant 25 : i32
    %scan3A_78 = arith.constant 0 : i32
    %scan3A_79 = arith.constant 0 : i32
    %scan3A_80 = arith.constant 25 : i32
    %scan3A_81 = arith.addi %scan3A_79, %scan3A_80 : i32
    %scan3A_82 = arith.constant 1 : i32
    scf.for %scan3A_142 = %scan3A_79 to %scan3A_81 step %scan3A_82  : i32 {
      %mul3A_143 = arith.constant 80 : i32
      %mul3A_144 = arith.muli %scan3A_142, %mul3A_143 : i32
      %add3A_145 = arith.constant 0 : i32
      %add3A_146 = arith.addi %add3A_145, %mul3A_144 : i32
      %mul3A_147 = arith.constant 80 : i32
      %mul3A_148 = arith.muli %scan3A_142, %mul3A_147 : i32
      %dma_wait3A = arith.constant 0 : i32
      %dma_wait3A_149 = tpu.memref_slice %arg9[%mul3A_148, %dma_wait3A] : memref<2000x32xf32, #tpu.memory_space<vmem>> -> memref<80x32xf32, #tpu.memory_space<vmem>>
      %dma_wait3A_150 = tpu.memref_slice %arg8[%add3A_146] : memref<10000xi32, #tpu.memory_space<vmem>> -> memref<80xi32, #tpu.memory_space<vmem>>
      %dma_wait3A_151 = arith.constant 0 : i32
      %dma_wait3A_152 = arith.constant 0 : i32
      %dma_wait3A_153 = tpu.memref_slice %arg2[%dma_wait3A_151, %dma_wait3A_152] : memref<10000x32xf32, #tpu.memory_space<hbm>> -> memref<10000x32xf32, #tpu.memory_space<hbm>>
      tpu.wait_indirect_dma semaphore(%arg11 : memref<!tpu.dma_semaphore, #tpu.memory_space<semaphore_mem>>) src(%dma_wait3A_153 : memref<10000x32xf32, #tpu.memory_space<hbm>>) dst(%dma_wait3A_149 : memref<80x32xf32, #tpu.memory_space<vmem>>)
    }
    %scan3A_83 = arith.constant 25 : i32
    %add3A_84 = arith.constant 0 : i32
    %add3A_85 = arith.addi %mul3A_2, %add3A_84 : i32
    "tpu.region"() ({
      %run_scoped3A = tpu.sem_alloc : memref<!tpu.dma_semaphore, #tpu.memory_space<semaphore_mem>>
      %dma_start3A = arith.constant 32 : i32
      %dma_start3A_142 = tpu.memref_slice %arg6[%add3A_85, %dma_start3A] : memref<320000x64xf32, #tpu.memory_space<hbm>> -> memref<2000x32xf32, #tpu.memory_space<hbm>>
      %dma_start3A_143 = arith.constant 32 : i32
      %dma_start3A_144 = tpu.memref_slice %arg6[%add3A_85, %dma_start3A_143] : memref<320000x64xf32, #tpu.memory_space<hbm>> -> memref<2000x32xf32, #tpu.memory_space<hbm>>
      tpu.enqueue_dma source(%arg9 : memref<2000x32xf32, #tpu.memory_space<vmem>>) target(%dma_start3A_144 : memref<2000x32xf32, #tpu.memory_space<hbm>>) target_semaphore(%run_scoped3A : memref<!tpu.dma_semaphore, #tpu.memory_space<semaphore_mem>>)
      %dma_wait3A = arith.constant 32 : i32
      %dma_wait3A_145 = tpu.memref_slice %arg6[%add3A_85, %dma_wait3A] : memref<320000x64xf32, #tpu.memory_space<hbm>> -> memref<2000x32xf32, #tpu.memory_space<hbm>>
      %dma_wait3A_146 = arith.constant 32 : i32
      %dma_wait3A_147 = tpu.memref_slice %arg6[%add3A_85, %dma_wait3A_146] : memref<320000x64xf32, #tpu.memory_space<hbm>> -> memref<2000x32xf32, #tpu.memory_space<hbm>>
      tpu.wait_dma2 semaphore(%run_scoped3A : memref<!tpu.dma_semaphore, #tpu.memory_space<semaphore_mem>>) src(%arg9 : memref<2000x32xf32, #tpu.memory_space<vmem>>) dst(%dma_wait3A_147 : memref<2000x32xf32, #tpu.memory_space<hbm>>)
      tpu.yield
    }) : () -> ()
    %scan3A_86 = arith.constant 0 : i32
    %scan3A_87 = arith.constant 0 : i32
    %scan3A_88 = arith.constant 25 : i32
    %scan3A_89 = arith.addi %scan3A_87, %scan3A_88 : i32
    %scan3A_90 = arith.constant 1 : i32
    scf.for %scan3A_142 = %scan3A_87 to %scan3A_89 step %scan3A_90  : i32 {
      %mul3A_143 = arith.constant 80 : i32
      %mul3A_144 = arith.muli %scan3A_142, %mul3A_143 : i32
      %add3A_145 = arith.constant 2000 : i32
      %add3A_146 = arith.addi %add3A_145, %mul3A_144 : i32
      %mul3A_147 = arith.constant 80 : i32
      %mul3A_148 = arith.muli %scan3A_142, %mul3A_147 : i32
      %dma_start3A = arith.constant 0 : i32
      %dma_start3A_149 = tpu.memref_slice %arg9[%mul3A_148, %dma_start3A] : memref<2000x32xf32, #tpu.memory_space<vmem>> -> memref<80x32xf32, #tpu.memory_space<vmem>>
      %dma_start3A_150 = tpu.memref_slice %arg8[%add3A_146] : memref<10000xi32, #tpu.memory_space<vmem>> -> memref<80xi32, #tpu.memory_space<vmem>>
      %dma_start3A_151 = arith.constant 0 : i32
      %dma_start3A_152 = arith.constant 0 : i32
      %dma_start3A_153 = tpu.memref_slice %arg2[%dma_start3A_151, %dma_start3A_152] : memref<10000x32xf32, #tpu.memory_space<hbm>> -> memref<10000x32xf32, #tpu.memory_space<hbm>>
      tpu.enqueue_indirect_dma source(%dma_start3A_153 : memref<10000x32xf32, #tpu.memory_space<hbm>>) target(%dma_start3A_149 : memref<80x32xf32, #tpu.memory_space<vmem>>) offsets(%dma_start3A_150 : memref<80xi32, #tpu.memory_space<vmem>>) semaphore(%arg11 : memref<!tpu.dma_semaphore, #tpu.memory_space<semaphore_mem>>)
    }
    %scan3A_91 = arith.constant 25 : i32
    %scan3A_92 = arith.constant 0 : i32
    %scan3A_93 = arith.constant 0 : i32
    %scan3A_94 = arith.constant 25 : i32
    %scan3A_95 = arith.addi %scan3A_93, %scan3A_94 : i32
    %scan3A_96 = arith.constant 1 : i32
    scf.for %scan3A_142 = %scan3A_93 to %scan3A_95 step %scan3A_96  : i32 {
      %mul3A_143 = arith.constant 80 : i32
      %mul3A_144 = arith.muli %scan3A_142, %mul3A_143 : i32
      %add3A_145 = arith.constant 2000 : i32
      %add3A_146 = arith.addi %add3A_145, %mul3A_144 : i32
      %mul3A_147 = arith.constant 80 : i32
      %mul3A_148 = arith.muli %scan3A_142, %mul3A_147 : i32
      %dma_wait3A = arith.constant 0 : i32
      %dma_wait3A_149 = tpu.memref_slice %arg9[%mul3A_148, %dma_wait3A] : memref<2000x32xf32, #tpu.memory_space<vmem>> -> memref<80x32xf32, #tpu.memory_space<vmem>>
      %dma_wait3A_150 = tpu.memref_slice %arg8[%add3A_146] : memref<10000xi32, #tpu.memory_space<vmem>> -> memref<80xi32, #tpu.memory_space<vmem>>
      %dma_wait3A_151 = arith.constant 0 : i32
      %dma_wait3A_152 = arith.constant 0 : i32
      %dma_wait3A_153 = tpu.memref_slice %arg2[%dma_wait3A_151, %dma_wait3A_152] : memref<10000x32xf32, #tpu.memory_space<hbm>> -> memref<10000x32xf32, #tpu.memory_space<hbm>>
      tpu.wait_indirect_dma semaphore(%arg11 : memref<!tpu.dma_semaphore, #tpu.memory_space<semaphore_mem>>) src(%dma_wait3A_153 : memref<10000x32xf32, #tpu.memory_space<hbm>>) dst(%dma_wait3A_149 : memref<80x32xf32, #tpu.memory_space<vmem>>)
    }
    %scan3A_97 = arith.constant 25 : i32
    %add3A_98 = arith.constant 2000 : i32
    %add3A_99 = arith.addi %mul3A_2, %add3A_98 : i32
    "tpu.region"() ({
      %run_scoped3A = tpu.sem_alloc : memref<!tpu.dma_semaphore, #tpu.memory_space<semaphore_mem>>
      %dma_start3A = arith.constant 32 : i32
      %dma_start3A_142 = tpu.memref_slice %arg6[%add3A_99, %dma_start3A] : memref<320000x64xf32, #tpu.memory_space<hbm>> -> memref<2000x32xf32, #tpu.memory_space<hbm>>
      %dma_start3A_143 = arith.constant 32 : i32
      %dma_start3A_144 = tpu.memref_slice %arg6[%add3A_99, %dma_start3A_143] : memref<320000x64xf32, #tpu.memory_space<hbm>> -> memref<2000x32xf32, #tpu.memory_space<hbm>>
      tpu.enqueue_dma source(%arg9 : memref<2000x32xf32, #tpu.memory_space<vmem>>) target(%dma_start3A_144 : memref<2000x32xf32, #tpu.memory_space<hbm>>) target_semaphore(%run_scoped3A : memref<!tpu.dma_semaphore, #tpu.memory_space<semaphore_mem>>)
      %dma_wait3A = arith.constant 32 : i32
      %dma_wait3A_145 = tpu.memref_slice %arg6[%add3A_99, %dma_wait3A] : memref<320000x64xf32, #tpu.memory_space<hbm>> -> memref<2000x32xf32, #tpu.memory_space<hbm>>
      %dma_wait3A_146 = arith.constant 32 : i32
      %dma_wait3A_147 = tpu.memref_slice %arg6[%add3A_99, %dma_wait3A_146] : memref<320000x64xf32, #tpu.memory_space<hbm>> -> memref<2000x32xf32, #tpu.memory_space<hbm>>
      tpu.wait_dma2 semaphore(%run_scoped3A : memref<!tpu.dma_semaphore, #tpu.memory_space<semaphore_mem>>) src(%arg9 : memref<2000x32xf32, #tpu.memory_space<vmem>>) dst(%dma_wait3A_147 : memref<2000x32xf32, #tpu.memory_space<hbm>>)
      tpu.yield
    }) : () -> ()
    %scan3A_100 = arith.constant 0 : i32
    %scan3A_101 = arith.constant 0 : i32
    %scan3A_102 = arith.constant 25 : i32
    %scan3A_103 = arith.addi %scan3A_101, %scan3A_102 : i32
    %scan3A_104 = arith.constant 1 : i32
    scf.for %scan3A_142 = %scan3A_101 to %scan3A_103 step %scan3A_104  : i32 {
      %mul3A_143 = arith.constant 80 : i32
      %mul3A_144 = arith.muli %scan3A_142, %mul3A_143 : i32
      %add3A_145 = arith.constant 4000 : i32
      %add3A_146 = arith.addi %add3A_145, %mul3A_144 : i32
      %mul3A_147 = arith.constant 80 : i32
      %mul3A_148 = arith.muli %scan3A_142, %mul3A_147 : i32
      %dma_start3A = arith.constant 0 : i32
      %dma_start3A_149 = tpu.memref_slice %arg9[%mul3A_148, %dma_start3A] : memref<2000x32xf32, #tpu.memory_space<vmem>> -> memref<80x32xf32, #tpu.memory_space<vmem>>
      %dma_start3A_150 = tpu.memref_slice %arg8[%add3A_146] : memref<10000xi32, #tpu.memory_space<vmem>> -> memref<80xi32, #tpu.memory_space<vmem>>
      %dma_start3A_151 = arith.constant 0 : i32
      %dma_start3A_152 = arith.constant 0 : i32
      %dma_start3A_153 = tpu.memref_slice %arg2[%dma_start3A_151, %dma_start3A_152] : memref<10000x32xf32, #tpu.memory_space<hbm>> -> memref<10000x32xf32, #tpu.memory_space<hbm>>
      tpu.enqueue_indirect_dma source(%dma_start3A_153 : memref<10000x32xf32, #tpu.memory_space<hbm>>) target(%dma_start3A_149 : memref<80x32xf32, #tpu.memory_space<vmem>>) offsets(%dma_start3A_150 : memref<80xi32, #tpu.memory_space<vmem>>) semaphore(%arg11 : memref<!tpu.dma_semaphore, #tpu.memory_space<semaphore_mem>>)
    }
    %scan3A_105 = arith.constant 25 : i32
    %scan3A_106 = arith.constant 0 : i32
    %scan3A_107 = arith.constant 0 : i32
    %scan3A_108 = arith.constant 25 : i32
    %scan3A_109 = arith.addi %scan3A_107, %scan3A_108 : i32
    %scan3A_110 = arith.constant 1 : i32
    scf.for %scan3A_142 = %scan3A_107 to %scan3A_109 step %scan3A_110  : i32 {
      %mul3A_143 = arith.constant 80 : i32
      %mul3A_144 = arith.muli %scan3A_142, %mul3A_143 : i32
      %add3A_145 = arith.constant 4000 : i32
      %add3A_146 = arith.addi %add3A_145, %mul3A_144 : i32
      %mul3A_147 = arith.constant 80 : i32
      %mul3A_148 = arith.muli %scan3A_142, %mul3A_147 : i32
      %dma_wait3A = arith.constant 0 : i32
      %dma_wait3A_149 = tpu.memref_slice %arg9[%mul3A_148, %dma_wait3A] : memref<2000x32xf32, #tpu.memory_space<vmem>> -> memref<80x32xf32, #tpu.memory_space<vmem>>
      %dma_wait3A_150 = tpu.memref_slice %arg8[%add3A_146] : memref<10000xi32, #tpu.memory_space<vmem>> -> memref<80xi32, #tpu.memory_space<vmem>>
      %dma_wait3A_151 = arith.constant 0 : i32
      %dma_wait3A_152 = arith.constant 0 : i32
      %dma_wait3A_153 = tpu.memref_slice %arg2[%dma_wait3A_151, %dma_wait3A_152] : memref<10000x32xf32, #tpu.memory_space<hbm>> -> memref<10000x32xf32, #tpu.memory_space<hbm>>
      tpu.wait_indirect_dma semaphore(%arg11 : memref<!tpu.dma_semaphore, #tpu.memory_space<semaphore_mem>>) src(%dma_wait3A_153 : memref<10000x32xf32, #tpu.memory_space<hbm>>) dst(%dma_wait3A_149 : memref<80x32xf32, #tpu.memory_space<vmem>>)
    }
    %scan3A_111 = arith.constant 25 : i32
    %add3A_112 = arith.constant 4000 : i32
    %add3A_113 = arith.addi %mul3A_2, %add3A_112 : i32
    "tpu.region"() ({
      %run_scoped3A = tpu.sem_alloc : memref<!tpu.dma_semaphore, #tpu.memory_space<semaphore_mem>>
      %dma_start3A = arith.constant 32 : i32
      %dma_start3A_142 = tpu.memref_slice %arg6[%add3A_113, %dma_start3A] : memref<320000x64xf32, #tpu.memory_space<hbm>> -> memref<2000x32xf32, #tpu.memory_space<hbm>>
      %dma_start3A_143 = arith.constant 32 : i32
      %dma_start3A_144 = tpu.memref_slice %arg6[%add3A_113, %dma_start3A_143] : memref<320000x64xf32, #tpu.memory_space<hbm>> -> memref<2000x32xf32, #tpu.memory_space<hbm>>
      tpu.enqueue_dma source(%arg9 : memref<2000x32xf32, #tpu.memory_space<vmem>>) target(%dma_start3A_144 : memref<2000x32xf32, #tpu.memory_space<hbm>>) target_semaphore(%run_scoped3A : memref<!tpu.dma_semaphore, #tpu.memory_space<semaphore_mem>>)
      %dma_wait3A = arith.constant 32 : i32
      %dma_wait3A_145 = tpu.memref_slice %arg6[%add3A_113, %dma_wait3A] : memref<320000x64xf32, #tpu.memory_space<hbm>> -> memref<2000x32xf32, #tpu.memory_space<hbm>>
      %dma_wait3A_146 = arith.constant 32 : i32
      %dma_wait3A_147 = tpu.memref_slice %arg6[%add3A_113, %dma_wait3A_146] : memref<320000x64xf32, #tpu.memory_space<hbm>> -> memref<2000x32xf32, #tpu.memory_space<hbm>>
      tpu.wait_dma2 semaphore(%run_scoped3A : memref<!tpu.dma_semaphore, #tpu.memory_space<semaphore_mem>>) src(%arg9 : memref<2000x32xf32, #tpu.memory_space<vmem>>) dst(%dma_wait3A_147 : memref<2000x32xf32, #tpu.memory_space<hbm>>)
      tpu.yield
    }) : () -> ()
    %scan3A_114 = arith.constant 0 : i32
    %scan3A_115 = arith.constant 0 : i32
    %scan3A_116 = arith.constant 25 : i32
    %scan3A_117 = arith.addi %scan3A_115, %scan3A_116 : i32
    %scan3A_118 = arith.constant 1 : i32
    scf.for %scan3A_142 = %scan3A_115 to %scan3A_117 step %scan3A_118  : i32 {
      %mul3A_143 = arith.constant 80 : i32
      %mul3A_144 = arith.muli %scan3A_142, %mul3A_143 : i32
      %add3A_145 = arith.constant 6000 : i32
      %add3A_146 = arith.addi %add3A_145, %mul3A_144 : i32
      %mul3A_147 = arith.constant 80 : i32
      %mul3A_148 = arith.muli %scan3A_142, %mul3A_147 : i32
      %dma_start3A = arith.constant 0 : i32
      %dma_start3A_149 = tpu.memref_slice %arg9[%mul3A_148, %dma_start3A] : memref<2000x32xf32, #tpu.memory_space<vmem>> -> memref<80x32xf32, #tpu.memory_space<vmem>>
      %dma_start3A_150 = tpu.memref_slice %arg8[%add3A_146] : memref<10000xi32, #tpu.memory_space<vmem>> -> memref<80xi32, #tpu.memory_space<vmem>>
      %dma_start3A_151 = arith.constant 0 : i32
      %dma_start3A_152 = arith.constant 0 : i32
      %dma_start3A_153 = tpu.memref_slice %arg2[%dma_start3A_151, %dma_start3A_152] : memref<10000x32xf32, #tpu.memory_space<hbm>> -> memref<10000x32xf32, #tpu.memory_space<hbm>>
      tpu.enqueue_indirect_dma source(%dma_start3A_153 : memref<10000x32xf32, #tpu.memory_space<hbm>>) target(%dma_start3A_149 : memref<80x32xf32, #tpu.memory_space<vmem>>) offsets(%dma_start3A_150 : memref<80xi32, #tpu.memory_space<vmem>>) semaphore(%arg11 : memref<!tpu.dma_semaphore, #tpu.memory_space<semaphore_mem>>)
    }
    %scan3A_119 = arith.constant 25 : i32
    %scan3A_120 = arith.constant 0 : i32
    %scan3A_121 = arith.constant 0 : i32
    %scan3A_122 = arith.constant 25 : i32
    %scan3A_123 = arith.addi %scan3A_121, %scan3A_122 : i32
    %scan3A_124 = arith.constant 1 : i32
    scf.for %scan3A_142 = %scan3A_121 to %scan3A_123 step %scan3A_124  : i32 {
      %mul3A_143 = arith.constant 80 : i32
      %mul3A_144 = arith.muli %scan3A_142, %mul3A_143 : i32
      %add3A_145 = arith.constant 6000 : i32
      %add3A_146 = arith.addi %add3A_145, %mul3A_144 : i32
      %mul3A_147 = arith.constant 80 : i32
      %mul3A_148 = arith.muli %scan3A_142, %mul3A_147 : i32
      %dma_wait3A = arith.constant 0 : i32
      %dma_wait3A_149 = tpu.memref_slice %arg9[%mul3A_148, %dma_wait3A] : memref<2000x32xf32, #tpu.memory_space<vmem>> -> memref<80x32xf32, #tpu.memory_space<vmem>>
      %dma_wait3A_150 = tpu.memref_slice %arg8[%add3A_146] : memref<10000xi32, #tpu.memory_space<vmem>> -> memref<80xi32, #tpu.memory_space<vmem>>
      %dma_wait3A_151 = arith.constant 0 : i32
      %dma_wait3A_152 = arith.constant 0 : i32
      %dma_wait3A_153 = tpu.memref_slice %arg2[%dma_wait3A_151, %dma_wait3A_152] : memref<10000x32xf32, #tpu.memory_space<hbm>> -> memref<10000x32xf32, #tpu.memory_space<hbm>>
      tpu.wait_indirect_dma semaphore(%arg11 : memref<!tpu.dma_semaphore, #tpu.memory_space<semaphore_mem>>) src(%dma_wait3A_153 : memref<10000x32xf32, #tpu.memory_space<hbm>>) dst(%dma_wait3A_149 : memref<80x32xf32, #tpu.memory_space<vmem>>)
    }
    %scan3A_125 = arith.constant 25 : i32
    %add3A_126 = arith.constant 6000 : i32
    %add3A_127 = arith.addi %mul3A_2, %add3A_126 : i32
    "tpu.region"() ({
      %run_scoped3A = tpu.sem_alloc : memref<!tpu.dma_semaphore, #tpu.memory_space<semaphore_mem>>
      %dma_start3A = arith.constant 32 : i32
      %dma_start3A_142 = tpu.memref_slice %arg6[%add3A_127, %dma_start3A] : memref<320000x64xf32, #tpu.memory_space<hbm>> -> memref<2000x32xf32, #tpu.memory_space<hbm>>
      %dma_start3A_143 = arith.constant 32 : i32
      %dma_start3A_144 = tpu.memref_slice %arg6[%add3A_127, %dma_start3A_143] : memref<320000x64xf32, #tpu.memory_space<hbm>> -> memref<2000x32xf32, #tpu.memory_space<hbm>>
      tpu.enqueue_dma source(%arg9 : memref<2000x32xf32, #tpu.memory_space<vmem>>) target(%dma_start3A_144 : memref<2000x32xf32, #tpu.memory_space<hbm>>) target_semaphore(%run_scoped3A : memref<!tpu.dma_semaphore, #tpu.memory_space<semaphore_mem>>)
      %dma_wait3A = arith.constant 32 : i32
      %dma_wait3A_145 = tpu.memref_slice %arg6[%add3A_127, %dma_wait3A] : memref<320000x64xf32, #tpu.memory_space<hbm>> -> memref<2000x32xf32, #tpu.memory_space<hbm>>
      %dma_wait3A_146 = arith.constant 32 : i32
      %dma_wait3A_147 = tpu.memref_slice %arg6[%add3A_127, %dma_wait3A_146] : memref<320000x64xf32, #tpu.memory_space<hbm>> -> memref<2000x32xf32, #tpu.memory_space<hbm>>
      tpu.wait_dma2 semaphore(%run_scoped3A : memref<!tpu.dma_semaphore, #tpu.memory_space<semaphore_mem>>) src(%arg9 : memref<2000x32xf32, #tpu.memory_space<vmem>>) dst(%dma_wait3A_147 : memref<2000x32xf32, #tpu.memory_space<hbm>>)
      tpu.yield
    }) : () -> ()
    %scan3A_128 = arith.constant 0 : i32
    %scan3A_129 = arith.constant 0 : i32
    %scan3A_130 = arith.constant 25 : i32
    %scan3A_131 = arith.addi %scan3A_129, %scan3A_130 : i32
    %scan3A_132 = arith.constant 1 : i32
    scf.for %scan3A_142 = %scan3A_129 to %scan3A_131 step %scan3A_132  : i32 {
      %mul3A_143 = arith.constant 80 : i32
      %mul3A_144 = arith.muli %scan3A_142, %mul3A_143 : i32
      %add3A_145 = arith.constant 8000 : i32
      %add3A_146 = arith.addi %add3A_145, %mul3A_144 : i32
      %mul3A_147 = arith.constant 80 : i32
      %mul3A_148 = arith.muli %scan3A_142, %mul3A_147 : i32
      %dma_start3A = arith.constant 0 : i32
      %dma_start3A_149 = tpu.memref_slice %arg9[%mul3A_148, %dma_start3A] : memref<2000x32xf32, #tpu.memory_space<vmem>> -> memref<80x32xf32, #tpu.memory_space<vmem>>
      %dma_start3A_150 = tpu.memref_slice %arg8[%add3A_146] : memref<10000xi32, #tpu.memory_space<vmem>> -> memref<80xi32, #tpu.memory_space<vmem>>
      %dma_start3A_151 = arith.constant 0 : i32
      %dma_start3A_152 = arith.constant 0 : i32
      %dma_start3A_153 = tpu.memref_slice %arg2[%dma_start3A_151, %dma_start3A_152] : memref<10000x32xf32, #tpu.memory_space<hbm>> -> memref<10000x32xf32, #tpu.memory_space<hbm>>
      tpu.enqueue_indirect_dma source(%dma_start3A_153 : memref<10000x32xf32, #tpu.memory_space<hbm>>) target(%dma_start3A_149 : memref<80x32xf32, #tpu.memory_space<vmem>>) offsets(%dma_start3A_150 : memref<80xi32, #tpu.memory_space<vmem>>) semaphore(%arg11 : memref<!tpu.dma_semaphore, #tpu.memory_space<semaphore_mem>>)
    }
    %scan3A_133 = arith.constant 25 : i32
    %scan3A_134 = arith.constant 0 : i32
    %scan3A_135 = arith.constant 0 : i32
    %scan3A_136 = arith.constant 25 : i32
    %scan3A_137 = arith.addi %scan3A_135, %scan3A_136 : i32
    %scan3A_138 = arith.constant 1 : i32
    scf.for %scan3A_142 = %scan3A_135 to %scan3A_137 step %scan3A_138  : i32 {
      %mul3A_143 = arith.constant 80 : i32
      %mul3A_144 = arith.muli %scan3A_142, %mul3A_143 : i32
      %add3A_145 = arith.constant 8000 : i32
      %add3A_146 = arith.addi %add3A_145, %mul3A_144 : i32
      %mul3A_147 = arith.constant 80 : i32
      %mul3A_148 = arith.muli %scan3A_142, %mul3A_147 : i32
      %dma_wait3A = arith.constant 0 : i32
      %dma_wait3A_149 = tpu.memref_slice %arg9[%mul3A_148, %dma_wait3A] : memref<2000x32xf32, #tpu.memory_space<vmem>> -> memref<80x32xf32, #tpu.memory_space<vmem>>
      %dma_wait3A_150 = tpu.memref_slice %arg8[%add3A_146] : memref<10000xi32, #tpu.memory_space<vmem>> -> memref<80xi32, #tpu.memory_space<vmem>>
      %dma_wait3A_151 = arith.constant 0 : i32
      %dma_wait3A_152 = arith.constant 0 : i32
      %dma_wait3A_153 = tpu.memref_slice %arg2[%dma_wait3A_151, %dma_wait3A_152] : memref<10000x32xf32, #tpu.memory_space<hbm>> -> memref<10000x32xf32, #tpu.memory_space<hbm>>
      tpu.wait_indirect_dma semaphore(%arg11 : memref<!tpu.dma_semaphore, #tpu.memory_space<semaphore_mem>>) src(%dma_wait3A_153 : memref<10000x32xf32, #tpu.memory_space<hbm>>) dst(%dma_wait3A_149 : memref<80x32xf32, #tpu.memory_space<vmem>>)
    }
    %scan3A_139 = arith.constant 25 : i32
    %add3A_140 = arith.constant 8000 : i32
    %add3A_141 = arith.addi %mul3A_2, %add3A_140 : i32
    "tpu.region"() ({
      %run_scoped3A = tpu.sem_alloc : memref<!tpu.dma_semaphore, #tpu.memory_space<semaphore_mem>>
      %dma_start3A = arith.constant 32 : i32
      %dma_start3A_142 = tpu.memref_slice %arg6[%add3A_141, %dma_start3A] : memref<320000x64xf32, #tpu.memory_space<hbm>> -> memref<2000x32xf32, #tpu.memory_space<hbm>>
      %dma_start3A_143 = arith.constant 32 : i32
      %dma_start3A_144 = tpu.memref_slice %arg6[%add3A_141, %dma_start3A_143] : memref<320000x64xf32, #tpu.memory_space<hbm>> -> memref<2000x32xf32, #tpu.memory_space<hbm>>
      tpu.enqueue_dma source(%arg9 : memref<2000x32xf32, #tpu.memory_space<vmem>>) target(%dma_start3A_144 : memref<2000x32xf32, #tpu.memory_space<hbm>>) target_semaphore(%run_scoped3A : memref<!tpu.dma_semaphore, #tpu.memory_space<semaphore_mem>>)
      %dma_wait3A = arith.constant 32 : i32
      %dma_wait3A_145 = tpu.memref_slice %arg6[%add3A_141, %dma_wait3A] : memref<320000x64xf32, #tpu.memory_space<hbm>> -> memref<2000x32xf32, #tpu.memory_space<hbm>>
      %dma_wait3A_146 = arith.constant 32 : i32
      %dma_wait3A_147 = tpu.memref_slice %arg6[%add3A_141, %dma_wait3A_146] : memref<320000x64xf32, #tpu.memory_space<hbm>> -> memref<2000x32xf32, #tpu.memory_space<hbm>>
      tpu.wait_dma2 semaphore(%run_scoped3A : memref<!tpu.dma_semaphore, #tpu.memory_space<semaphore_mem>>) src(%arg9 : memref<2000x32xf32, #tpu.memory_space<vmem>>) dst(%dma_wait3A_147 : memref<2000x32xf32, #tpu.memory_space<hbm>>)
      tpu.yield
    }) : () -> ()
    return
  }
}

#map = affine_map<(d0, d1) -> (0, 0, 0)>
#map1 = affine_map<(d0, d1) -> (0, 0)>
module attributes {stable_mosaic.version = 14 : i64} {
  func.func @sc_scatter(%arg0: i32, %arg1: i32, %arg2: memref<32x79x128xf32, #tpu.memory_space<hbm>>, %arg3: memref<32x79x128xi32, #tpu.memory_space<hbm>>, %arg4: memref<2x10000xf32, #tpu.memory_space<hbm>>, %arg5: memref<79x128xf32, #tpu.memory_space<vmem>>, %arg6: memref<79x128xi32, #tpu.memory_space<vmem>>, %arg7: memref<10000xf32, #tpu.memory_space<vmem>>, %arg8: memref<10000xf32, #tpu.memory_space<vmem_shared>>, %arg9: memref<!tpu.dma_semaphore, #tpu.memory_space<semaphore_mem>>) attributes {dimension_semantics = [#tpu.dimension_semantics<core_parallel>, #tpu.dimension_semantics<subcore_parallel>], iteration_bounds = array<i64: 2, 16>, scalar_prefetch = 0 : i64, scratch_operands = 5 : i64, tpu.core_type = #tpu.core_type<sc_vector_subcore>, window_params = [{transform_indices = #map}, {transform_indices = #map}, {transform_indices = #map1}]} {
    %mul3A = arith.constant 2 : i32
    %mul3A_0 = arith.muli %arg1, %mul3A : i32
    %add3A = arith.addi %mul3A_0, %arg0 : i32
    %eq3A = arith.constant 0 : i32
    %eq3A_1 = arith.cmpi eq, %arg1, %eq3A : i32
    %convert_element_type3A = arith.extui %eq3A_1 : i1 to i32
    %cond3A = arith.constant 0 : i32
    %cond3A_2 = arith.cmpi ne, %convert_element_type3A, %cond3A : i32
    scf.if %cond3A_2 {
      %scan3A_14 = arith.constant 0 : i32
      %scan3A_15 = arith.constant 0 : i32
      %scan3A_16 = arith.constant 625 : i32
      %scan3A_17 = arith.addi %scan3A_15, %scan3A_16 : i32
      %scan3A_18 = arith.constant 1 : i32
      scf.for %scan3A_20 = %scan3A_15 to %scan3A_17 step %scan3A_18  : i32 {
        %broadcast_in_dim3A = arith.constant 0.000000e+00 : f32
        %broadcast_in_dim3A_21 = vector.broadcast %broadcast_in_dim3A : f32 to vector<16xf32>
        %mul3A_22 = arith.constant 16 : i32
        %mul3A_23 = arith.muli %scan3A_20, %mul3A_22 : i32
        %swap3A = arith.index_cast %mul3A_23 : i32 to index
        %swap3A_24 = tpu.vector_load %arg7[%swap3A] {strides = array<i32>} : memref<10000xf32, #tpu.memory_space<vmem>>, vector<16xf32>,
        %swap3A_25 = vector.shape_cast %swap3A_24 : vector<16xf32> to vector<16xf32>
        %swap3A_26 = vector.shape_cast %broadcast_in_dim3A_21 : vector<16xf32> to vector<16xf32>
        tpu.vector_store %arg7[%swap3A], %swap3A_26 {strides = array<i32>} : memref<10000xf32, #tpu.memory_space<vmem>>, vector<16xf32>,
      }
      %scan3A_19 = arith.constant 625 : i32
      "tpu.region"() ({
        %run_scoped3A = tpu.sem_alloc : memref<!tpu.dma_semaphore, #tpu.memory_space<semaphore_mem>>
        tpu.enqueue_dma source(%arg7 : memref<10000xf32, #tpu.memory_space<vmem>>) target(%arg8 : memref<10000xf32, #tpu.memory_space<vmem_shared>>) target_semaphore(%run_scoped3A : memref<!tpu.dma_semaphore, #tpu.memory_space<semaphore_mem>>)
        tpu.wait_dma2 semaphore(%run_scoped3A : memref<!tpu.dma_semaphore, #tpu.memory_space<semaphore_mem>>) src(%arg7 : memref<10000xf32, #tpu.memory_space<vmem>>) dst(%arg8 : memref<10000xf32, #tpu.memory_space<vmem_shared>>)
        tpu.yield
      }) : () -> ()
    } else {
    }
    "tpu.region"() ({
      %run_scoped3A = tpu.sem_alloc : memref<!tpu.dma_semaphore, #tpu.memory_space<semaphore_mem>>
      %dma_start3A = arith.constant 0 : i32
      %dma_start3A_14 = arith.constant 0 : i32
      %dma_start3A_15 = tpu.memref_slice %arg2[%add3A, %dma_start3A, %dma_start3A_14] : memref<32x79x128xf32, #tpu.memory_space<hbm>> -> memref<1x79x128xf32, #tpu.memory_space<hbm>>
      %dma_start3A_16 = tpu.memref_squeeze %dma_start3A_15 : memref<1x79x128xf32, #tpu.memory_space<hbm>> -> memref<79x128xf32, #tpu.memory_space<hbm>>
      %dma_start3A_17 = arith.constant 0 : i32
      %dma_start3A_18 = arith.constant 0 : i32
      %dma_start3A_19 = tpu.memref_slice %arg2[%add3A, %dma_start3A_17, %dma_start3A_18] : memref<32x79x128xf32, #tpu.memory_space<hbm>> -> memref<1x79x128xf32, #tpu.memory_space<hbm>>
      %dma_start3A_20 = tpu.memref_squeeze %dma_start3A_19 : memref<1x79x128xf32, #tpu.memory_space<hbm>> -> memref<79x128xf32, #tpu.memory_space<hbm>>
      tpu.enqueue_dma source(%dma_start3A_20 : memref<79x128xf32, #tpu.memory_space<hbm>>) target(%arg5 : memref<79x128xf32, #tpu.memory_space<vmem>>) target_semaphore(%run_scoped3A : memref<!tpu.dma_semaphore, #tpu.memory_space<semaphore_mem>>)
      %dma_wait3A = arith.constant 0 : i32
      %dma_wait3A_21 = arith.constant 0 : i32
      %dma_wait3A_22 = tpu.memref_slice %arg2[%add3A, %dma_wait3A, %dma_wait3A_21] : memref<32x79x128xf32, #tpu.memory_space<hbm>> -> memref<1x79x128xf32, #tpu.memory_space<hbm>>
      %dma_wait3A_23 = tpu.memref_squeeze %dma_wait3A_22 : memref<1x79x128xf32, #tpu.memory_space<hbm>> -> memref<79x128xf32, #tpu.memory_space<hbm>>
      %dma_wait3A_24 = arith.constant 0 : i32
      %dma_wait3A_25 = arith.constant 0 : i32
      %dma_wait3A_26 = tpu.memref_slice %arg2[%add3A, %dma_wait3A_24, %dma_wait3A_25] : memref<32x79x128xf32, #tpu.memory_space<hbm>> -> memref<1x79x128xf32, #tpu.memory_space<hbm>>
      %dma_wait3A_27 = tpu.memref_squeeze %dma_wait3A_26 : memref<1x79x128xf32, #tpu.memory_space<hbm>> -> memref<79x128xf32, #tpu.memory_space<hbm>>
      tpu.wait_dma2 semaphore(%run_scoped3A : memref<!tpu.dma_semaphore, #tpu.memory_space<semaphore_mem>>) src(%dma_wait3A_27 : memref<79x128xf32, #tpu.memory_space<hbm>>) dst(%arg5 : memref<79x128xf32, #tpu.memory_space<vmem>>)
      tpu.yield
    }) : () -> ()
    "tpu.region"() ({
      %run_scoped3A = tpu.sem_alloc : memref<!tpu.dma_semaphore, #tpu.memory_space<semaphore_mem>>
      %dma_start3A = arith.constant 0 : i32
      %dma_start3A_14 = arith.constant 0 : i32
      %dma_start3A_15 = tpu.memref_slice %arg3[%add3A, %dma_start3A, %dma_start3A_14] : memref<32x79x128xi32, #tpu.memory_space<hbm>> -> memref<1x79x128xi32, #tpu.memory_space<hbm>>
      %dma_start3A_16 = tpu.memref_squeeze %dma_start3A_15 : memref<1x79x128xi32, #tpu.memory_space<hbm>> -> memref<79x128xi32, #tpu.memory_space<hbm>>
      %dma_start3A_17 = arith.constant 0 : i32
      %dma_start3A_18 = arith.constant 0 : i32
      %dma_start3A_19 = tpu.memref_slice %arg3[%add3A, %dma_start3A_17, %dma_start3A_18] : memref<32x79x128xi32, #tpu.memory_space<hbm>> -> memref<1x79x128xi32, #tpu.memory_space<hbm>>
      %dma_start3A_20 = tpu.memref_squeeze %dma_start3A_19 : memref<1x79x128xi32, #tpu.memory_space<hbm>> -> memref<79x128xi32, #tpu.memory_space<hbm>>
      tpu.enqueue_dma source(%dma_start3A_20 : memref<79x128xi32, #tpu.memory_space<hbm>>) target(%arg6 : memref<79x128xi32, #tpu.memory_space<vmem>>) target_semaphore(%run_scoped3A : memref<!tpu.dma_semaphore, #tpu.memory_space<semaphore_mem>>)
      %dma_wait3A = arith.constant 0 : i32
      %dma_wait3A_21 = arith.constant 0 : i32
      %dma_wait3A_22 = tpu.memref_slice %arg3[%add3A, %dma_wait3A, %dma_wait3A_21] : memref<32x79x128xi32, #tpu.memory_space<hbm>> -> memref<1x79x128xi32, #tpu.memory_space<hbm>>
      %dma_wait3A_23 = tpu.memref_squeeze %dma_wait3A_22 : memref<1x79x128xi32, #tpu.memory_space<hbm>> -> memref<79x128xi32, #tpu.memory_space<hbm>>
      %dma_wait3A_24 = arith.constant 0 : i32
      %dma_wait3A_25 = arith.constant 0 : i32
      %dma_wait3A_26 = tpu.memref_slice %arg3[%add3A, %dma_wait3A_24, %dma_wait3A_25] : memref<32x79x128xi32, #tpu.memory_space<hbm>> -> memref<1x79x128xi32, #tpu.memory_space<hbm>>
      %dma_wait3A_27 = tpu.memref_squeeze %dma_wait3A_26 : memref<1x79x128xi32, #tpu.memory_space<hbm>> -> memref<79x128xi32, #tpu.memory_space<hbm>>
      tpu.wait_dma2 semaphore(%run_scoped3A : memref<!tpu.dma_semaphore, #tpu.memory_space<semaphore_mem>>) src(%dma_wait3A_27 : memref<79x128xi32, #tpu.memory_space<hbm>>) dst(%arg6 : memref<79x128xi32, #tpu.memory_space<vmem>>)
      tpu.yield
    }) : () -> ()
    %barrier3A = arith.constant 0 : index
    tpu.barrier barrier_id(%barrier3A)
    %scan3A = arith.constant 0 : i32
    %scan3A_3 = arith.constant 0 : i32
    %scan3A_4 = arith.constant 79 : i32
    %scan3A_5 = arith.addi %scan3A_3, %scan3A_4 : i32
    %scan3A_6 = arith.constant 1 : i32
    scf.for %scan3A_14 = %scan3A_3 to %scan3A_5 step %scan3A_6  : i32 {
      "tpu.region"() ({
        %run_scoped3A = tpu.sem_alloc : memref<!tpu.dma_semaphore, #tpu.memory_space<semaphore_mem>>
        %dma_start3A = arith.constant 0 : i32
        %dma_start3A_15 = tpu.memref_slice %arg5[%scan3A_14, %dma_start3A] : memref<79x128xf32, #tpu.memory_space<vmem>> -> memref<1x128xf32, #tpu.memory_space<vmem>>
        %dma_start3A_16 = tpu.memref_squeeze %dma_start3A_15 : memref<1x128xf32, #tpu.memory_space<vmem>> -> memref<128xf32, #tpu.memory_space<vmem>>
        %dma_start3A_17 = arith.constant 0 : i32
        %dma_start3A_18 = tpu.memref_slice %arg6[%scan3A_14, %dma_start3A_17] : memref<79x128xi32, #tpu.memory_space<vmem>> -> memref<1x128xi32, #tpu.memory_space<vmem>>
        %dma_start3A_19 = tpu.memref_squeeze %dma_start3A_18 : memref<1x128xi32, #tpu.memory_space<vmem>> -> memref<128xi32, #tpu.memory_space<vmem>>
        %dma_start3A_20 = arith.constant 0 : i32
        %dma_start3A_21 = tpu.memref_slice %arg8[%dma_start3A_20] : memref<10000xf32, #tpu.memory_space<vmem_shared>> -> memref<10000xf32, #tpu.memory_space<vmem_shared>>
        tpu.enqueue_indirect_dma source(%dma_start3A_16 : memref<128xf32, #tpu.memory_space<vmem>>) target(%dma_start3A_21 : memref<10000xf32, #tpu.memory_space<vmem_shared>>) offsets(%dma_start3A_19 : memref<128xi32, #tpu.memory_space<vmem>>) semaphore(%run_scoped3A : memref<!tpu.dma_semaphore, #tpu.memory_space<semaphore_mem>>) {add = true}
        %dma_wait3A = arith.constant 0 : i32
        %dma_wait3A_22 = tpu.memref_slice %arg5[%scan3A_14, %dma_wait3A] : memref<79x128xf32, #tpu.memory_space<vmem>> -> memref<1x128xf32, #tpu.memory_space<vmem>>
        %dma_wait3A_23 = tpu.memref_squeeze %dma_wait3A_22 : memref<1x128xf32, #tpu.memory_space<vmem>> -> memref<128xf32, #tpu.memory_space<vmem>>
        %dma_wait3A_24 = arith.constant 0 : i32
        %dma_wait3A_25 = tpu.memref_slice %arg6[%scan3A_14, %dma_wait3A_24] : memref<79x128xi32, #tpu.memory_space<vmem>> -> memref<1x128xi32, #tpu.memory_space<vmem>>
        %dma_wait3A_26 = tpu.memref_squeeze %dma_wait3A_25 : memref<1x128xi32, #tpu.memory_space<vmem>> -> memref<128xi32, #tpu.memory_space<vmem>>
        %dma_wait3A_27 = arith.constant 0 : i32
        %dma_wait3A_28 = tpu.memref_slice %arg8[%dma_wait3A_27] : memref<10000xf32, #tpu.memory_space<vmem_shared>> -> memref<10000xf32, #tpu.memory_space<vmem_shared>>
        tpu.wait_indirect_dma semaphore(%run_scoped3A : memref<!tpu.dma_semaphore, #tpu.memory_space<semaphore_mem>>) src(%dma_wait3A_23 : memref<128xf32, #tpu.memory_space<vmem>>) dst(%dma_wait3A_28 : memref<10000xf32, #tpu.memory_space<vmem_shared>>)
        tpu.yield
      }) : () -> ()
    }
    %scan3A_7 = arith.constant 79 : i32
    %barrier3A_8 = arith.constant 0 : index
    tpu.barrier barrier_id(%barrier3A_8)
    %eq3A_9 = arith.constant 0 : i32
    %eq3A_10 = arith.cmpi eq, %arg1, %eq3A_9 : i32
    %convert_element_type3A_11 = arith.extui %eq3A_10 : i1 to i32
    %cond3A_12 = arith.constant 0 : i32
    %cond3A_13 = arith.cmpi ne, %convert_element_type3A_11, %cond3A_12 : i32
    scf.if %cond3A_13 {
      "tpu.region"() ({
        %run_scoped3A = tpu.sem_alloc : memref<!tpu.dma_semaphore, #tpu.memory_space<semaphore_mem>>
        %dma_start3A = arith.constant 0 : i32
        %dma_start3A_14 = tpu.memref_slice %arg4[%arg0, %dma_start3A] : memref<2x10000xf32, #tpu.memory_space<hbm>> -> memref<1x10000xf32, #tpu.memory_space<hbm>>
        %dma_start3A_15 = tpu.memref_squeeze %dma_start3A_14 : memref<1x10000xf32, #tpu.memory_space<hbm>> -> memref<10000xf32, #tpu.memory_space<hbm>>
        tpu.enqueue_dma source(%arg8 : memref<10000xf32, #tpu.memory_space<vmem_shared>>) target(%dma_start3A_15 : memref<10000xf32, #tpu.memory_space<hbm>>) target_semaphore(%run_scoped3A : memref<!tpu.dma_semaphore, #tpu.memory_space<semaphore_mem>>)
        %dma_wait3A = arith.constant 0 : i32
        %dma_wait3A_16 = tpu.memref_slice %arg4[%arg0, %dma_wait3A] : memref<2x10000xf32, #tpu.memory_space<hbm>> -> memref<1x10000xf32, #tpu.memory_space<hbm>>
        %dma_wait3A_17 = tpu.memref_squeeze %dma_wait3A_16 : memref<1x10000xf32, #tpu.memory_space<hbm>> -> memref<10000xf32, #tpu.memory_space<hbm>>
        tpu.wait_dma2 semaphore(%run_scoped3A : memref<!tpu.dma_semaphore, #tpu.memory_space<semaphore_mem>>) src(%arg8 : memref<10000xf32, #tpu.memory_space<vmem_shared>>) dst(%dma_wait3A_17 : memref<10000xf32, #tpu.memory_space<hbm>>)
        tpu.yield
      }) : () -> ()
    } else {
    }
    return
  }
}

module attributes {stable_mosaic.version = 14 : i64} {
  func.func @_prep_body(%arg0: memref<10000x128xf32, #tpu.memory_space<vmem>>, %arg1: memref<128x32xf32, #tpu.memory_space<vmem>>, %arg2: memref<1x32xf32, #tpu.memory_space<vmem>>, %arg3: memref<64x16xf32, #tpu.memory_space<vmem>>, %arg4: memref<1x16xf32, #tpu.memory_space<vmem>>, %arg5: memref<112x32xf32, #tpu.memory_space<vmem>>, %arg6: memref<1x32xf32, #tpu.memory_space<vmem>>, %arg7: memref<112x32xf32, #tpu.memory_space<vmem>>, %arg8: memref<1x32xf32, #tpu.memory_space<vmem>>, %arg9: memref<64x64xf32, #tpu.memory_space<vmem>>, %arg10: memref<64x128xf32, #tpu.memory_space<vmem>>, %arg11: memref<10000x32xf32, #tpu.memory_space<vmem>>, %arg12: memref<64x32xf32, #tpu.memory_space<vmem>>, %arg13: memref<64x32xf32, #tpu.memory_space<vmem>>) attributes {dimension_semantics = [], scalar_prefetch = 0 : i64, scratch_operands = 0 : i64, tpu.core_type = #tpu.core_type<tc>} {
    %get3A = arith.constant 0 : index
    %get3A_0 = arith.constant 0 : index
    %get3A_1 = vector.load %arg1[%get3A, %get3A_0] : memref<128x32xf32, #tpu.memory_space<vmem>>, vector<128x32xf32>
    %get3A_2 = arith.constant 0 : index
    %get3A_3 = arith.constant 0 : index
    %get3A_4 = vector.load %arg2[%get3A_2, %get3A_3] : memref<1x32xf32, #tpu.memory_space<vmem>>, vector<1x32xf32>
    %get3A_5 = arith.constant 0 : index
    %get3A_6 = arith.constant 0 : index
    %get3A_7 = vector.load %arg5[%get3A_5, %get3A_6] : memref<112x32xf32, #tpu.memory_space<vmem>>, vector<112x32xf32>
    %get3A_8 = arith.constant 0 : index
    %get3A_9 = arith.constant 0 : index
    %get3A_10 = vector.load %arg7[%get3A_8, %get3A_9] : memref<112x32xf32, #tpu.memory_space<vmem>>, vector<112x32xf32>
    %slice3A = vector.extract_strided_slice %get3A_7 {offsets = [64, 0], sizes = [16, 32], strides = [1, 1]} : vector<112x32xf32> to vector<16x32xf32>
    %slice3A_11 = vector.extract_strided_slice %get3A_7 {offsets = [80, 0], sizes = [32, 32], strides = [1, 1]} : vector<112x32xf32> to vector<32x32xf32>
    %slice3A_12 = vector.extract_strided_slice %get3A_10 {offsets = [64, 0], sizes = [16, 32], strides = [1, 1]} : vector<112x32xf32> to vector<16x32xf32>
    %slice3A_13 = vector.extract_strided_slice %get3A_10 {offsets = [80, 0], sizes = [32, 32], strides = [1, 1]} : vector<112x32xf32> to vector<32x32xf32>
    %get3A_14 = arith.constant 0 : index
    %get3A_15 = arith.constant 0 : index
    %get3A_16 = vector.load %arg0[%get3A_14, %get3A_15] : memref<10000x128xf32, #tpu.memory_space<vmem>>, vector<10000x128xf32>
    %dot_general3A = arith.constant dense<0.000000e+00> : vector<10000x32xf32>
    %dot_general3A_17 = tpu.matmul %get3A_16, %get3A_1, %dot_general3A {dimension_numbers = #tpu.dot_dimension_numbers<[1], [0], [0], [1], [0, 0, 1, 1], [], []>, transpose_lhs_hint = false} : vector<10000x128xf32>, vector<128x32xf32>, vector<10000x32xf32> -> vector<10000x32xf32>
    %add3A = vector.broadcast %get3A_4 : vector<1x32xf32> to vector<10000x32xf32>
    %add3A_18 = arith.addf %dot_general3A_17, %add3A : vector<10000x32xf32>
    %swap3A = arith.constant 0 : index
    %swap3A_19 = arith.constant 0 : index
    %swap3A_20 = vector.load %arg11[%swap3A, %swap3A_19] : memref<10000x32xf32, #tpu.memory_space<vmem>>, vector<10000x32xf32>
    tpu.vector_store %arg11[%swap3A, %swap3A_19], %add3A_18 {strides = array<i32>} : memref<10000x32xf32, #tpu.memory_space<vmem>>, vector<10000x32xf32>,
    %get3A_21 = arith.constant 0 : index
    %get3A_22 = arith.constant 0 : index
    %get3A_23 = vector.load %arg9[%get3A_21, %get3A_22] : memref<64x64xf32, #tpu.memory_space<vmem>>, vector<64x64xf32>
    %get3A_24 = arith.constant 0 : index
    %get3A_25 = arith.constant 0 : index
    %get3A_26 = vector.load %arg3[%get3A_24, %get3A_25] : memref<64x16xf32, #tpu.memory_space<vmem>>, vector<64x16xf32>
    %dot_general3A_27 = arith.constant dense<0.000000e+00> : vector<64x16xf32>
    %dot_general3A_28 = tpu.matmul %get3A_23, %get3A_26, %dot_general3A_27 {dimension_numbers = #tpu.dot_dimension_numbers<[1], [0], [0], [1], [0, 0, 1, 1], [], []>, transpose_lhs_hint = false} : vector<64x64xf32>, vector<64x16xf32>, vector<64x16xf32> -> vector<64x16xf32>
    %get3A_29 = arith.constant 0 : index
    %get3A_30 = arith.constant 0 : index
    %get3A_31 = vector.load %arg4[%get3A_29, %get3A_30] : memref<1x16xf32, #tpu.memory_space<vmem>>, vector<1x16xf32>
    %add3A_32 = vector.broadcast %get3A_31 : vector<1x16xf32> to vector<64x16xf32>
    %add3A_33 = arith.addf %dot_general3A_28, %add3A_32 : vector<64x16xf32>
    %get3A_34 = arith.constant 0 : index
    %get3A_35 = arith.constant 0 : index
    %get3A_36 = vector.load %arg10[%get3A_34, %get3A_35] : memref<64x128xf32, #tpu.memory_space<vmem>>, vector<64x128xf32>
    %dot_general3A_37 = arith.constant dense<0.000000e+00> : vector<64x32xf32>
    %dot_general3A_38 = tpu.matmul %get3A_36, %get3A_1, %dot_general3A_37 {dimension_numbers = #tpu.dot_dimension_numbers<[1], [0], [0], [1], [0, 0, 1, 1], [], []>, transpose_lhs_hint = false} : vector<64x128xf32>, vector<128x32xf32>, vector<64x32xf32> -> vector<64x32xf32>
    %add3A_39 = vector.broadcast %get3A_4 : vector<1x32xf32> to vector<64x32xf32>
    %add3A_40 = arith.addf %dot_general3A_38, %add3A_39 : vector<64x32xf32>
    %dot_general3A_41 = arith.constant dense<0.000000e+00> : vector<64x32xf32>
    %dot_general3A_42 = tpu.matmul %add3A_33, %slice3A, %dot_general3A_41 {dimension_numbers = #tpu.dot_dimension_numbers<[1], [0], [0], [1], [0, 0, 1, 1], [], []>, transpose_lhs_hint = false} : vector<64x16xf32>, vector<16x32xf32>, vector<64x32xf32> -> vector<64x32xf32>
    %dot_general3A_43 = arith.constant dense<0.000000e+00> : vector<64x32xf32>
    %dot_general3A_44 = tpu.matmul %add3A_40, %slice3A_11, %dot_general3A_43 {dimension_numbers = #tpu.dot_dimension_numbers<[1], [0], [0], [1], [0, 0, 1, 1], [], []>, transpose_lhs_hint = false} : vector<64x32xf32>, vector<32x32xf32>, vector<64x32xf32> -> vector<64x32xf32>
    %add3A_45 = arith.addf %dot_general3A_42, %dot_general3A_44 : vector<64x32xf32>
    %get3A_46 = arith.constant 0 : index
    %get3A_47 = arith.constant 0 : index
    %get3A_48 = vector.load %arg6[%get3A_46, %get3A_47] : memref<1x32xf32, #tpu.memory_space<vmem>>, vector<1x32xf32>
    %add3A_49 = vector.broadcast %get3A_48 : vector<1x32xf32> to vector<64x32xf32>
    %add3A_50 = arith.addf %add3A_45, %add3A_49 : vector<64x32xf32>
    %swap3A_51 = arith.constant 0 : index
    %swap3A_52 = arith.constant 0 : index
    %swap3A_53 = vector.load %arg12[%swap3A_51, %swap3A_52] : memref<64x32xf32, #tpu.memory_space<vmem>>, vector<64x32xf32>
    tpu.vector_store %arg12[%swap3A_51, %swap3A_52], %add3A_50 {strides = array<i32>} : memref<64x32xf32, #tpu.memory_space<vmem>>, vector<64x32xf32>,
    %dot_general3A_54 = arith.constant dense<0.000000e+00> : vector<64x32xf32>
    %dot_general3A_55 = tpu.matmul %add3A_33, %slice3A_12, %dot_general3A_54 {dimension_numbers = #tpu.dot_dimension_numbers<[1], [0], [0], [1], [0, 0, 1, 1], [], []>, transpose_lhs_hint = false} : vector<64x16xf32>, vector<16x32xf32>, vector<64x32xf32> -> vector<64x32xf32>
    %dot_general3A_56 = arith.constant dense<0.000000e+00> : vector<64x32xf32>
    %dot_general3A_57 = tpu.matmul %add3A_40, %slice3A_13, %dot_general3A_56 {dimension_numbers = #tpu.dot_dimension_numbers<[1], [0], [0], [1], [0, 0, 1, 1], [], []>, transpose_lhs_hint = false} : vector<64x32xf32>, vector<32x32xf32>, vector<64x32xf32> -> vector<64x32xf32>
    %add3A_58 = arith.addf %dot_general3A_55, %dot_general3A_57 : vector<64x32xf32>
    %get3A_59 = arith.constant 0 : index
    %get3A_60 = arith.constant 0 : index
    %get3A_61 = vector.load %arg8[%get3A_59, %get3A_60] : memref<1x32xf32, #tpu.memory_space<vmem>>, vector<1x32xf32>
    %add3A_62 = vector.broadcast %get3A_61 : vector<1x32xf32> to vector<64x32xf32>
    %add3A_63 = arith.addf %add3A_58, %add3A_62 : vector<64x32xf32>
    %swap3A_64 = arith.constant 0 : index
    %swap3A_65 = arith.constant 0 : index
    %swap3A_66 = vector.load %arg13[%swap3A_64, %swap3A_65] : memref<64x32xf32, #tpu.memory_space<vmem>>, vector<64x32xf32>
    tpu.vector_store %arg13[%swap3A_64, %swap3A_65], %add3A_63 {strides = array<i32>} : memref<64x32xf32, #tpu.memory_space<vmem>>, vector<64x32xf32>,
    return
  }
}

module attributes {stable_mosaic.version = 14 : i64} {
  func.func @_edge_body(%arg0: i32, %arg1: memref<1x5000x128xf32, #tpu.memory_space<vmem>>, %arg2: memref<1x5000x64xf32, #tpu.memory_space<vmem>>, %arg3: memref<1x1x32xf32, #tpu.memory_space<vmem>>, %arg4: memref<1x1x32xf32, #tpu.memory_space<vmem>>, %arg5: memref<128x32xf32, #tpu.memory_space<vmem>>, %arg6: memref<1x32xf32, #tpu.memory_space<vmem>>, %arg7: memref<112x32xf32, #tpu.memory_space<vmem>>, %arg8: memref<112x32xf32, #tpu.memory_space<vmem>>, %arg9: memref<32x32xf32, #tpu.memory_space<vmem>>, %arg10: memref<1x32xf32, #tpu.memory_space<vmem>>, %arg11: memref<1x5000x1xf32, #tpu.memory_space<vmem>>) attributes {dimension_semantics = [#tpu.dimension_semantics<arbitrary>], iteration_bounds = array<i64: 64>, scalar_prefetch = 0 : i64, scratch_operands = 0 : i64, tpu.core_type = #tpu.core_type<tc>, window_params = [{transform_indices = @transform_0, window_bounds = array<i64: 1, 5000, 128>}, {transform_indices = @transform_1, window_bounds = array<i64: 1, 5000, 64>}, {transform_indices = @transform_2, window_bounds = array<i64: 1, 1, 32>}, {transform_indices = @transform_3, window_bounds = array<i64: 1, 1, 32>}, {pipeline_mode = #tpu.pipeline_mode<synchronous>, transform_indices = @transform_4, window_bounds = array<i64: 128, 32>}, {pipeline_mode = #tpu.pipeline_mode<synchronous>, transform_indices = @transform_5, window_bounds = array<i64: 1, 32>}, {pipeline_mode = #tpu.pipeline_mode<synchronous>, transform_indices = @transform_6, window_bounds = array<i64: 112, 32>}, {pipeline_mode = #tpu.pipeline_mode<synchronous>, transform_indices = @transform_7, window_bounds = array<i64: 112, 32>}, {pipeline_mode = #tpu.pipeline_mode<synchronous>, transform_indices = @transform_8, window_bounds = array<i64: 32, 32>}, {pipeline_mode = #tpu.pipeline_mode<synchronous>, transform_indices = @transform_9, window_bounds = array<i64: 1, 32>}, {transform_indices = @transform_10, window_bounds = array<i64: 1, 5000, 1>}]} {
    %get3A = arith.constant 0 : index
    %get3A_0 = arith.constant 0 : index
    %get3A_1 = vector.load %arg7[%get3A, %get3A_0] : memref<112x32xf32, #tpu.memory_space<vmem>>, vector<112x32xf32>
    %get3A_2 = arith.constant 0 : index
    %get3A_3 = arith.constant 0 : index
    %get3A_4 = vector.load %arg8[%get3A_2, %get3A_3] : memref<112x32xf32, #tpu.memory_space<vmem>>, vector<112x32xf32>
    %broadcast_in_dim3A = arith.constant 0.000000e+00 : f32
    %broadcast_in_dim3A_5 = vector.broadcast %broadcast_in_dim3A : f32 to vector<32x32xf32>
    %slice3A = vector.extract_strided_slice %get3A_1 {offsets = [0, 0], sizes = [32, 32], strides = [1, 1]} : vector<112x32xf32> to vector<32x32xf32>
    %concatenate3A = tpu.concatenate %slice3A, %broadcast_in_dim3A_5 in 1 : vector<32x32xf32>, vector<32x32xf32> -> vector<32x64xf32>
    %slice3A_6 = vector.extract_strided_slice %get3A_4 {offsets = [0, 0], sizes = [32, 32], strides = [1, 1]} : vector<112x32xf32> to vector<32x32xf32>
    %concatenate3A_7 = tpu.concatenate %broadcast_in_dim3A_5, %slice3A_6 in 1 : vector<32x32xf32>, vector<32x32xf32> -> vector<32x64xf32>
    %concatenate3A_8 = tpu.concatenate %concatenate3A, %concatenate3A_7 in 0 : vector<32x64xf32>, vector<32x64xf32> -> vector<64x64xf32>
    %slice3A_9 = vector.extract_strided_slice %get3A_1 {offsets = [32, 0], sizes = [32, 32], strides = [1, 1]} : vector<112x32xf32> to vector<32x32xf32>
    %slice3A_10 = vector.extract_strided_slice %get3A_4 {offsets = [32, 0], sizes = [32, 32], strides = [1, 1]} : vector<112x32xf32> to vector<32x32xf32>
    %concatenate3A_11 = tpu.concatenate %slice3A_9, %slice3A_10 in 1 : vector<32x32xf32>, vector<32x32xf32> -> vector<32x64xf32>
    %get3A_12 = arith.constant 0 : index
    %get3A_13 = arith.constant 0 : index
    %get3A_14 = vector.load %arg9[%get3A_12, %get3A_13] : memref<32x32xf32, #tpu.memory_space<vmem>>, vector<32x32xf32>
    %concatenate3A_15 = tpu.concatenate %broadcast_in_dim3A_5, %get3A_14 in 0 : vector<32x32xf32>, vector<32x32xf32> -> vector<64x32xf32>
    %get3A_16 = arith.constant 0 : index
    %get3A_17 = arith.constant 0 : index
    %get3A_18 = arith.constant 0 : index
    %get3A_19 = vector.load %arg3[%get3A_16, %get3A_17, %get3A_18] : memref<1x1x32xf32, #tpu.memory_space<vmem>>, vector<1x1x32xf32>
    %get3A_20 = vector.shape_cast %get3A_19 : vector<1x1x32xf32> to vector<1x32xf32>
    %get3A_21 = arith.constant 0 : index
    %get3A_22 = arith.constant 0 : index
    %get3A_23 = arith.constant 0 : index
    %get3A_24 = vector.load %arg4[%get3A_21, %get3A_22, %get3A_23] : memref<1x1x32xf32, #tpu.memory_space<vmem>>, vector<1x1x32xf32>
    %get3A_25 = vector.shape_cast %get3A_24 : vector<1x1x32xf32> to vector<1x32xf32>
    %concatenate3A_26 = tpu.concatenate %get3A_20, %get3A_25 in 1 : vector<1x32xf32>, vector<1x32xf32> -> vector<1x64xf32>
    %get3A_27 = arith.constant 0 : index
    %get3A_28 = arith.constant 0 : index
    %get3A_29 = arith.constant 0 : index
    %get3A_30 = vector.load %arg1[%get3A_27, %get3A_28, %get3A_29] : memref<1x5000x128xf32, #tpu.memory_space<vmem>>, vector<1x5000x128xf32>
    %get3A_31 = vector.shape_cast %get3A_30 : vector<1x5000x128xf32> to vector<5000x128xf32>
    %get3A_32 = arith.constant 0 : index
    %get3A_33 = arith.constant 0 : index
    %get3A_34 = vector.load %arg5[%get3A_32, %get3A_33] : memref<128x32xf32, #tpu.memory_space<vmem>>, vector<128x32xf32>
    %dot_general3A = arith.constant dense<0.000000e+00> : vector<5000x32xf32>
    %dot_general3A_35 = tpu.matmul %get3A_31, %get3A_34, %dot_general3A {dimension_numbers = #tpu.dot_dimension_numbers<[1], [0], [0], [1], [0, 0, 1, 1], [], []>, transpose_lhs_hint = false} : vector<5000x128xf32>, vector<128x32xf32>, vector<5000x32xf32> -> vector<5000x32xf32>
    %get3A_36 = arith.constant 0 : index
    %get3A_37 = arith.constant 0 : index
    %get3A_38 = vector.load %arg6[%get3A_36, %get3A_37] : memref<1x32xf32, #tpu.memory_space<vmem>>, vector<1x32xf32>
    %add3A = vector.broadcast %get3A_38 : vector<1x32xf32> to vector<5000x32xf32>
    %add3A_39 = arith.addf %dot_general3A_35, %add3A : vector<5000x32xf32>
    %get3A_40 = arith.constant 0 : index
    %get3A_41 = arith.constant 0 : index
    %get3A_42 = arith.constant 0 : index
    %get3A_43 = vector.load %arg2[%get3A_40, %get3A_41, %get3A_42] : memref<1x5000x64xf32, #tpu.memory_space<vmem>>, vector<1x5000x64xf32>
    %get3A_44 = vector.shape_cast %get3A_43 : vector<1x5000x64xf32> to vector<5000x64xf32>
    %dot_general3A_45 = arith.constant dense<0.000000e+00> : vector<5000x64xf32>
    %dot_general3A_46 = tpu.matmul %get3A_44, %concatenate3A_8, %dot_general3A_45 {dimension_numbers = #tpu.dot_dimension_numbers<[1], [0], [0], [1], [0, 0, 1, 1], [], []>, transpose_lhs_hint = false} : vector<5000x64xf32>, vector<64x64xf32>, vector<5000x64xf32> -> vector<5000x64xf32>
    %dot_general3A_47 = arith.constant dense<0.000000e+00> : vector<5000x64xf32>
    %dot_general3A_48 = tpu.matmul %add3A_39, %concatenate3A_11, %dot_general3A_47 {dimension_numbers = #tpu.dot_dimension_numbers<[1], [0], [0], [1], [0, 0, 1, 1], [], []>, transpose_lhs_hint = false} : vector<5000x32xf32>, vector<32x64xf32>, vector<5000x64xf32> -> vector<5000x64xf32>
    %add3A_49 = arith.addf %dot_general3A_46, %dot_general3A_48 : vector<5000x64xf32>
    %add3A_50 = vector.broadcast %concatenate3A_26 : vector<1x64xf32> to vector<5000x64xf32>
    %add3A_51 = arith.addf %add3A_49, %add3A_50 : vector<5000x64xf32>
    %gt3A = arith.constant 0.000000e+00 : f32
    %gt3A_52 = vector.broadcast %gt3A : f32 to vector<5000x64xf32>
    %gt3A_53 = arith.cmpf ogt, %add3A_51, %gt3A_52 : vector<5000x64xf32>
    %mul3A = arith.constant 0.00999999977 : f32
    %mul3A_54 = vector.broadcast %mul3A : f32 to vector<5000x64xf32>
    %mul3A_55 = arith.mulf %mul3A_54, %add3A_51 : vector<5000x64xf32>
    %select_n3A = arith.select %gt3A_53, %add3A_51, %mul3A_55 : vector<5000x64xi1>, vector<5000x64xf32>
    %dot_general3A_56 = arith.constant dense<0.000000e+00> : vector<5000x32xf32>
    %dot_general3A_57 = tpu.matmul %select_n3A, %concatenate3A_15, %dot_general3A_56 {dimension_numbers = #tpu.dot_dimension_numbers<[1], [0], [0], [1], [0, 0, 1, 1], [], []>, transpose_lhs_hint = false} : vector<5000x64xf32>, vector<64x32xf32>, vector<5000x32xf32> -> vector<5000x32xf32>
    %get3A_58 = arith.constant 0 : index
    %get3A_59 = arith.constant 0 : index
    %get3A_60 = vector.load %arg10[%get3A_58, %get3A_59] : memref<1x32xf32, #tpu.memory_space<vmem>>, vector<1x32xf32>
    %add3A_61 = vector.broadcast %get3A_60 : vector<1x32xf32> to vector<5000x32xf32>
    %add3A_62 = arith.addf %dot_general3A_57, %add3A_61 : vector<5000x32xf32>
    %slice3A_63 = vector.extract_strided_slice %select_n3A {offsets = [0, 0], sizes = [5000, 32], strides = [1, 1]} : vector<5000x64xf32> to vector<5000x32xf32>
    %mul3A_64 = arith.mulf %slice3A_63, %add3A_62 : vector<5000x32xf32>
    %reduce_sum3A = arith.constant dense<0.000000e+00> : vector<5000xf32>
    %reduce_sum3A_65 = vector.multi_reduction <add>, %mul3A_64, %reduce_sum3A [1] : vector<5000x32xf32> to vector<5000xf32>
    %broadcast_in_dim3A_66 = vector.shape_cast %reduce_sum3A_65 : vector<5000xf32> to vector<5000x1xf32>
    %swap3A = arith.constant 0 : index
    %swap3A_67 = arith.constant 0 : index
    %swap3A_68 = arith.constant 0 : index
    %swap3A_69 = vector.load %arg11[%swap3A, %swap3A_67, %swap3A_68] : memref<1x5000x1xf32, #tpu.memory_space<vmem>>, vector<1x5000x1xf32>
    %swap3A_70 = vector.shape_cast %swap3A_69 : vector<1x5000x1xf32> to vector<5000x1xf32>
    %swap3A_71 = vector.shape_cast %broadcast_in_dim3A_66 : vector<5000x1xf32> to vector<1x5000x1xf32>
    tpu.vector_store %arg11[%swap3A, %swap3A_67, %swap3A_68], %swap3A_71 {strides = array<i32>} : memref<1x5000x1xf32, #tpu.memory_space<vmem>>, vector<1x5000x1xf32>,
    return
  }
  func.func @transform_0(%arg0: i32) -> (i32, i32, i32) {
    %c0_i32 = arith.constant 0 : i32
    %c0_i32_0 = arith.constant 0 : i32
    %c0_i32_1 = arith.constant 0 : i32
    return %arg0, %c0_i32, %c0_i32_0 : i32, i32, i32
  }
  func.func @transform_1(%arg0: i32) -> (i32, i32, i32) {
    %c0_i32 = arith.constant 0 : i32
    %c0_i32_0 = arith.constant 0 : i32
    %c0_i32_1 = arith.constant 0 : i32
    return %arg0, %c0_i32, %c0_i32_0 : i32, i32, i32
  }
  func.func @transform_2(%arg0: i32) -> (i32, i32, i32) {
    %c0_i32 = arith.constant 0 : i32
    %c0_i32_0 = arith.constant 0 : i32
    %c0_i32_1 = arith.constant 0 : i32
    return %arg0, %c0_i32, %c0_i32_0 : i32, i32, i32
  }
  func.func @transform_3(%arg0: i32) -> (i32, i32, i32) {
    %c0_i32 = arith.constant 0 : i32
    %c0_i32_0 = arith.constant 0 : i32
    %c0_i32_1 = arith.constant 0 : i32
    return %arg0, %c0_i32, %c0_i32_0 : i32, i32, i32
  }
  func.func @transform_4(%arg0: i32) -> (i32, i32) {
    %c0_i32 = arith.constant 0 : i32
    %c0_i32_0 = arith.constant 0 : i32
    %c0_i32_1 = arith.constant 0 : i32
    return %c0_i32, %c0_i32_0 : i32, i32
  }
  func.func @transform_5(%arg0: i32) -> (i32, i32) {
    %c0_i32 = arith.constant 0 : i32
    %c0_i32_0 = arith.constant 0 : i32
    %c0_i32_1 = arith.constant 0 : i32
    return %c0_i32, %c0_i32_0 : i32, i32
  }
  func.func @transform_6(%arg0: i32) -> (i32, i32) {
    %c0_i32 = arith.constant 0 : i32
    %c0_i32_0 = arith.constant 0 : i32
    %c0_i32_1 = arith.constant 0 : i32
    return %c0_i32, %c0_i32_0 : i32, i32
  }
  func.func @transform_7(%arg0: i32) -> (i32, i32) {
    %c0_i32 = arith.constant 0 : i32
    %c0_i32_0 = arith.constant 0 : i32
    %c0_i32_1 = arith.constant 0 : i32
    return %c0_i32, %c0_i32_0 : i32, i32
  }
  func.func @transform_8(%arg0: i32) -> (i32, i32) {
    %c0_i32 = arith.constant 0 : i32
    %c0_i32_0 = arith.constant 0 : i32
    %c0_i32_1 = arith.constant 0 : i32
    return %c0_i32, %c0_i32_0 : i32, i32
  }
  func.func @transform_9(%arg0: i32) -> (i32, i32) {
    %c0_i32 = arith.constant 0 : i32
    %c0_i32_0 = arith.constant 0 : i32
    %c0_i32_1 = arith.constant 0 : i32
    return %c0_i32, %c0_i32_0 : i32, i32
  }
  func.func @transform_10(%arg0: i32) -> (i32, i32, i32) {
    %c0_i32 = arith.constant 0 : i32
    %c0_i32_0 = arith.constant 0 : i32
    %c0_i32_1 = arith.constant 0 : i32
    return %arg0, %c0_i32, %c0_i32_0 : i32, i32, i32
  }
}

module attributes {stable_mosaic.version = 14 : i64} {
  func.func @_topk_body(%arg0: memref<1xi32, #tpu.memory_space<smem>>, %arg1: memref<64x5000xf32, #tpu.memory_space<vmem>>, %arg2: memref<64x5000xf32, #tpu.memory_space<vmem>>, %arg3: memref<64x5000xf32, #tpu.memory_space<vmem>>) attributes {dimension_semantics = [], scalar_prefetch = 0 : i64, scratch_operands = 0 : i64, tpu.core_type = #tpu.core_type<tc>} {
    %get3A = arith.constant 0 : index
    %get3A_0 = arith.constant 0 : index
    %get3A_1 = vector.load %arg1[%get3A, %get3A_0] : memref<64x5000xf32, #tpu.memory_space<vmem>>, vector<64x5000xf32>
    %reduce_max3A = arith.constant dense<0xFF800000> : vector<64xf32>
    %reduce_max3A_2 = vector.multi_reduction <maximumf>, %get3A_1, %reduce_max3A [1] : vector<64x5000xf32> to vector<64xf32>
    %broadcast_in_dim3A = vector.shape_cast %reduce_max3A_2 : vector<64xf32> to vector<64x1xf32>
    %sub3A = vector.broadcast %broadcast_in_dim3A : vector<64x1xf32> to vector<64x5000xf32>
    %sub3A_3 = arith.subf %get3A_1, %sub3A : vector<64x5000xf32>
    %exp3A = math.exp %sub3A_3 : vector<64x5000xf32>
    %reduce_sum3A = arith.constant dense<0.000000e+00> : vector<64xf32>
    %reduce_sum3A_4 = vector.multi_reduction <add>, %exp3A, %reduce_sum3A [1] : vector<64x5000xf32> to vector<64xf32>
    %broadcast_in_dim3A_5 = vector.shape_cast %reduce_sum3A_4 : vector<64xf32> to vector<64x1xf32>
    %div3A = vector.broadcast %broadcast_in_dim3A_5 : vector<64x1xf32> to vector<64x5000xf32>
    %div3A_6 = arith.divf %exp3A, %div3A : vector<64x5000xf32>
    %get3A_7 = arith.constant 0 : index
    %get3A_8 = arith.constant 0 : index
    %get3A_9 = vector.load %arg2[%get3A_7, %get3A_8] : memref<64x5000xf32, #tpu.memory_space<vmem>>, vector<64x5000xf32>
    %mul3A = arith.mulf %div3A_6, %get3A_9 : vector<64x5000xf32>
    %bitcast_convert_type3A = tpu.bitcast %mul3A : vector<64x5000xf32> -> vector<64x5000xi32>
    %get3A_10 = arith.constant 0 : index
    %get3A_11 = memref.load %arg0[%get3A_10] : memref<1xi32, #tpu.memory_space<smem>>
    %broadcast_in_dim3A_12 = arith.constant 0 : i32
    %broadcast_in_dim3A_13 = vector.broadcast %broadcast_in_dim3A_12 : i32 to vector<64x1xi32>
    %broadcast_in_dim3A_14 = arith.constant 2147483647 : i32
    %broadcast_in_dim3A_15 = vector.broadcast %broadcast_in_dim3A_14 : i32 to vector<64x1xi32>
    %scan3A = arith.constant 0 : i32
    %scan3A_16 = arith.constant 31 : i32
    %scan3A_17 = arith.addi %scan3A, %scan3A_16 : i32
    %scan3A_18 = arith.constant 1 : i32
    %scan3A_19:2 = scf.for %scan3A_24 = %scan3A to %scan3A_17 step %scan3A_18 iter_args(%scan3A_25 = %broadcast_in_dim3A_13, %scan3A_26 = %broadcast_in_dim3A_15) -> (vector<64x1xi32>, vector<64x1xi32>)  : i32 {
      %sub3A_27 = arith.subi %scan3A_26, %scan3A_25 : vector<64x1xi32>
      %shift_right_logical3A = arith.constant 1 : i32
      %shift_right_logical3A_28 = vector.broadcast %shift_right_logical3A : i32 to vector<64x1xi32>
      %shift_right_logical3A_29 = arith.shrui %sub3A_27, %shift_right_logical3A_28 : vector<64x1xi32>
      %add3A = arith.addi %scan3A_25, %shift_right_logical3A_29 : vector<64x1xi32>
      %ge3A_30 = vector.broadcast %add3A : vector<64x1xi32> to vector<64x5000xi32>
      %ge3A_31 = arith.cmpi sge, %bitcast_convert_type3A, %ge3A_30 : vector<64x5000xi32>
      %convert_element_type3A = arith.extui %ge3A_31 : vector<64x5000xi1> to vector<64x5000xi32>
      %reduce_sum3A_32 = arith.constant dense<0> : vector<64xi32>
      %reduce_sum3A_33 = vector.multi_reduction <add>, %convert_element_type3A, %reduce_sum3A_32 [1] : vector<64x5000xi32> to vector<64xi32>
      %broadcast_in_dim3A_34 = vector.shape_cast %reduce_sum3A_33 : vector<64xi32> to vector<64x1xi32>
      %ge3A_35 = vector.broadcast %get3A_11 : i32 to vector<64x1xi32>
      %ge3A_36 = arith.cmpi sge, %broadcast_in_dim3A_34, %ge3A_35 : vector<64x1xi32>
      %select_n3A_37 = arith.select %ge3A_36, %add3A, %scan3A_25 : vector<64x1xi1>, vector<64x1xi32>
      %select_n3A_38 = arith.select %ge3A_36, %scan3A_26, %add3A : vector<64x1xi1>, vector<64x1xi32>
      scf.yield %select_n3A_37, %select_n3A_38 : vector<64x1xi32>, vector<64x1xi32>
    }
    %ge3A = vector.broadcast %scan3A_19#0 : vector<64x1xi32> to vector<64x5000xi32>
    %ge3A_20 = arith.cmpi sge, %bitcast_convert_type3A, %ge3A : vector<64x5000xi32>
    %jit3A = arith.constant 0.000000e+00 : f32
    %broadcast_in_dim3A_21 = vector.broadcast %jit3A : f32 to vector<64x5000xf32>
    %select_n3A = arith.select %ge3A_20, %mul3A, %broadcast_in_dim3A_21 : vector<64x5000xi1>, vector<64x5000xf32>
    %swap3A = arith.constant 0 : index
    %swap3A_22 = arith.constant 0 : index
    %swap3A_23 = vector.load %arg3[%swap3A, %swap3A_22] : memref<64x5000xf32, #tpu.memory_space<vmem>>, vector<64x5000xf32>
    tpu.vector_store %arg3[%swap3A, %swap3A_22], %select_n3A {strides = array<i32>} : memref<64x5000xf32, #tpu.memory_space<vmem>>, vector<64x5000xf32>,
    return
  }
}

module attributes {stable_mosaic.version = 14 : i64} {
  func.func @_add_body(%arg0: memref<2x10000xf32, #tpu.memory_space<vmem>>, %arg1: memref<10000xf32, #tpu.memory_space<vmem>>) attributes {dimension_semantics = [], scalar_prefetch = 0 : i64, scratch_operands = 0 : i64, tpu.core_type = #tpu.core_type<tc>} {
    %get3A = arith.constant 0 : index
    %get3A_0 = arith.constant 0 : index
    %get3A_1 = vector.load %arg0[%get3A, %get3A_0] : memref<2x10000xf32, #tpu.memory_space<vmem>>, vector<1x10000xf32>
    %get3A_2 = vector.shape_cast %get3A_1 : vector<1x10000xf32> to vector<10000xf32>
    %get3A_3 = arith.constant 1 : index
    %get3A_4 = arith.constant 0 : index
    %get3A_5 = vector.load %arg0[%get3A_3, %get3A_4] : memref<2x10000xf32, #tpu.memory_space<vmem>>, vector<1x10000xf32>
    %get3A_6 = vector.shape_cast %get3A_5 : vector<1x10000xf32> to vector<10000xf32>
    %add3A = arith.addf %get3A_2, %get3A_6 : vector<10000xf32>
    %swap3A = arith.constant 0 : index
    %swap3A_7 = vector.load %arg1[%swap3A] : memref<10000xf32, #tpu.memory_space<vmem>>, vector<10000xf32>
    tpu.vector_store %arg1[%swap3A], %add3A {strides = array<i32>} : memref<10000xf32, #tpu.memory_space<vmem>>, vector<10000xf32>,
    return
  }
}

</mosaic_0001>

<sc_bundles>
// kernel: kernel.11.cloned.1.call-start
scs
__scs_entry_jumppad:
0x0: {  	(pc) =	sbr.rel $0x88, $3  }
0x1: {  	(tag) =	ssettag $0x0;
	lr =	simm.s32 $0x1  }
0x2: {  	[smem:$0x3F90] =	sst lr;
	_ =	strace $0xD0000000  }
0x3: {  	_ = 	snop  }
0x4: {  	_ = 	snop  }
0x5: {  	_ = 	snop  }
0x6: {  	_ = 	snop  }
0x7: {  	_ = 	snop  }
__scs_overlays_trampoline_lowered:
0x8: {  	[smem:$0x3F9F] =	sst s0  }
0x9: {  	[smem:$0x3FA0] =	sst s1  }
0xa: {  	[smem:$0x3FA1] =	sst s2  }
0xb: {  	[smem:$0x3FA2] =	sst s3  }
0xc: {  	[smem:$0x3FA3] =	sst s4  }
0xd: {  	[smem:$0x3FA4] =	sst s5  }
0xe: {  	[smem:$0x3FA5] =	sst s6  }
0xf: {  	[smem:$0x3FA6] =	sst s7  }
0x10: {  	[smem:$0x3FA7] =	sst s8  }
0x11: {  	[smem:$0x3FA8] =	sst s9;
	s0 =	simm.s32 @!p0 $0x0  }
0x12: {  	s1 =	sld [smem:$0x3F8E];
	s0 =	simm.s32 @p0 $0x1  }
0x13: {  	[smem:$0x3FA9] =	sst s0;
	s0 =	simm.s32 @!p1 $0x0  }
0x14: {  	s2 =	sld [smem:$0x3F8D];
	s0 =	simm.s32 @p1 $0x1  }
0x15: {  	[smem:$0x3FAA] =	sst s0;
	s0 =	simm.s32 @!p2 $0x0  }
0x16: {  	s3 =	sld [smem:$0x3FDB];
	s0 =	simm.s32 @p2 $0x1  }
0x17: {  	s4 =	simm.s32 $0x1BF5;
	[smem:$0x3FAC] =	sst s0  }
0x18: {  	s0 =	sld [smem:$0x3F8F];
	_ =	swait.ge [sflag:s4], $0x0  }
0x19: {  	s7 =	sld [smem:$0x3F90]  }
0x1a: {  	s8 =	sadd.s32 $0xFFFFE003, lr  }
0x1b: {  	s9 =	sadd.s32 $0xFFFFFEF7, lr;
	s5 =	simm.s32 $0xFFFFFFFF;
	p2 =	slt.u32 s8, $0xFFFFF086  }
0x1c: {  	p1 =	slt.u32 s9, $0xF7A;
	s5 =	simm.s32 @!p2 $0x0  }
0x1d: {  	s5 =	simm.s32 @p1 $0x1;
	p0 =	seq.s32 s7, s2  }
0x1e: {  	s7 =	smul.u32 @!p0 $0xF7A, s2;
	p2 =	seq.s32 @!p0 s5, $0x0  }
0x1f: {  	s9 =	smul.u32 $0xF7A, s1;
	s8 =	simm.s32 @!p0 $0x1BF5;
	p2 =	por !p2, p0  }
0x20: {  	[sflag:s8] =	ssyncset.s32 @!p0 $0xFFFFF086;
	s6 =	sadd.s32 @!p0 s3, s7;
	s7 =	simm.s32 @!p0 $0x108  }
0x21: {  	s3 =	sadd.s32 s3, s9;
	s6 =	sadd.s32 @!p0 $0x88, s6;
	s7 =	simm.s32 @p2 $0x1082  }
0x22: {  	[simem:s7], [sflag:s8] =	dma.local @!p0 [hbm:s6], $0xF7A  }
0x23: {  	s9 =	sor.u32 $0xD0000000, s2;
	s6 =	simm.s32 $0x108;
	_ =	swait.ge @!p0 [sflag:s8], $0x0  }
0x24: {  	s3 =	sadd.s32 $0x88, s3;
	s6 =	simm.s32 @!p1 $0x1082;
	[sflag:s4] =	ssyncset.s32 $0xFFFFF086  }
0x25: {  	[simem:s6], [sflag:s4] =	dma.local [hbm:s3], $0xF7A  }
0x26: {  	[smem:$0x3F90] =	sst s1;
	(tag) =	ssettag s2;
	_ =	strace s9  }
0x27: {  	s1 =	sld [smem:$0x3FA0]  }
0x28: {  	s2 =	sld [smem:$0x3FA1]  }
0x29: {  	s4 =	sld [smem:$0x3FA3]  }
0x2a: {  	p0 =	seq.s32 s5, $0x0;
	s5 =	sld [smem:$0x3FA4]  }
0x2b: {  	s6 =	sld [smem:$0x3FA5]  }
0x2c: {  	s7 =	sld [smem:$0x3FA6]  }
0x2d: {  	s3 =	simm.s32 $0x108;
	s8 =	sld [smem:$0x3FA7]  }
0x2e: {  	s3 =	simm.s32 @!p0 $0x1082;
	s9 =	sld [smem:$0x3FA8]  }
0x2f: {  	lr =	sadd.s32 s0, s3;
	s0 =	sld [smem:$0x3F9F]  }
0x30: {  	s3 =	sld [smem:$0x3FA2]  }
0x31: {  	[smem:$0x3FAB] =	sst s10  }
0x32: {  	s10 =	sld [smem:$0x3FA9];
	_ =	sdelay $0x3  }
0x33: {  	p0 =	seq.s32 s10, $0x1;
	s10 =	sld [smem:$0x3FAB];
	_ =	sdelay $0x3  }
0x34: {  	[smem:$0x3FAB] =	sst s10  }
0x35: {  	s10 =	sld [smem:$0x3FAA];
	_ =	sdelay $0x3  }
0x36: {  	p1 =	seq.s32 s10, $0x1;
	s10 =	sld [smem:$0x3FAB];
	_ =	sdelay $0x3  }
0x37: {  	[smem:$0x3FAB] =	sst s10  }
0x38: {  	s10 =	sld [smem:$0x3FAC]  }
0x39: {  	_ = 	snop;
	(pc) =	sbr.ind lr, $3  }
0x3a: {  	_ = 	snop  }
0x3b: {  	_ = 	snop  }
0x3c: {  	p2 =	seq.s32 s10, $0x1;
	s10 =	sld [smem:$0x3FAB]  }
0x3d: {  	_ =	shalt  }
0x3e: {  	_ =	shalt  }
0x3f: {  	_ =	shalt  }
0x40: {  	_ =	shalt  }
0x41: {  	_ =	shalt  }
0x42: {  	_ =	shalt  }
0x43: {  	_ =	shalt  }
0x44: {  	_ =	shalt  }
0x45: {  	_ =	shalt  }
0x46: {  	_ =	shalt  }
0x47: {  	_ =	shalt  }
0x48: {  	_ =	shalt  }
0x49: {  	_ =	shalt  }
0x4a: {  	_ =	shalt  }
0x4b: {  	_ =	shalt  }
0x4c: {  	_ =	shalt  }
0x4d: {  	_ =	shalt  }
0x4e: {  	_ =	shalt  }
0x4f: {  	_ =	shalt  }
0x50: {  	_ =	shalt  }
0x51: {  	_ =	shalt  }
0x52: {  	_ =	shalt  }
0x53: {  	_ =	shalt  }
0x54: {  	_ =	shalt  }
0x55: {  	_ =	shalt  }
0x56: {  	_ =	shalt  }
0x57: {  	_ =	shalt  }
0x58: {  	_ =	shalt  }
0x59: {  	_ =	shalt  }
0x5a: {  	_ =	shalt  }
0x5b: {  	_ =	shalt  }
0x5c: {  	_ =	shalt  }
0x5d: {  	_ =	shalt  }
0x5e: {  	_ =	shalt  }
0x5f: {  	_ =	shalt  }
0x60: {  	_ =	shalt  }
0x61: {  	_ =	shalt  }
0x62: {  	_ =	shalt  }
0x63: {  	_ =	shalt  }
0x64: {  	_ =	shalt  }
0x65: {  	_ =	shalt  }
0x66: {  	_ =	shalt  }
0x67: {  	_ =	shalt  }
0x68: {  	_ =	shalt  }
0x69: {  	_ =	shalt  }
0x6a: {  	_ =	shalt  }
0x6b: {  	_ =	shalt  }
0x6c: {  	_ =	shalt  }
0x6d: {  	_ =	shalt  }
0x6e: {  	_ =	shalt  }
0x6f: {  	_ =	shalt  }
0x70: {  	_ =	shalt  }
0x71: {  	_ =	shalt  }
0x72: {  	_ =	shalt  }
0x73: {  	_ =	shalt  }
0x74: {  	_ =	shalt  }
0x75: {  	_ =	shalt  }
0x76: {  	_ =	shalt  }
0x77: {  	_ =	shalt  }
0x78: {  	_ =	shalt  }
0x79: {  	_ =	shalt  }
0x7a: {  	_ =	shalt  }
0x7b: {  	_ =	shalt  }
0x7c: {  	_ =	shalt  }
0x7d: {  	_ =	shalt  }
0x7e: {  	_ =	shalt  }
0x7f: {  	_ =	shalt  }
0x80: {  	_ =	shalt  }
0x81: {  	_ =	shalt  }
0x82: {  	_ =	shalt  }
0x83: {  	_ =	shalt  }
0x84: {  	_ =	shalt  }
0x85: {  	_ =	shalt  }
0x86: {  	_ =	shalt  }
0x87: {  	_ =	shalt  }
.Lfunc_end0:
.L_simem_size_0:
called_computation.1_lowered:
.L_overlay_start_0:
0x88: {  	s2 =	sld [smem:$0x3FD9]  }
0x89: {  	s3 =	sld [smem:$0x3FFE];
	_ =	sdelay $0x1  }
0x8a: {  	s1 =	srdreg.scid  }
0x8b: {  	s0 =	sand.u32 $0x1, s1  }
0x8c: {  	s16 =	sshll.u32 s0, $0xA;
	s2 =	sadd.s32 s3, s2  }
0x8d: {  	s2 =	sadd.s32 s2, s16  }
0x8e: {  	[smem:$0x3FB7] =	sst s2  }
0x8f: {  	_ = 	snop  }
0x90: {  	(tm) =	ssettm $0x1  }
0x91: {  	s17 =	sld [smem:$0x3FFB];
	_ =	sdelay $0x3  }
0x92: {  	_ =	strace s17  }
0x93: {  	s2 =	sld [smem:$0x3FFC];
	_ =	sdelay $0x3  }
0x94: {  	_ =	strace s2  }
0x95: {  	s2 =	sld [smem:$0x3FFD];
	_ =	sdelay $0x3  }
0x96: {  	_ =	strace s2  }
0x97: {  	_ =	strace $0x8FFFFFFF  }
0x98: {  	s18 =	sld [smem:$0x3FDB];
	_ =	sdelay $0x1  }
0x99: {  	s19 =	simm.s32 $_scs_section_size  }
0x9a: {  	s4 =	simm.s32 $_size__tile_overlayer_lowered;
	s5 =	simm.s32 $_tile_overlayer_lowered  }
0x9b: {  	s22 =	simm.s32 $0x1BFF;
	s21 =	sshll.u32 s5, $0x1;
	s2 =	sadd.s32 s19, s18  }
0x9c: {  	s6 =	simm.s32 $0x0;
	s20 =	sshll.u32 s4, $0x1;
	s4 =	sadd.s32 s21, s2  }
0x9d: {  	[timem:s6], [sflag:s22] =	dma.local [hbm:s4], s20  }
0x9e: {  	_ =	swait.ge [sflag:s22], s20  }
0x9f: {  	s3 =	ssub.s32 $0x0, s20;
	[sflag:s22] =	ssyncset.done $0x0  }
0xa0: {  	[sflag:s22] =	ssyncadd.s32 s3;
	_ =	sdelay $0x1  }
0xa1: {  	s23 =	simm.s32 $0x1B8B  }
0xa2: {  	_ =	swait.ge [sflag:s23], $0x1  }
0xa3: {  	[sflag:s23] =	ssyncset.done $0x0  }
0xa4: {  	s25 =	simm.s32 $0x1B8E;
	s24 =	sld [smem:$0x3FFE];
	[sflag:s23] =	ssyncadd.s32 $0xFFFFFFFF  }
0xa5: {  	s26 =	simm.s32 $execute0_lowered;
	[smem:$0x3FD2] =	sst s25  }
0xa6: {  	s4 =	sshll.u32 s26, $0x1;
	_ =	strace $0x80000049;
	[dreg:$0x1] =	wrdreg $0xFFFFFFFF  }
0xa7: {  	s28 =	simm.s32 $_size_execute0_lowered;
	s2 =	sadd.s32 s2, s4;
	[dreg:$0x0] =	wrdreg $0x0  }
0xa8: {  	s4 =	sshll.u32 s28, $0x1;
	[dreg:$0x2] =	wrdreg s2  }
0xa9: {  	[dreg:$0x3] =	wrdreg s4  }
0xaa: {  	[dreg:$0x4] =	wrdreg $0xC0  }
0xab: {  	_ =	task [dreg:s6], $0x5FFFF  }
0xac: {  	[dreg:$0x1] =	wrdreg $0xFFFFFFFF  }
0xad: {  	[dreg:$0x0] =	wrdreg $0x60  }
0xae: {  	[dreg:$0x2] =	wrdreg s24  }
0xaf: {  	[dreg:$0x3] =	wrdreg $0x77800  }
0xb0: {  	[dreg:$0x4] =	wrdreg $0x9  }
0xb1: {  	_ =	task.clear_ibuf [dreg:s6], $0x5FFFF;
	_ =	strace $0x90000049  }
0xb2: {  	s29 =	simm.s32 $0x9;
	_ =	strace $0x8000004B  }
0xb3: {  	_ =	swait.ge [sflag:s29], $0x1  }
0xb4: {  	[sflag:s29] =	ssyncadd.s32 $0xFFFFFFFF  }
0xb5: {  	_ =	strace $0x9000004B  }
0xb6: {  	_ =	sfence  }
0xb7: {  	s30 =	sld [smem:$0x0];
	_ =	sdelay $0x2  }
0xb8: {  	s31 =	sshll.u32 s1, $0xD;
	s1 =	sshrl.u32 s1, $0x2  }
0xb9: {  	s3 =	sand.u32 $0x4000, s31;
	s1 =	sadd.s32 s1, s30  }
0xba: {  	s0 =	sor.u32 s3, s0;
	s1 =	sshll.u32 s1, $0x11  }
0xbb: {  	s0 =	sor.u32 s1, s0  }
0xbc: {  	s0 =	sadd.s32 $0x8F2B, s0  }
0xbd: {  	[sflag:s0] =	ssyncadd.remote.s32 $0x1  }
0xbe: {  	_ =	sfence.sel $0xFFFF  }
0xbf: {  	[dreg:$0x0] =	wrdreg $0xFFFFFFFF;
	(pc) =	sbr.abs _section_cstart, $3  }
0xc0: {  	[dreg:$0x1] =	wrdreg $0xFFFFFFFF  }
0xc1: {  	_ =	task.clear_ibuf [dreg:s6], $0x2FFFF;
	_ =	strace $0x9FFFFFFF  }
0xc2: {  	(tm) =	ssettm $0x7FFFFFFF  }
0xc3: {  	_ =	shalt  }
tec
execute0_lowered:
.L_overlay_start_1:
0x0: {  	(tag) =	ssettag $0x1  }
0x1: {  	s3 =	rddreg [dreg:$0x0];
	s0 =	srdreg.scid  }
0x2: {  	s7 =	stileid.u32;
	s1 =	rddreg [dreg:$0x1]  }
0x3: {  	s2 =	simm.s32 $0x0;
	s4 =	sand.u32 $0x1, s0;
	s0 =	rddreg [dreg:$0x2]  }
0x4: {  	s10 =	simm.s32 $0x80;
	s5 =	sshll.u32 s7, $0x1;
	[smem:$0x7FF] =	sst s2  }
0x5: {  	p0 =	sne.s32 s7, $0x0;
	s7 =	simm.s32 $0x5000;
	s5 =	sor.u32 s4, s5  }
0x6: {  	_ =	strace $0x8000004A;
	s6 =	ssub.s32 $0x2, s4;
	s5 =	smul.u32 $0x500, s5  }
0x7: {  	s4 =	sshll.u32 s4, $0x4;
	s11 =	sshrl.u32 @!p0 s1, $0x3;
	s8 =	sshrl.u32 s6, $0x1  }
0x8: {  	s9 =	sadd.s32 s4, s3;
	s6 =	ssub.s32 s6, s8;
	s5 =	sadd.s32 s5, s3  }
0x9: {  	s8 =	simm.s32 $0x1;
	s6 =	smax.u32 s6, $0x1;
	s3 =	sadd.s32 $0x1C00, s5  }
0xa: {  	v0 =	vimm.f32 $0.0e+00;
	s4 =	sadd.s32 $0x29A400, s5;
	s5 =	sadd.s32 $0xBC00, s9;
	s9 =	simm.s32 $0x2800  }
.LBB2_1:
.Ltmp0:
0xb: {  	(pc) =	sbr.rel @p0 .LBB2_5-.Ltmp0, $1  }
0xc: {  	_ =	sdelay $0x3  }
0xd: {  	s12 =	simm.s32 $0x40;
	s13 =	simm.s32 $0x0  }
.LBB2_3:
0xe: {  	p1 =	sne.s32 s12, $0x9C00;
	[tilespmem:s13+$0x5000] =	vst v0;
	s13 =	smov.u32 s12;
	s12 =	sadd.s32 $0x40, s12  }
.Ltmp1:
0xf: {  	(pc) =	sbr.rel @p1 .LBB2_3-.Ltmp1, $2  }
0x10: {  	_ =	sdelay $0x2  }
0x11: {  	s13 =	sshra.s32 s13, $0x2  }
0x12: {  	[tilespmem:s13+$0x5000] =	vst v0  }
0x13: {  	[spmem:s1] =	stream.linear.scatter [tilespmem:s7], [sflag:$0x1], $0x2780, $0x38;
	[tilespmem:$0x79F8] =	vst v63  }
0x14: {  	_ =	swait.ge [sflag:s8], $0x2780  }
0x15: {  	[sflag:s8] =	ssyncset.done $0x0  }
0x16: {  	[sflag:s8] =	ssyncadd.s32 $0xFFFFD880  }
.LBB2_5:
0x17: {  	s12 =	simm.s32 $0x0  }
0x18: {  	[tilespmem:s12], [sflag:$0x1] =	stream.linear.gather [hbm4b:s3+s12], $0x2780, $0x38;
	[tilespmem:$0x79F8] =	vst v63  }
0x19: {  	_ =	swait.ge [sflag:s8], $0x2780  }
0x1a: {  	[sflag:s8] =	ssyncset.done $0x0  }
0x1b: {  	[sflag:s8] =	ssyncadd.s32 $0xFFFFD880  }
0x1c: {  	[tilespmem:s9], [sflag:$0x1] =	stream.linear.gather [hbm4b:s4+s12], $0x2780, $0x38;
	[tilespmem:$0x79F8] =	vst v63  }
0x1d: {  	_ =	swait.ge [sflag:s8], $0x2780  }
0x1e: {  	[sflag:s8] =	ssyncset.done $0x0  }
0x1f: {  	[sflag:s8] =	ssyncadd.s32 $0xFFFFD880  }
0x20: {  	s31 =	simm.s32 $0x0;
	s13 =	simm.s32 $0x2800;
	[bflag:$0x0] =	sbarrier.arrive $0xFFFF  }
0x21: {  	[spmem:s1] =	stream.indirect.scatter.add.f32 [tilespmem:s31], [sflag:$0x1], $0x1, s13, s10, $0xb8;
	[tilespmem:$0x79F8] =	vst v63  }
0x22: {  	s12 =	simm.s32 $0x200;
	_ =	swait.ge [sflag:s8], $0x80  }
.LBB2_6:
0x23: {  	s13 =	sshra.s32 s12, $0x2;
	[sflag:s8] =	ssyncset.done $0x0;
	p1 =	sne.s32 s12, $0x9C00  }
.Ltmp2:
0x24: {  	s14 =	sadd.s32 $0x2800, s13;
	[sflag:s8] =	ssyncadd.s32 $0xFFFFFF80;
	(pc) =	sbr.rel @p1 .LBB2_6-.Ltmp2, $3  }
0x25: {  	[spmem:s1] =	stream.indirect.scatter.add.f32 [tilespmem:s13], [sflag:$0x1], $0x1, s14, s10, $0xb8;
	[tilespmem:$0x79F8] =	vst v63  }
0x26: {  	s12 =	sadd.s32 $0x200, s12;
	_ =	sdelay $0x1  }
0x27: {  	_ =	swait.ge [sflag:s8], $0x80  }
0x28: {  	[sflag:s8] =	ssyncset.done $0x0  }
0x29: {  	s12 =	simm.s32 @!p0 $0x1;
	s13 =	simm.s32 @!p0 $0x20;
	s2 =	sadd.s32 $0x1, s2  }
0x2a: {  	s14 =	simm.s32 @!p0 $0x10;
	[sflag:s8] =	ssyncadd.s32 $0xFFFFFF80;
	p1 =	sne.s32 s2, s6  }
.Ltmp3:
0x2b: {  	s15 =	simm.s32 @!p0 $0x1C01;
	[bflag:$0x0] =	sbarrier.arrive $0xFFFF;
	(pc) =	sbr.rel @p1 .LBB2_1-.Ltmp3, $4  }
0x2c: {  	[hbm:s5@s13], [sflag:s15] =	dma.strided @!p0 [spmem:s11@s14], $0x4F0, s12, $0x10   }
0x2d: {  	_ =	swait.ge @!p0 [sflag:s12], $0x4F0  }
0x2e: {  	[sflag:s12] =	ssyncset.done @!p0 $0x0  }
0x2f: {  	[sflag:s12] =	ssyncadd.s32 @!p0 $0xFFFFFB10  }
0x30: {  	_ =	sfence.sel $0x180000  }
0x31: {  	[bflag:$0x0] =	sbarrier.arrive $0xFFFF  }
0x32: {  	_ =	strace $0x9000004A  }
0x33: {  	s0 =	sadd.s32 @!p0 $0x100000, s0;
	[bflag:$0x2] =	sbarrier.arrive $0xFFFF  }
0x34: {  	[sflag:s0] =	ssyncadd.tile.s32 @!p0 $0x1;
	_ =	shalt  }
.Lfunc_end2:
_tile_overlayer_lowered:
.L_overlay_start_2:
0x35: {  	(tag) =	ssettag $0x2  }
0x36: {  	s0 =	rddreg [dreg:$0x0];
	s2 =	stileid.u32  }
0x37: {  	s1 =	rddreg [dreg:$0x1];
	p0 =	sne.s32 s2, $0x0  }
0x38: {  	s3 =	rddreg [dreg:$0x2];
	[bflag:$0x3] =	sbarrier.arrive $0xFFFF;
	s2 =	simm.s32 @!p0 $0x1C01  }
0x39: {  	[timem:s3], [sflag:s2] =	dma.local @!p0 [hbm:s0], s1  }
0x3a: {  	s0 =	simm.s32 @!p0 $0x1  }
0x3b: {  	_ =	swait.ge @!p0 [sflag:s0], s1  }
0x3c: {  	s1 =	ssub.s32 @!p0 $0x0, s1;
	[sflag:s0] =	ssyncset.done @!p0 $0x0  }
0x3d: {  	[sflag:s0] =	ssyncadd.s32 @!p0 s1  }
0x3e: {  	[bflag:$0x3] =	sbarrier.arrive $0xFFFF  }
0x3f: {  	_ =	shalt  }

// kernel: kernel.8.cloned.1.call-start
scs
__scs_entry_jumppad:
0x0: {  	(pc) =	sbr.rel $0x88, $3  }
0x1: {  	(tag) =	ssettag $0x0;
	lr =	simm.s32 $0x1  }
0x2: {  	[smem:$0x3F90] =	sst lr;
	_ =	strace $0xD0000000  }
0x3: {  	_ = 	snop  }
0x4: {  	_ = 	snop  }
0x5: {  	_ = 	snop  }
0x6: {  	_ = 	snop  }
0x7: {  	_ = 	snop  }
__scs_overlays_trampoline_lowered:
0x8: {  	[smem:$0x3F9F] =	sst s0  }
0x9: {  	[smem:$0x3FA0] =	sst s1  }
0xa: {  	[smem:$0x3FA1] =	sst s2  }
0xb: {  	[smem:$0x3FA2] =	sst s3  }
0xc: {  	[smem:$0x3FA3] =	sst s4  }
0xd: {  	[smem:$0x3FA4] =	sst s5  }
0xe: {  	[smem:$0x3FA5] =	sst s6  }
0xf: {  	[smem:$0x3FA6] =	sst s7  }
0x10: {  	[smem:$0x3FA7] =	sst s8  }
0x11: {  	[smem:$0x3FA8] =	sst s9;
	s0 =	simm.s32 @!p0 $0x0  }
0x12: {  	s1 =	sld [smem:$0x3F8E];
	s0 =	simm.s32 @p0 $0x1  }
0x13: {  	[smem:$0x3FA9] =	sst s0;
	s0 =	simm.s32 @!p1 $0x0  }
0x14: {  	s2 =	sld [smem:$0x3F8D];
	s0 =	simm.s32 @p1 $0x1  }
0x15: {  	[smem:$0x3FAA] =	sst s0;
	s0 =	simm.s32 @!p2 $0x0  }
0x16: {  	s3 =	sld [smem:$0x3FDB];
	s0 =	simm.s32 @p2 $0x1  }
0x17: {  	s4 =	simm.s32 $0x1BF5;
	[smem:$0x3FAC] =	sst s0  }
0x18: {  	s0 =	sld [smem:$0x3F8F];
	_ =	swait.ge [sflag:s4], $0x0  }
0x19: {  	s7 =	sld [smem:$0x3F90]  }
0x1a: {  	s8 =	sadd.s32 $0xFFFFE003, lr  }
0x1b: {  	s9 =	sadd.s32 $0xFFFFFEF7, lr;
	s5 =	simm.s32 $0xFFFFFFFF;
	p2 =	slt.u32 s8, $0xFFFFF086  }
0x1c: {  	p1 =	slt.u32 s9, $0xF7A;
	s5 =	simm.s32 @!p2 $0x0  }
0x1d: {  	s5 =	simm.s32 @p1 $0x1;
	p0 =	seq.s32 s7, s2  }
0x1e: {  	s7 =	smul.u32 @!p0 $0xF7A, s2;
	p2 =	seq.s32 @!p0 s5, $0x0  }
0x1f: {  	s9 =	smul.u32 $0xF7A, s1;
	s8 =	simm.s32 @!p0 $0x1BF5;
	p2 =	por !p2, p0  }
0x20: {  	[sflag:s8] =	ssyncset.s32 @!p0 $0xFFFFF086;
	s6 =	sadd.s32 @!p0 s3, s7;
	s7 =	simm.s32 @!p0 $0x108  }
0x21: {  	s3 =	sadd.s32 s3, s9;
	s6 =	sadd.s32 @!p0 $0x88, s6;
	s7 =	simm.s32 @p2 $0x1082  }
0x22: {  	[simem:s7], [sflag:s8] =	dma.local @!p0 [hbm:s6], $0xF7A  }
0x23: {  	s9 =	sor.u32 $0xD0000000, s2;
	s6 =	simm.s32 $0x108;
	_ =	swait.ge @!p0 [sflag:s8], $0x0  }
0x24: {  	s3 =	sadd.s32 $0x88, s3;
	s6 =	simm.s32 @!p1 $0x1082;
	[sflag:s4] =	ssyncset.s32 $0xFFFFF086  }
0x25: {  	[simem:s6], [sflag:s4] =	dma.local [hbm:s3], $0xF7A  }
0x26: {  	[smem:$0x3F90] =	sst s1;
	(tag) =	ssettag s2;
	_ =	strace s9  }
0x27: {  	s1 =	sld [smem:$0x3FA0]  }
0x28: {  	s2 =	sld [smem:$0x3FA1]  }
0x29: {  	s4 =	sld [smem:$0x3FA3]  }
0x2a: {  	p0 =	seq.s32 s5, $0x0;
	s5 =	sld [smem:$0x3FA4]  }
0x2b: {  	s6 =	sld [smem:$0x3FA5]  }
0x2c: {  	s7 =	sld [smem:$0x3FA6]  }
0x2d: {  	s3 =	simm.s32 $0x108;
	s8 =	sld [smem:$0x3FA7]  }
0x2e: {  	s3 =	simm.s32 @!p0 $0x1082;
	s9 =	sld [smem:$0x3FA8]  }
0x2f: {  	lr =	sadd.s32 s0, s3;
	s0 =	sld [smem:$0x3F9F]  }
0x30: {  	s3 =	sld [smem:$0x3FA2]  }
0x31: {  	[smem:$0x3FAB] =	sst s10  }
0x32: {  	s10 =	sld [smem:$0x3FA9];
	_ =	sdelay $0x3  }
0x33: {  	p0 =	seq.s32 s10, $0x1;
	s10 =	sld [smem:$0x3FAB];
	_ =	sdelay $0x3  }
0x34: {  	[smem:$0x3FAB] =	sst s10  }
0x35: {  	s10 =	sld [smem:$0x3FAA];
	_ =	sdelay $0x3  }
0x36: {  	p1 =	seq.s32 s10, $0x1;
	s10 =	sld [smem:$0x3FAB];
	_ =	sdelay $0x3  }
0x37: {  	[smem:$0x3FAB] =	sst s10  }
0x38: {  	s10 =	sld [smem:$0x3FAC]  }
0x39: {  	_ = 	snop;
	(pc) =	sbr.ind lr, $3  }
0x3a: {  	_ = 	snop  }
0x3b: {  	_ = 	snop  }
0x3c: {  	p2 =	seq.s32 s10, $0x1;
	s10 =	sld [smem:$0x3FAB]  }
0x3d: {  	_ =	shalt  }
0x3e: {  	_ =	shalt  }
0x3f: {  	_ =	shalt  }
0x40: {  	_ =	shalt  }
0x41: {  	_ =	shalt  }
0x42: {  	_ =	shalt  }
0x43: {  	_ =	shalt  }
0x44: {  	_ =	shalt  }
0x45: {  	_ =	shalt  }
0x46: {  	_ =	shalt  }
0x47: {  	_ =	shalt  }
0x48: {  	_ =	shalt  }
0x49: {  	_ =	shalt  }
0x4a: {  	_ =	shalt  }
0x4b: {  	_ =	shalt  }
0x4c: {  	_ =	shalt  }
0x4d: {  	_ =	shalt  }
0x4e: {  	_ =	shalt  }
0x4f: {  	_ =	shalt  }
0x50: {  	_ =	shalt  }
0x51: {  	_ =	shalt  }
0x52: {  	_ =	shalt  }
0x53: {  	_ =	shalt  }
0x54: {  	_ =	shalt  }
0x55: {  	_ =	shalt  }
0x56: {  	_ =	shalt  }
0x57: {  	_ =	shalt  }
0x58: {  	_ =	shalt  }
0x59: {  	_ =	shalt  }
0x5a: {  	_ =	shalt  }
0x5b: {  	_ =	shalt  }
0x5c: {  	_ =	shalt  }
0x5d: {  	_ =	shalt  }
0x5e: {  	_ =	shalt  }
0x5f: {  	_ =	shalt  }
0x60: {  	_ =	shalt  }
0x61: {  	_ =	shalt  }
0x62: {  	_ =	shalt  }
0x63: {  	_ =	shalt  }
0x64: {  	_ =	shalt  }
0x65: {  	_ =	shalt  }
0x66: {  	_ =	shalt  }
0x67: {  	_ =	shalt  }
0x68: {  	_ =	shalt  }
0x69: {  	_ =	shalt  }
0x6a: {  	_ =	shalt  }
0x6b: {  	_ =	shalt  }
0x6c: {  	_ =	shalt  }
0x6d: {  	_ =	shalt  }
0x6e: {  	_ =	shalt  }
0x6f: {  	_ =	shalt  }
0x70: {  	_ =	shalt  }
0x71: {  	_ =	shalt  }
0x72: {  	_ =	shalt  }
0x73: {  	_ =	shalt  }
0x74: {  	_ =	shalt  }
0x75: {  	_ =	shalt  }
0x76: {  	_ =	shalt  }
0x77: {  	_ =	shalt  }
0x78: {  	_ =	shalt  }
0x79: {  	_ =	shalt  }
0x7a: {  	_ =	shalt  }
0x7b: {  	_ =	shalt  }
0x7c: {  	_ =	shalt  }
0x7d: {  	_ =	shalt  }
0x7e: {  	_ =	shalt  }
0x7f: {  	_ =	shalt  }
0x80: {  	_ =	shalt  }
0x81: {  	_ =	shalt  }
0x82: {  	_ =	shalt  }
0x83: {  	_ =	shalt  }
0x84: {  	_ =	shalt  }
0x85: {  	_ =	shalt  }
0x86: {  	_ =	shalt  }
0x87: {  	_ =	shalt  }
.Lfunc_end0:
.L_simem_size_0:
called_computation_lowered:
.L_overlay_start_0:
0x88: {  	s2 =	sld [smem:$0x3FD9]  }
0x89: {  	s3 =	sld [smem:$0x3FFE];
	_ =	sdelay $0x1  }
0x8a: {  	s1 =	srdreg.scid  }
0x8b: {  	s0 =	sand.u32 $0x1, s1  }
0x8c: {  	s17 =	sshll.u32 s0, $0xA;
	s2 =	sadd.s32 s3, s2  }
0x8d: {  	s2 =	sadd.s32 s2, s17  }
0x8e: {  	[smem:$0x3FB7] =	sst s2  }
0x8f: {  	_ = 	snop  }
0x90: {  	s2 =	sld [smem:$0x3FC9];
	(tm) =	ssettm $0x1  }
0x91: {  	s18 =	sld [smem:$0x3FFB];
	_ =	sdelay $0x3  }
0x92: {  	_ =	strace s18  }
0x93: {  	s3 =	sld [smem:$0x3FFC];
	_ =	sdelay $0x3  }
0x94: {  	_ =	strace s3  }
0x95: {  	s3 =	sld [smem:$0x3FFD];
	_ =	sdelay $0x3  }
0x96: {  	_ =	strace s3  }
0x97: {  	_ =	strace $0x8FFFFFFF  }
0x98: {  	s19 =	sld [smem:$0x3FDB];
	_ =	sdelay $0x1  }
0x99: {  	s4 =	simm.s32 $_scs_section_size  }
0x9a: {  	s5 =	simm.s32 $_size__tile_overlayer_lowered;
	s6 =	simm.s32 $_tile_overlayer_lowered  }
0x9b: {  	s22 =	simm.s32 $0x1BFF;
	s21 =	sshll.u32 s6, $0x1;
	s3 =	sadd.s32 s4, s19  }
0x9c: {  	s7 =	simm.s32 $0x0;
	s20 =	sshll.u32 s5, $0x1;
	s5 =	sadd.s32 s21, s3  }
0x9d: {  	[timem:s7], [sflag:s22] =	dma.local [hbm:s5], s20  }
0x9e: {  	_ =	swait.ge [sflag:s22], s20  }
0x9f: {  	s4 =	ssub.s32 $0x0, s20;
	[sflag:s22] =	ssyncset.done $0x0  }
0xa0: {  	[sflag:s22] =	ssyncadd.s32 s4;
	_ =	sdelay $0x1  }
0xa1: {  	s23 =	simm.s32 $0x1B8B  }
0xa2: {  	_ =	swait.ge [sflag:s23], $0x1  }
0xa3: {  	[sflag:s23] =	ssyncset.done $0x0  }
0xa4: {  	s25 =	simm.s32 $0x1B8E;
	s24 =	sld [smem:$0x3FFE];
	[sflag:s23] =	ssyncadd.s32 $0xFFFFFFFF  }
0xa5: {  	s26 =	simm.s32 $execute0_lowered;
	[smem:$0x3FD2] =	sst s25  }
0xa6: {  	s5 =	sshll.u32 s26, $0x1;
	_ =	strace $0x80000046;
	[dreg:$0x1] =	wrdreg $0xFFFFFFFF  }
0xa7: {  	s28 =	simm.s32 $_size_execute0_lowered;
	s3 =	sadd.s32 s3, s5;
	[dreg:$0x0] =	wrdreg $0x0  }
0xa8: {  	s5 =	sshll.u32 s28, $0x1;
	[dreg:$0x2] =	wrdreg s3  }
0xa9: {  	[dreg:$0x3] =	wrdreg s5  }
0xaa: {  	[dreg:$0x4] =	wrdreg $0xC0  }
0xab: {  	_ =	task [dreg:s7], $0x5FFFF  }
0xac: {  	[dreg:$0x1] =	wrdreg $0xFFFFFFFF  }
0xad: {  	[dreg:$0x0] =	wrdreg $0x60  }
0xae: {  	[dreg:$0x2] =	wrdreg s24  }
0xaf: {  	[dreg:$0x3] =	wrdreg s2  }
0xb0: {  	[dreg:$0x4] =	wrdreg $0x9  }
0xb1: {  	_ =	task.clear_ibuf [dreg:s7], $0x5FFFF;
	_ =	strace $0x90000046  }
0xb2: {  	s29 =	simm.s32 $0x9;
	_ =	strace $0x80000048  }
0xb3: {  	_ =	swait.ge [sflag:s29], $0x1  }
0xb4: {  	[sflag:s29] =	ssyncadd.s32 $0xFFFFFFFF  }
0xb5: {  	_ =	strace $0x90000048  }
0xb6: {  	_ =	sfence  }
0xb7: {  	s30 =	sld [smem:$0x0];
	_ =	sdelay $0x2  }
0xb8: {  	s31 =	sshll.u32 s1, $0xD;
	s1 =	sshrl.u32 s1, $0x2  }
0xb9: {  	s3 =	sand.u32 $0x4000, s31;
	s1 =	sadd.s32 s1, s30  }
0xba: {  	s0 =	sor.u32 s3, s0;
	s1 =	sshll.u32 s1, $0x11  }
0xbb: {  	s0 =	sor.u32 s1, s0  }
0xbc: {  	s0 =	sadd.s32 $0x8F2B, s0  }
0xbd: {  	[sflag:s0] =	ssyncadd.remote.s32 $0x1  }
0xbe: {  	_ =	sfence.sel $0xFFFF  }
0xbf: {  	[dreg:$0x0] =	wrdreg $0xFFFFFFFF;
	(pc) =	sbr.abs _section_cstart, $3  }
0xc0: {  	[dreg:$0x1] =	wrdreg $0xFFFFFFFF  }
0xc1: {  	_ =	task.clear_ibuf [dreg:s7], $0x2FFFF;
	_ =	strace $0x9FFFFFFF  }
0xc2: {  	(tm) =	ssettm $0x7FFFFFFF  }
0xc3: {  	_ =	shalt  }
tec
execute0_lowered:
.L_overlay_start_1:
0x0: {  	(tag) =	ssettag $0x1  }
0x1: {  	s0 =	srdreg.scid;
	s2 =	stileid.u32  }
0x2: {  	s1 =	rddreg [dreg:$0x0];
	s0 =	sand.u32 $0x1, s0;
	s3 =	sshll.u32 s2, $0x1  }
0x3: {  	s28 =	simm.s32 $0x0;
	s3 =	sor.u32 s0, s3;
	s0 =	ssub.s32 $0x2, s0  }
0x4: {  	s2 =	rddreg [dreg:$0x1];
	s5 =	smul.u32 $0x4E2, s3;
	s6 =	sshrl.u32 s0, $0x1  }
0x5: {  	[smem:$0x7FF] =	sst s28;
	s4 =	sadd.s32 $0x1C00, s1;
	s0 =	ssub.s32 s0, s6  }
0x6: {  	s3 =	smul.u32 $0x9C400, s3;
	s5 =	sadd.s32 s5, s1;
	s0 =	smax.u32 s0, $0x1  }
0x7: {  	_ =	strace $0x80000047;
	s17 =	sadd.s32 $0x15800, s5;
	[dreg:$0x10] =	wrdreg s0  }
0x8: {  	s3 =	sshrl.u32 s3, $0x3;
	s23 =	sadd.s32 $0x290600, s5;
	[dreg:$0x3] =	wrdreg s17  }
0x9: {  	s1 =	sadd.s32 s3, s1;
	s24 =	sadd.s32 $0xBA00, s5;
	[dreg:$0x9] =	wrdreg s23  }
0xa: {  	s18 =	sadd.s32 $0x1F600, s1;
	[dreg:$0xa] =	wrdreg s24  }
0xb: {  	s19 =	sadd.s32 $0x23480, s1;
	[dreg:$0x4] =	wrdreg s18  }
0xc: {  	s20 =	sadd.s32 $0x27300, s1;
	[dreg:$0x5] =	wrdreg s19  }
0xd: {  	s21 =	sadd.s32 $0x2B180, s1;
	[dreg:$0x6] =	wrdreg s20  }
0xe: {  	s22 =	sadd.s32 $0x2F000, s1;
	[dreg:$0x7] =	wrdreg s21  }
0xf: {  	s25 =	sadd.s32 $0x1F604, s1;
	[dreg:$0x8] =	wrdreg s22  }
0x10: {  	s26 =	sadd.s32 $0x23484, s1;
	[dreg:$0xb] =	wrdreg s25  }
0x11: {  	s29 =	sadd.s32 $0x27304, s1;
	[dreg:$0xc] =	wrdreg s26  }
0x12: {  	s30 =	simm.s32 $0x0;
	s31 =	sadd.s32 $0x2B184, s1;
	[dreg:$0xd] =	wrdreg s29  }
0x13: {  	s6 =	simm.s32 $0x2710;
	s1 =	sadd.s32 $0x2F004, s1;
	[dreg:$0xe] =	wrdreg s31  }
0x14: {  	s3 =	simm.s32 $0x20;
	s5 =	simm.s32 $0x40;
	[dreg:$0xf] =	wrdreg s1  }
0x15: {  	s19 =	simm.s32 $0x2;
	s20 =	simm.s32 $0x50;
	s21 =	simm.s32 $0x1  }
.LBB2_1:
0x16: {  	s0 =	rddreg [dreg:$0x3]  }
0x17: {  	[tilespmem:s28], [sflag:$0x2] =	stream.linear.gather [hbm4b:s0+s28], $0x2710, $0x38;
	[tilespmem:$0x14820] =	vst v63  }
0x18: {  	_ =	swait.ge [sflag:s19], $0x2710  }
0x19: {  	s31 =	simm.s32 $0x140;
	s1 =	simm.s32 $0x12110;
	[sflag:s19] =	ssyncset.done $0x0  }
0x1a: {  	s28 =	simm.s32 $0x0;
	s0 =	simm.s32 $0x3110;
	[sflag:s19] =	ssyncadd.s32 $0xFFFFD8F0  }
0x1b: {  	[tilespmem:s6], [sflag:$0x1] =	stream.indirect.gather [hbm4b:s4+s20], $0x20, s28, s20, $0xb8;
	[tilespmem:$0x14820] =	vst v63  }
.LBB2_2:
0x1c: {  	[tilespmem:s1], [sflag:$0x1] =	stream.indirect.gather [hbm4b:s2+s20], $0x1, s28, s20, $0xb8;
	[tilespmem:$0x14820] =	vst v63  }
0x1d: {  	s1 =	smov.u32 s31;
	p0 =	sne.s32 s31, $0x1E00  }
.Ltmp0:
0x1e: {  	s31 =	sadd.s32 $0x140, s31;
	(pc) =	sbr.rel @p0 .LBB2_2-.Ltmp0, $4  }
0x1f: {  	_ = 	snop  }
0x20: {  	s28 =	sshra.s32 s1, $0x2  }
0x21: {  	[tilespmem:s0], [sflag:$0x1] =	stream.indirect.gather [hbm4b:s4+s20], $0x20, s28, s20, $0xb8;
	[tilespmem:$0x14820] =	vst v63  }
0x22: {  	s1 =	sadd.s32 $0x12110, s28;
	s0 =	sadd.s32 $0xA00, s0  }
0x23: {  	[tilespmem:s1], [sflag:$0x1] =	stream.indirect.gather [hbm4b:s2+s20], $0x1, s28, s20, $0xb8;
	[tilespmem:$0x14820] =	vst v63  }
0x24: {  	_ =	swait.ge [sflag:s21], $0xA00  }
0x25: {  	[sflag:s21] =	ssyncset.done $0x0  }
0x26: {  	[sflag:s21] =	ssyncadd.s32 $0xFFFFF600  }
0x27: {  	_ =	swait.ge [sflag:s21], $0x50  }
0x28: {  	s31 =	simm.s32 $0x18;
	[sflag:s21] =	ssyncset.done $0x0  }
.LBB2_4:
0x29: {  	p0 =	sne.s32 s31, $0x1;
	s31 =	sadd.s32 $0xFFFFFFFF, s31;
	[sflag:s21] =	ssyncadd.s32 $0xFFFFFFB0  }
.Ltmp1:
0x2a: {  	_ =	swait.ge [sflag:s21], $0xA00;
	(pc) =	sbr.rel @p0 .LBB2_4-.Ltmp1, $4  }
0x2b: {  	[sflag:s21] =	ssyncset.done $0x0  }
0x2c: {  	[sflag:s21] =	ssyncadd.s32 $0xFFFFF600  }
0x2d: {  	_ =	swait.ge [sflag:s21], $0x50  }
0x2e: {  	[sflag:s21] =	ssyncset.done $0x0  }
0x2f: {  	[sflag:s21] =	ssyncadd.s32 $0xFFFFFFB0;
	s31 =	simm.s32 $0x2710;
	s0 =	rddreg [dreg:$0x4]  }
0x30: {  	[hbm4b:s0+s3] =	stream.strided.scatter [tilespmem:s31], [sflag:$0x2], $0xFA00, s5, s3, $0x38;
	[tilespmem:$0x14820] =	vst v63  }
0x31: {  	_ =	swait.ge [sflag:s19], $0xFA00  }
0x32: {  	[sflag:s19] =	ssyncset.done $0x0  }
0x33: {  	s29 =	simm.s32 $0x7D0;
	[sflag:s19] =	ssyncadd.s32 $0xFFFF0600  }
0x34: {  	[tilespmem:s31], [sflag:$0x1] =	stream.indirect.gather [hbm4b:s4+s20], $0x20, s29, s20, $0xb8;
	[tilespmem:$0x14820] =	vst v63  }
0x35: {  	s1 =	simm.s32 $0x128E0;
	s0 =	simm.s32 $0x140  }
0x36: {  	[tilespmem:s1], [sflag:$0x1] =	stream.indirect.gather [hbm4b:s2+s20], $0x1, s29, s20, $0xb8;
	[tilespmem:$0x14820] =	vst v63  }
.LBB2_6:
0x37: {  	p0 =	sne.s32 s0, $0x1E00  }
.Ltmp2:
0x38: {  	s1 =	sshra.s32 s0, $0x2;
	s0 =	sadd.s32 $0x140, s0;
	(pc) =	sbr.rel @p0 .LBB2_6-.Ltmp2, $4  }
0x39: {  	s31 =	sadd.s32 $0xA00, s31;
	s28 =	sadd.s32 $0x7D0, s1  }
0x3a: {  	[tilespmem:s31], [sflag:$0x1] =	stream.indirect.gather [hbm4b:s4+s20], $0x20, s28, s20, $0xb8;
	[tilespmem:$0x14820] =	vst v63  }
0x3b: {  	s1 =	sadd.s32 $0x128E0, s1  }
0x3c: {  	[tilespmem:s1], [sflag:$0x1] =	stream.indirect.gather [hbm4b:s2+s20], $0x1, s28, s20, $0xb8;
	[tilespmem:$0x14820] =	vst v63  }
0x3d: {  	_ =	swait.ge [sflag:s21], $0xA00  }
0x3e: {  	[sflag:s21] =	ssyncset.done $0x0  }
0x3f: {  	[sflag:s21] =	ssyncadd.s32 $0xFFFFF600  }
0x40: {  	_ =	swait.ge [sflag:s21], $0x50  }
0x41: {  	s31 =	simm.s32 $0x18;
	[sflag:s21] =	ssyncset.done $0x0  }
.LBB2_8:
0x42: {  	p0 =	sne.s32 s31, $0x1;
	s31 =	sadd.s32 $0xFFFFFFFF, s31;
	[sflag:s21] =	ssyncadd.s32 $0xFFFFFFB0  }
.Ltmp3:
0x43: {  	_ =	swait.ge [sflag:s21], $0xA00;
	(pc) =	sbr.rel @p0 .LBB2_8-.Ltmp3, $4  }
0x44: {  	[sflag:s21] =	ssyncset.done $0x0  }
0x45: {  	[sflag:s21] =	ssyncadd.s32 $0xFFFFF600  }
0x46: {  	_ =	swait.ge [sflag:s21], $0x50  }
0x47: {  	[sflag:s21] =	ssyncset.done $0x0  }
0x48: {  	[sflag:s21] =	ssyncadd.s32 $0xFFFFFFB0;
	s31 =	simm.s32 $0x2710;
	s0 =	rddreg [dreg:$0x5]  }
0x49: {  	[hbm4b:s0+s3] =	stream.strided.scatter [tilespmem:s31], [sflag:$0x2], $0xFA00, s5, s3, $0x38;
	[tilespmem:$0x14820] =	vst v63  }
0x4a: {  	_ =	swait.ge [sflag:s19], $0xFA00  }
0x4b: {  	[sflag:s19] =	ssyncset.done $0x0  }
0x4c: {  	s29 =	simm.s32 $0xFA0;
	[sflag:s19] =	ssyncadd.s32 $0xFFFF0600  }
0x4d: {  	[tilespmem:s31], [sflag:$0x1] =	stream.indirect.gather [hbm4b:s4+s20], $0x20, s29, s20, $0xb8;
	[tilespmem:$0x14820] =	vst v63  }
0x4e: {  	s1 =	simm.s32 $0x130B0;
	s0 =	simm.s32 $0x140  }
0x4f: {  	[tilespmem:s1], [sflag:$0x1] =	stream.indirect.gather [hbm4b:s2+s20], $0x1, s29, s20, $0xb8;
	[tilespmem:$0x14820] =	vst v63  }
.LBB2_10:
0x50: {  	p0 =	sne.s32 s0, $0x1E00  }
.Ltmp4:
0x51: {  	s1 =	sshra.s32 s0, $0x2;
	s0 =	sadd.s32 $0x140, s0;
	(pc) =	sbr.rel @p0 .LBB2_10-.Ltmp4, $4  }
0x52: {  	s31 =	sadd.s32 $0xA00, s31;
	s28 =	sadd.s32 $0xFA0, s1  }
0x53: {  	[tilespmem:s31], [sflag:$0x1] =	stream.indirect.gather [hbm4b:s4+s20], $0x20, s28, s20, $0xb8;
	[tilespmem:$0x14820] =	vst v63  }
0x54: {  	s1 =	sadd.s32 $0x130B0, s1  }
0x55: {  	[tilespmem:s1], [sflag:$0x1] =	stream.indirect.gather [hbm4b:s2+s20], $0x1, s28, s20, $0xb8;
	[tilespmem:$0x14820] =	vst v63  }
0x56: {  	_ =	swait.ge [sflag:s21], $0xA00  }
0x57: {  	[sflag:s21] =	ssyncset.done $0x0  }
0x58: {  	[sflag:s21] =	ssyncadd.s32 $0xFFFFF600  }
0x59: {  	_ =	swait.ge [sflag:s21], $0x50  }
0x5a: {  	s31 =	simm.s32 $0x18;
	[sflag:s21] =	ssyncset.done $0x0  }
.LBB2_12:
0x5b: {  	p0 =	sne.s32 s31, $0x1;
	s31 =	sadd.s32 $0xFFFFFFFF, s31;
	[sflag:s21] =	ssyncadd.s32 $0xFFFFFFB0  }
.Ltmp5:
0x5c: {  	_ =	swait.ge [sflag:s21], $0xA00;
	(pc) =	sbr.rel @p0 .LBB2_12-.Ltmp5, $4  }
0x5d: {  	[sflag:s21] =	ssyncset.done $0x0  }
0x5e: {  	[sflag:s21] =	ssyncadd.s32 $0xFFFFF600  }
0x5f: {  	_ =	swait.ge [sflag:s21], $0x50  }
0x60: {  	[sflag:s21] =	ssyncset.done $0x0  }
0x61: {  	[sflag:s21] =	ssyncadd.s32 $0xFFFFFFB0;
	s31 =	simm.s32 $0x2710;
	s0 =	rddreg [dreg:$0x6]  }
0x62: {  	[hbm4b:s0+s3] =	stream.strided.scatter [tilespmem:s31], [sflag:$0x2], $0xFA00, s5, s3, $0x38;
	[tilespmem:$0x14820] =	vst v63  }
0x63: {  	_ =	swait.ge [sflag:s19], $0xFA00  }
0x64: {  	[sflag:s19] =	ssyncset.done $0x0  }
0x65: {  	s29 =	simm.s32 $0x1770;
	[sflag:s19] =	ssyncadd.s32 $0xFFFF0600  }
0x66: {  	[tilespmem:s31], [sflag:$0x1] =	stream.indirect.gather [hbm4b:s4+s20], $0x20, s29, s20, $0xb8;
	[tilespmem:$0x14820] =	vst v63  }
0x67: {  	s1 =	simm.s32 $0x13880;
	s0 =	simm.s32 $0x140  }
0x68: {  	[tilespmem:s1], [sflag:$0x1] =	stream.indirect.gather [hbm4b:s2+s20], $0x1, s29, s20, $0xb8;
	[tilespmem:$0x14820] =	vst v63  }
.LBB2_14:
0x69: {  	p0 =	sne.s32 s0, $0x1E00  }
.Ltmp6:
0x6a: {  	s1 =	sshra.s32 s0, $0x2;
	s0 =	sadd.s32 $0x140, s0;
	(pc) =	sbr.rel @p0 .LBB2_14-.Ltmp6, $4  }
0x6b: {  	s31 =	sadd.s32 $0xA00, s31;
	s28 =	sadd.s32 $0x1770, s1  }
0x6c: {  	[tilespmem:s31], [sflag:$0x1] =	stream.indirect.gather [hbm4b:s4+s20], $0x20, s28, s20, $0xb8;
	[tilespmem:$0x14820] =	vst v63  }
0x6d: {  	s1 =	sadd.s32 $0x13880, s1  }
0x6e: {  	[tilespmem:s1], [sflag:$0x1] =	stream.indirect.gather [hbm4b:s2+s20], $0x1, s28, s20, $0xb8;
	[tilespmem:$0x14820] =	vst v63  }
0x6f: {  	_ =	swait.ge [sflag:s21], $0xA00  }
0x70: {  	[sflag:s21] =	ssyncset.done $0x0  }
0x71: {  	[sflag:s21] =	ssyncadd.s32 $0xFFFFF600  }
0x72: {  	_ =	swait.ge [sflag:s21], $0x50  }
0x73: {  	s31 =	simm.s32 $0x18;
	[sflag:s21] =	ssyncset.done $0x0  }
.LBB2_16:
0x74: {  	p0 =	sne.s32 s31, $0x1;
	s31 =	sadd.s32 $0xFFFFFFFF, s31;
	[sflag:s21] =	ssyncadd.s32 $0xFFFFFFB0  }
.Ltmp7:
0x75: {  	_ =	swait.ge [sflag:s21], $0xA00;
	(pc) =	sbr.rel @p0 .LBB2_16-.Ltmp7, $4  }
0x76: {  	[sflag:s21] =	ssyncset.done $0x0  }
0x77: {  	[sflag:s21] =	ssyncadd.s32 $0xFFFFF600  }
0x78: {  	_ =	swait.ge [sflag:s21], $0x50  }
0x79: {  	[sflag:s21] =	ssyncset.done $0x0  }
0x7a: {  	[sflag:s21] =	ssyncadd.s32 $0xFFFFFFB0;
	s31 =	simm.s32 $0x2710;
	s0 =	rddreg [dreg:$0x7]  }
0x7b: {  	[hbm4b:s0+s3] =	stream.strided.scatter [tilespmem:s31], [sflag:$0x2], $0xFA00, s5, s3, $0x38;
	[tilespmem:$0x14820] =	vst v63  }
0x7c: {  	_ =	swait.ge [sflag:s19], $0xFA00  }
0x7d: {  	[sflag:s19] =	ssyncset.done $0x0  }
0x7e: {  	s29 =	simm.s32 $0x1F40;
	[sflag:s19] =	ssyncadd.s32 $0xFFFF0600  }
0x7f: {  	[tilespmem:s31], [sflag:$0x1] =	stream.indirect.gather [hbm4b:s4+s20], $0x20, s29, s20, $0xb8;
	[tilespmem:$0x14820] =	vst v63  }
0x80: {  	s1 =	simm.s32 $0x14050;
	s0 =	simm.s32 $0x140  }
0x81: {  	[tilespmem:s1], [sflag:$0x1] =	stream.indirect.gather [hbm4b:s2+s20], $0x1, s29, s20, $0xb8;
	[tilespmem:$0x14820] =	vst v63  }
.LBB2_18:
0x82: {  	p0 =	sne.s32 s0, $0x1E00  }
.Ltmp8:
0x83: {  	s1 =	sshra.s32 s0, $0x2;
	s0 =	sadd.s32 $0x140, s0;
	(pc) =	sbr.rel @p0 .LBB2_18-.Ltmp8, $4  }
0x84: {  	s31 =	sadd.s32 $0xA00, s31;
	s28 =	sadd.s32 $0x1F40, s1  }
0x85: {  	[tilespmem:s31], [sflag:$0x1] =	stream.indirect.gather [hbm4b:s4+s20], $0x20, s28, s20, $0xb8;
	[tilespmem:$0x14820] =	vst v63  }
0x86: {  	s1 =	sadd.s32 $0x14050, s1  }
0x87: {  	[tilespmem:s1], [sflag:$0x1] =	stream.indirect.gather [hbm4b:s2+s20], $0x1, s28, s20, $0xb8;
	[tilespmem:$0x14820] =	vst v63  }
0x88: {  	_ =	swait.ge [sflag:s21], $0xA00  }
0x89: {  	[sflag:s21] =	ssyncset.done $0x0  }
0x8a: {  	[sflag:s21] =	ssyncadd.s32 $0xFFFFF600  }
0x8b: {  	_ =	swait.ge [sflag:s21], $0x50  }
0x8c: {  	s31 =	simm.s32 $0x18;
	[sflag:s21] =	ssyncset.done $0x0  }
.LBB2_20:
0x8d: {  	p0 =	sne.s32 s31, $0x1;
	s31 =	sadd.s32 $0xFFFFFFFF, s31;
	[sflag:s21] =	ssyncadd.s32 $0xFFFFFFB0  }
.Ltmp9:
0x8e: {  	_ =	swait.ge [sflag:s21], $0xA00;
	(pc) =	sbr.rel @p0 .LBB2_20-.Ltmp9, $4  }
0x8f: {  	[sflag:s21] =	ssyncset.done $0x0  }
0x90: {  	[sflag:s21] =	ssyncadd.s32 $0xFFFFF600  }
0x91: {  	_ =	swait.ge [sflag:s21], $0x50  }
0x92: {  	[sflag:s21] =	ssyncset.done $0x0  }
0x93: {  	[sflag:s21] =	ssyncadd.s32 $0xFFFFFFB0;
	s0 =	rddreg [dreg:$0x8]  }
0x94: {  	[hbm4b:s0+s3] =	stream.strided.scatter [tilespmem:s6], [sflag:$0x2], $0xFA00, s5, s3, $0x38;
	[tilespmem:$0x14820] =	vst v63  }
0x95: {  	_ =	swait.ge [sflag:s19], $0xFA00  }
0x96: {  	s28 =	simm.s32 $0x0;
	[sflag:s19] =	ssyncset.done $0x0  }
0x97: {  	s1 =	simm.s32 $0x12110;
	s29 =	rddreg [dreg:$0x9];
	[sflag:s19] =	ssyncadd.s32 $0xFFFF0600  }
0x98: {  	[hbm4b:s29+s28] =	stream.linear.scatter [tilespmem:s1], [sflag:$0x2], $0x2710, $0x38;
	[tilespmem:$0x14820] =	vst v63  }
0x99: {  	_ =	swait.ge [sflag:s19], $0x2710  }
0x9a: {  	[sflag:s19] =	ssyncset.done $0x0  }
0x9b: {  	s31 =	rddreg [dreg:$0xa];
	[sflag:s19] =	ssyncadd.s32 $0xFFFFD8F0  }
0x9c: {  	[tilespmem:s28], [sflag:$0x2] =	stream.linear.gather [hbm4b:s31+s28], $0x2710, $0x38;
	[tilespmem:$0x14820] =	vst v63  }
0x9d: {  	_ =	swait.ge [sflag:s19], $0x2710  }
0x9e: {  	[sflag:s19] =	ssyncset.done $0x0  }
0x9f: {  	[sflag:s19] =	ssyncadd.s32 $0xFFFFD8F0  }
0xa0: {  	[tilespmem:s6], [sflag:$0x1] =	stream.indirect.gather [hbm4b:s4+s20], $0x20, s28, s20, $0xb8;
	[tilespmem:$0x14820] =	vst v63  }
0xa1: {  	s1 =	simm.s32 $0x3110  }
0xa2: {  	[tilespmem:s1], [sflag:$0x1] =	stream.indirect.gather [hbm4b:s4+s20], $0x20, s20, s20, $0xb8;
	[tilespmem:$0x14820] =	vst v63  }
0xa3: {  	s3 =	simm.s32 $0xA0;
	s6 =	simm.s32 $0x3B10  }
0xa4: {  	[tilespmem:s6], [sflag:$0x1] =	stream.indirect.gather [hbm4b:s4+s20], $0x20, s3, s20, $0xb8;
	[tilespmem:$0x14820] =	vst v63  }
0xa5: {  	s7 =	simm.s32 $0xF0;
	s8 =	simm.s32 $0x4510  }
0xa6: {  	[tilespmem:s8], [sflag:$0x1] =	stream.indirect.gather [hbm4b:s4+s20], $0x20, s7, s20, $0xb8;
	[tilespmem:$0x14820] =	vst v63  }
0xa7: {  	s9 =	simm.s32 $0x140;
	s10 =	simm.s32 $0x4F10  }
0xa8: {  	[tilespmem:s10], [sflag:$0x1] =	stream.indirect.gather [hbm4b:s4+s20], $0x20, s9, s20, $0xb8;
	[tilespmem:$0x14820] =	vst v63  }
0xa9: {  	s11 =	simm.s32 $0x190;
	s12 =	simm.s32 $0x5910  }
0xaa: {  	[tilespmem:s12], [sflag:$0x1] =	stream.indirect.gather [hbm4b:s4+s20], $0x20, s11, s20, $0xb8;
	[tilespmem:$0x14820] =	vst v63  }
0xab: {  	s13 =	simm.s32 $0x1E0;
	s14 =	simm.s32 $0x6310  }
0xac: {  	[tilespmem:s14], [sflag:$0x1] =	stream.indirect.gather [hbm4b:s4+s20], $0x20, s13, s20, $0xb8;
	[tilespmem:$0x14820] =	vst v63  }
0xad: {  	s15 =	simm.s32 $0x230;
	s7 =	simm.s32 $0x6D10  }
0xae: {  	[tilespmem:s7], [sflag:$0x1] =	stream.indirect.gather [hbm4b:s4+s20], $0x20, s15, s20, $0xb8;
	[tilespmem:$0x14820] =	vst v63  }
0xaf: {  	s16 =	simm.s32 $0x280;
	s17 =	simm.s32 $0x7710  }
0xb0: {  	[tilespmem:s17], [sflag:$0x1] =	stream.indirect.gather [hbm4b:s4+s20], $0x20, s16, s20, $0xb8;
	[tilespmem:$0x14820] =	vst v63  }
0xb1: {  	s18 =	simm.s32 $0x2D0;
	s23 =	simm.s32 $0x8110  }
0xb2: {  	[tilespmem:s23], [sflag:$0x1] =	stream.indirect.gather [hbm4b:s4+s20], $0x20, s18, s20, $0xb8;
	[tilespmem:$0x14820] =	vst v63  }
0xb3: {  	s24 =	simm.s32 $0x320;
	s26 =	simm.s32 $0x8B10  }
0xb4: {  	[tilespmem:s26], [sflag:$0x1] =	stream.indirect.gather [hbm4b:s4+s20], $0x20, s24, s20, $0xb8;
	[tilespmem:$0x14820] =	vst v63  }
0xb5: {  	s31 =	simm.s32 $0x370;
	s3 =	simm.s32 $0x9510  }
0xb6: {  	[tilespmem:s3], [sflag:$0x1] =	stream.indirect.gather [hbm4b:s4+s20], $0x20, s31, s20, $0xb8;
	[tilespmem:$0x14820] =	vst v63  }
0xb7: {  	s8 =	simm.s32 $0x9F10;
	s7 =	simm.s32 $0x3C0  }
0xb8: {  	[tilespmem:s8], [sflag:$0x1] =	stream.indirect.gather [hbm4b:s4+s20], $0x20, s7, s20, $0xb8;
	[tilespmem:$0x14820] =	vst v63  }
0xb9: {  	s9 =	simm.s32 $0x410;
	s10 =	simm.s32 $0xA910  }
0xba: {  	[tilespmem:s10], [sflag:$0x1] =	stream.indirect.gather [hbm4b:s4+s20], $0x20, s9, s20, $0xb8;
	[tilespmem:$0x14820] =	vst v63  }
0xbb: {  	s11 =	simm.s32 $0x460;
	s12 =	simm.s32 $0xB310  }
0xbc: {  	[tilespmem:s12], [sflag:$0x1] =	stream.indirect.gather [hbm4b:s4+s20], $0x20, s11, s20, $0xb8;
	[tilespmem:$0x14820] =	vst v63  }
0xbd: {  	s13 =	simm.s32 $0x4B0;
	s23 =	simm.s32 $0xBD10  }
0xbe: {  	[tilespmem:s23], [sflag:$0x1] =	stream.indirect.gather [hbm4b:s4+s20], $0x20, s13, s20, $0xb8;
	[tilespmem:$0x14820] =	vst v63  }
0xbf: {  	s24 =	simm.s32 $0x500;
	s26 =	simm.s32 $0xC710  }
0xc0: {  	[tilespmem:s26], [sflag:$0x1] =	stream.indirect.gather [hbm4b:s4+s20], $0x20, s24, s20, $0xb8;
	[tilespmem:$0x14820] =	vst v63  }
0xc1: {  	s31 =	simm.s32 $0x550;
	s3 =	simm.s32 $0xD110  }
0xc2: {  	[tilespmem:s3], [sflag:$0x1] =	stream.indirect.gather [hbm4b:s4+s20], $0x20, s31, s20, $0xb8;
	[tilespmem:$0x14820] =	vst v63  }
0xc3: {  	s7 =	simm.s32 $0x5A0;
	s8 =	simm.s32 $0xDB10  }
0xc4: {  	[tilespmem:s8], [sflag:$0x1] =	stream.indirect.gather [hbm4b:s4+s20], $0x20, s7, s20, $0xb8;
	[tilespmem:$0x14820] =	vst v63  }
0xc5: {  	s9 =	simm.s32 $0x5F0;
	s23 =	simm.s32 $0xE510  }
0xc6: {  	[tilespmem:s23], [sflag:$0x1] =	stream.indirect.gather [hbm4b:s4+s20], $0x20, s9, s20, $0xb8;
	[tilespmem:$0x14820] =	vst v63  }
0xc7: {  	s24 =	simm.s32 $0x640;
	s26 =	simm.s32 $0xEF10  }
0xc8: {  	[tilespmem:s26], [sflag:$0x1] =	stream.indirect.gather [hbm4b:s4+s20], $0x20, s24, s20, $0xb8;
	[tilespmem:$0x14820] =	vst v63  }
0xc9: {  	s31 =	simm.s32 $0x690;
	s3 =	simm.s32 $0xF910  }
0xca: {  	[tilespmem:s3], [sflag:$0x1] =	stream.indirect.gather [hbm4b:s4+s20], $0x20, s31, s20, $0xb8;
	[tilespmem:$0x14820] =	vst v63  }
0xcb: {  	s7 =	simm.s32 $0x6E0;
	s8 =	simm.s32 $0x10310  }
0xcc: {  	[tilespmem:s8], [sflag:$0x1] =	stream.indirect.gather [hbm4b:s4+s20], $0x20, s7, s20, $0xb8;
	[tilespmem:$0x14820] =	vst v63  }
0xcd: {  	s23 =	simm.s32 $0x730;
	s24 =	simm.s32 $0x10D10  }
0xce: {  	[tilespmem:s24], [sflag:$0x1] =	stream.indirect.gather [hbm4b:s4+s20], $0x20, s23, s20, $0xb8;
	[tilespmem:$0x14820] =	vst v63  }
0xcf: {  	s26 =	simm.s32 $0x780;
	s3 =	simm.s32 $0x11710  }
0xd0: {  	[tilespmem:s3], [sflag:$0x1] =	stream.indirect.gather [hbm4b:s4+s20], $0x20, s26, s20, $0xb8;
	[tilespmem:$0x14820] =	vst v63  }
0xd1: {  	_ =	swait.ge [sflag:s21], $0xA00  }
0xd2: {  	[sflag:s21] =	ssyncset.done $0x0  }
0xd3: {  	[sflag:s21] =	ssyncadd.s32 $0xFFFFF600  }
0xd4: {  	_ =	swait.ge [sflag:s21], $0xA00  }
0xd5: {  	[sflag:s21] =	ssyncset.done $0x0  }
0xd6: {  	[sflag:s21] =	ssyncadd.s32 $0xFFFFF600  }
0xd7: {  	_ =	swait.ge [sflag:s21], $0xA00  }
0xd8: {  	[sflag:s21] =	ssyncset.done $0x0  }
0xd9: {  	[sflag:s21] =	ssyncadd.s32 $0xFFFFF600  }
0xda: {  	_ =	swait.ge [sflag:s21], $0xA00  }
0xdb: {  	[sflag:s21] =	ssyncset.done $0x0  }
0xdc: {  	[sflag:s21] =	ssyncadd.s32 $0xFFFFF600  }
0xdd: {  	_ =	swait.ge [sflag:s21], $0xA00  }
0xde: {  	[sflag:s21] =	ssyncset.done $0x0  }
0xdf: {  	[sflag:s21] =	ssyncadd.s32 $0xFFFFF600  }
0xe0: {  	_ =	swait.ge [sflag:s21], $0xA00  }
0xe1: {  	[sflag:s21] =	ssyncset.done $0x0  }
0xe2: {  	[sflag:s21] =	ssyncadd.s32 $0xFFFFF600  }
0xe3: {  	_ =	swait.ge [sflag:s21], $0xA00  }
0xe4: {  	[sflag:s21] =	ssyncset.done $0x0  }
0xe5: {  	[sflag:s21] =	ssyncadd.s32 $0xFFFFF600  }
0xe6: {  	_ =	swait.ge [sflag:s21], $0xA00  }
0xe7: {  	[sflag:s21] =	ssyncset.done $0x0  }
0xe8: {  	[sflag:s21] =	ssyncadd.s32 $0xFFFFF600  }
0xe9: {  	_ =	swait.ge [sflag:s21], $0xA00  }
0xea: {  	[sflag:s21] =	ssyncset.done $0x0  }
0xeb: {  	[sflag:s21] =	ssyncadd.s32 $0xFFFFF600  }
0xec: {  	_ =	swait.ge [sflag:s21], $0xA00  }
0xed: {  	[sflag:s21] =	ssyncset.done $0x0  }
0xee: {  	[sflag:s21] =	ssyncadd.s32 $0xFFFFF600  }
0xef: {  	_ =	swait.ge [sflag:s21], $0xA00  }
0xf0: {  	[sflag:s21] =	ssyncset.done $0x0  }
0xf1: {  	[sflag:s21] =	ssyncadd.s32 $0xFFFFF600  }
0xf2: {  	_ =	swait.ge [sflag:s21], $0xA00  }
0xf3: {  	[sflag:s21] =	ssyncset.done $0x0  }
0xf4: {  	[sflag:s21] =	ssyncadd.s32 $0xFFFFF600  }
0xf5: {  	_ =	swait.ge [sflag:s21], $0xA00  }
0xf6: {  	[sflag:s21] =	ssyncset.done $0x0  }
0xf7: {  	[sflag:s21] =	ssyncadd.s32 $0xFFFFF600  }
0xf8: {  	_ =	swait.ge [sflag:s21], $0xA00  }
0xf9: {  	[sflag:s21] =	ssyncset.done $0x0  }
0xfa: {  	[sflag:s21] =	ssyncadd.s32 $0xFFFFF600  }
0xfb: {  	_ =	swait.ge [sflag:s21], $0xA00  }
0xfc: {  	[sflag:s21] =	ssyncset.done $0x0  }
0xfd: {  	[sflag:s21] =	ssyncadd.s32 $0xFFFFF600  }
0xfe: {  	_ =	swait.ge [sflag:s21], $0xA00  }
0xff: {  	[sflag:s21] =	ssyncset.done $0x0  }
0x100: {  	[sflag:s21] =	ssyncadd.s32 $0xFFFFF600  }
0x101: {  	_ =	swait.ge [sflag:s21], $0xA00  }
0x102: {  	[sflag:s21] =	ssyncset.done $0x0  }
0x103: {  	[sflag:s21] =	ssyncadd.s32 $0xFFFFF600  }
0x104: {  	_ =	swait.ge [sflag:s21], $0xA00  }
0x105: {  	[sflag:s21] =	ssyncset.done $0x0  }
0x106: {  	[sflag:s21] =	ssyncadd.s32 $0xFFFFF600  }
0x107: {  	_ =	swait.ge [sflag:s21], $0xA00  }
0x108: {  	[sflag:s21] =	ssyncset.done $0x0  }
0x109: {  	[sflag:s21] =	ssyncadd.s32 $0xFFFFF600  }
0x10a: {  	_ =	swait.ge [sflag:s21], $0xA00  }
0x10b: {  	[sflag:s21] =	ssyncset.done $0x0  }
0x10c: {  	[sflag:s21] =	ssyncadd.s32 $0xFFFFF600  }
0x10d: {  	_ =	swait.ge [sflag:s21], $0xA00  }
0x10e: {  	[sflag:s21] =	ssyncset.done $0x0  }
0x10f: {  	[sflag:s21] =	ssyncadd.s32 $0xFFFFF600  }
0x110: {  	_ =	swait.ge [sflag:s21], $0xA00  }
0x111: {  	[sflag:s21] =	ssyncset.done $0x0  }
0x112: {  	[sflag:s21] =	ssyncadd.s32 $0xFFFFF600  }
0x113: {  	_ =	swait.ge [sflag:s21], $0xA00  }
0x114: {  	[sflag:s21] =	ssyncset.done $0x0  }
0x115: {  	[sflag:s21] =	ssyncadd.s32 $0xFFFFF600  }
0x116: {  	_ =	swait.ge [sflag:s21], $0xA00  }
0x117: {  	[sflag:s21] =	ssyncset.done $0x0  }
0x118: {  	[sflag:s21] =	ssyncadd.s32 $0xFFFFF600  }
0x119: {  	_ =	swait.ge [sflag:s21], $0xA00  }
0x11a: {  	s1 =	simm.s32 $0x2710;
	s23 =	simm.s32 $0x40;
	[sflag:s21] =	ssyncset.done $0x0  }
0x11b: {  	s24 =	simm.s32 $0x20;
	s7 =	rddreg [dreg:$0xb];
	[sflag:s21] =	ssyncadd.s32 $0xFFFFF600  }
0x11c: {  	[hbm4b:s7+s24] =	stream.strided.scatter [tilespmem:s1], [sflag:$0x2], $0xFA00, s23, s24, $0x38;
	[tilespmem:$0x14820] =	vst v63  }
0x11d: {  	_ =	swait.ge [sflag:s19], $0xFA00  }
0x11e: {  	[sflag:s19] =	ssyncset.done $0x0  }
0x11f: {  	s26 =	simm.s32 $0x7D0;
	[sflag:s19] =	ssyncadd.s32 $0xFFFF0600  }
0x120: {  	[tilespmem:s1], [sflag:$0x1] =	stream.indirect.gather [hbm4b:s4+s20], $0x20, s26, s20, $0xb8;
	[tilespmem:$0x14820] =	vst v63  }
0x121: {  	s5 =	simm.s32 $0x3110;
	s7 =	simm.s32 $0x820  }
0x122: {  	[tilespmem:s5], [sflag:$0x1] =	stream.indirect.gather [hbm4b:s4+s20], $0x20, s7, s20, $0xb8;
	[tilespmem:$0x14820] =	vst v63  }
0x123: {  	s23 =	simm.s32 $0x870;
	s24 =	simm.s32 $0x3B10  }
0x124: {  	[tilespmem:s24], [sflag:$0x1] =	stream.indirect.gather [hbm4b:s4+s20], $0x20, s23, s20, $0xb8;
	[tilespmem:$0x14820] =	vst v63  }
0x125: {  	s25 =	simm.s32 $0x4510;
	s7 =	simm.s32 $0x8C0  }
0x126: {  	[tilespmem:s25], [sflag:$0x1] =	stream.indirect.gather [hbm4b:s4+s20], $0x20, s7, s20, $0xb8;
	[tilespmem:$0x14820] =	vst v63  }
0x127: {  	s29 =	simm.s32 $0x4F10;
	s23 =	simm.s32 $0x910  }
0x128: {  	[tilespmem:s29], [sflag:$0x1] =	stream.indirect.gather [hbm4b:s4+s20], $0x20, s23, s20, $0xb8;
	[tilespmem:$0x14820] =	vst v63  }
0x129: {  	s5 =	simm.s32 $0x5910;
	s24 =	simm.s32 $0x960  }
0x12a: {  	[tilespmem:s5], [sflag:$0x1] =	stream.indirect.gather [hbm4b:s4+s20], $0x20, s24, s20, $0xb8;
	[tilespmem:$0x14820] =	vst v63  }
0x12b: {  	s25 =	simm.s32 $0x9B0;
	s29 =	simm.s32 $0x6310  }
0x12c: {  	[tilespmem:s29], [sflag:$0x1] =	stream.indirect.gather [hbm4b:s4+s20], $0x20, s25, s20, $0xb8;
	[tilespmem:$0x14820] =	vst v63  }
0x12d: {  	s22 =	simm.s32 $0x6D10;
	s7 =	simm.s32 $0xA00  }
0x12e: {  	[tilespmem:s22], [sflag:$0x1] =	stream.indirect.gather [hbm4b:s4+s20], $0x20, s7, s20, $0xb8;
	[tilespmem:$0x14820] =	vst v63  }
0x12f: {  	s6 =	simm.s32 $0x7710;
	s23 =	simm.s32 $0xA50  }
0x130: {  	[tilespmem:s6], [sflag:$0x1] =	stream.indirect.gather [hbm4b:s4+s20], $0x20, s23, s20, $0xb8;
	[tilespmem:$0x14820] =	vst v63  }
0x131: {  	s24 =	simm.s32 $0xAA0;
	s6 =	simm.s32 $0x8110  }
0x132: {  	[tilespmem:s6], [sflag:$0x1] =	stream.indirect.gather [hbm4b:s4+s20], $0x20, s24, s20, $0xb8;
	[tilespmem:$0x14820] =	vst v63  }
0x133: {  	s18 =	simm.s32 $0x8B10;
	s25 =	simm.s32 $0xAF0  }
0x134: {  	[tilespmem:s18], [sflag:$0x1] =	stream.indirect.gather [hbm4b:s4+s20], $0x20, s25, s20, $0xb8;
	[tilespmem:$0x14820] =	vst v63  }
0x135: {  	s17 =	simm.s32 $0x9510;
	s18 =	simm.s32 $0xB40  }
0x136: {  	[tilespmem:s17], [sflag:$0x1] =	stream.indirect.gather [hbm4b:s4+s20], $0x20, s18, s20, $0xb8;
	[tilespmem:$0x14820] =	vst v63  }
0x137: {  	s16 =	simm.s32 $0x9F10;
	s23 =	simm.s32 $0xB90  }
0x138: {  	[tilespmem:s16], [sflag:$0x1] =	stream.indirect.gather [hbm4b:s4+s20], $0x20, s23, s20, $0xb8;
	[tilespmem:$0x14820] =	vst v63  }
0x139: {  	s15 =	simm.s32 $0xA910;
	s24 =	simm.s32 $0xBE0  }
0x13a: {  	[tilespmem:s15], [sflag:$0x1] =	stream.indirect.gather [hbm4b:s4+s20], $0x20, s24, s20, $0xb8;
	[tilespmem:$0x14820] =	vst v63  }
0x13b: {  	s14 =	simm.s32 $0xB310;
	s25 =	simm.s32 $0xC30  }
0x13c: {  	[tilespmem:s14], [sflag:$0x1] =	stream.indirect.gather [hbm4b:s4+s20], $0x20, s25, s20, $0xb8;
	[tilespmem:$0x14820] =	vst v63  }
0x13d: {  	s13 =	simm.s32 $0xBD10;
	s14 =	simm.s32 $0xC80  }
0x13e: {  	[tilespmem:s13], [sflag:$0x1] =	stream.indirect.gather [hbm4b:s4+s20], $0x20, s14, s20, $0xb8;
	[tilespmem:$0x14820] =	vst v63  }
0x13f: {  	s12 =	simm.s32 $0xC710;
	s15 =	simm.s32 $0xCD0  }
0x140: {  	[tilespmem:s12], [sflag:$0x1] =	stream.indirect.gather [hbm4b:s4+s20], $0x20, s15, s20, $0xb8;
	[tilespmem:$0x14820] =	vst v63  }
0x141: {  	s11 =	simm.s32 $0xD110;
	s23 =	simm.s32 $0xD20  }
0x142: {  	[tilespmem:s11], [sflag:$0x1] =	stream.indirect.gather [hbm4b:s4+s20], $0x20, s23, s20, $0xb8;
	[tilespmem:$0x14820] =	vst v63  }
0x143: {  	s10 =	simm.s32 $0xDB10;
	s24 =	simm.s32 $0xD70  }
0x144: {  	[tilespmem:s10], [sflag:$0x1] =	stream.indirect.gather [hbm4b:s4+s20], $0x20, s24, s20, $0xb8;
	[tilespmem:$0x14820] =	vst v63  }
0x145: {  	s13 =	simm.s32 $0xE510;
	s10 =	simm.s32 $0xDC0  }
0x146: {  	[tilespmem:s13], [sflag:$0x1] =	stream.indirect.gather [hbm4b:s4+s20], $0x20, s10, s20, $0xb8;
	[tilespmem:$0x14820] =	vst v63  }
0x147: {  	s11 =	simm.s32 $0xE10;
	s10 =	simm.s32 $0xEF10  }
0x148: {  	[tilespmem:s10], [sflag:$0x1] =	stream.indirect.gather [hbm4b:s4+s20], $0x20, s11, s20, $0xb8;
	[tilespmem:$0x14820] =	vst v63  }
0x149: {  	s9 =	simm.s32 $0xF910;
	s14 =	simm.s32 $0xE60  }
0x14a: {  	[tilespmem:s9], [sflag:$0x1] =	stream.indirect.gather [hbm4b:s4+s20], $0x20, s14, s20, $0xb8;
	[tilespmem:$0x14820] =	vst v63  }
0x14b: {  	s31 =	simm.s32 $0x10310;
	s15 =	simm.s32 $0xEB0  }
0x14c: {  	[tilespmem:s31], [sflag:$0x1] =	stream.indirect.gather [hbm4b:s4+s20], $0x20, s15, s20, $0xb8;
	[tilespmem:$0x14820] =	vst v63  }
0x14d: {  	s8 =	simm.s32 $0x10D10;
	s23 =	simm.s32 $0xF00  }
0x14e: {  	[tilespmem:s8], [sflag:$0x1] =	stream.indirect.gather [hbm4b:s4+s20], $0x20, s23, s20, $0xb8;
	[tilespmem:$0x14820] =	vst v63  }
0x14f: {  	s3 =	simm.s32 $0x11710;
	s24 =	simm.s32 $0xF50  }
0x150: {  	[tilespmem:s3], [sflag:$0x1] =	stream.indirect.gather [hbm4b:s4+s20], $0x20, s24, s20, $0xb8;
	[tilespmem:$0x14820] =	vst v63  }
0x151: {  	_ =	swait.ge [sflag:s21], $0xA00  }
0x152: {  	[sflag:s21] =	ssyncset.done $0x0  }
0x153: {  	[sflag:s21] =	ssyncadd.s32 $0xFFFFF600  }
0x154: {  	_ =	swait.ge [sflag:s21], $0xA00  }
0x155: {  	[sflag:s21] =	ssyncset.done $0x0  }
0x156: {  	[sflag:s21] =	ssyncadd.s32 $0xFFFFF600  }
0x157: {  	_ =	swait.ge [sflag:s21], $0xA00  }
0x158: {  	[sflag:s21] =	ssyncset.done $0x0  }
0x159: {  	[sflag:s21] =	ssyncadd.s32 $0xFFFFF600  }
0x15a: {  	_ =	swait.ge [sflag:s21], $0xA00  }
0x15b: {  	[sflag:s21] =	ssyncset.done $0x0  }
0x15c: {  	[sflag:s21] =	ssyncadd.s32 $0xFFFFF600  }
0x15d: {  	_ =	swait.ge [sflag:s21], $0xA00  }
0x15e: {  	[sflag:s21] =	ssyncset.done $0x0  }
0x15f: {  	[sflag:s21] =	ssyncadd.s32 $0xFFFFF600  }
0x160: {  	_ =	swait.ge [sflag:s21], $0xA00  }
0x161: {  	[sflag:s21] =	ssyncset.done $0x0  }
0x162: {  	[sflag:s21] =	ssyncadd.s32 $0xFFFFF600  }
0x163: {  	_ =	swait.ge [sflag:s21], $0xA00  }
0x164: {  	[sflag:s21] =	ssyncset.done $0x0  }
0x165: {  	[sflag:s21] =	ssyncadd.s32 $0xFFFFF600  }
0x166: {  	_ =	swait.ge [sflag:s21], $0xA00  }
0x167: {  	[sflag:s21] =	ssyncset.done $0x0  }
0x168: {  	[sflag:s21] =	ssyncadd.s32 $0xFFFFF600  }
0x169: {  	_ =	swait.ge [sflag:s21], $0xA00  }
0x16a: {  	[sflag:s21] =	ssyncset.done $0x0  }
0x16b: {  	[sflag:s21] =	ssyncadd.s32 $0xFFFFF600  }
0x16c: {  	_ =	swait.ge [sflag:s21], $0xA00  }
0x16d: {  	[sflag:s21] =	ssyncset.done $0x0  }
0x16e: {  	[sflag:s21] =	ssyncadd.s32 $0xFFFFF600  }
0x16f: {  	_ =	swait.ge [sflag:s21], $0xA00  }
0x170: {  	[sflag:s21] =	ssyncset.done $0x0  }
0x171: {  	[sflag:s21] =	ssyncadd.s32 $0xFFFFF600  }
0x172: {  	_ =	swait.ge [sflag:s21], $0xA00  }
0x173: {  	[sflag:s21] =	ssyncset.done $0x0  }
0x174: {  	[sflag:s21] =	ssyncadd.s32 $0xFFFFF600  }
0x175: {  	_ =	swait.ge [sflag:s21], $0xA00  }
0x176: {  	[sflag:s21] =	ssyncset.done $0x0  }
0x177: {  	[sflag:s21] =	ssyncadd.s32 $0xFFFFF600  }
0x178: {  	_ =	swait.ge [sflag:s21], $0xA00  }
0x179: {  	[sflag:s21] =	ssyncset.done $0x0  }
0x17a: {  	[sflag:s21] =	ssyncadd.s32 $0xFFFFF600  }
0x17b: {  	_ =	swait.ge [sflag:s21], $0xA00  }
0x17c: {  	[sflag:s21] =	ssyncset.done $0x0  }
0x17d: {  	[sflag:s21] =	ssyncadd.s32 $0xFFFFF600  }
0x17e: {  	_ =	swait.ge [sflag:s21], $0xA00  }
0x17f: {  	[sflag:s21] =	ssyncset.done $0x0  }
0x180: {  	[sflag:s21] =	ssyncadd.s32 $0xFFFFF600  }
0x181: {  	_ =	swait.ge [sflag:s21], $0xA00  }
0x182: {  	[sflag:s21] =	ssyncset.done $0x0  }
0x183: {  	[sflag:s21] =	ssyncadd.s32 $0xFFFFF600  }
0x184: {  	_ =	swait.ge [sflag:s21], $0xA00  }
0x185: {  	[sflag:s21] =	ssyncset.done $0x0  }
0x186: {  	[sflag:s21] =	ssyncadd.s32 $0xFFFFF600  }
0x187: {  	_ =	swait.ge [sflag:s21], $0xA00  }
0x188: {  	[sflag:s21] =	ssyncset.done $0x0  }
0x189: {  	[sflag:s21] =	ssyncadd.s32 $0xFFFFF600  }
0x18a: {  	_ =	swait.ge [sflag:s21], $0xA00  }
0x18b: {  	[sflag:s21] =	ssyncset.done $0x0  }
0x18c: {  	[sflag:s21] =	ssyncadd.s32 $0xFFFFF600  }
0x18d: {  	_ =	swait.ge [sflag:s21], $0xA00  }
0x18e: {  	[sflag:s21] =	ssyncset.done $0x0  }
0x18f: {  	[sflag:s21] =	ssyncadd.s32 $0xFFFFF600  }
0x190: {  	_ =	swait.ge [sflag:s21], $0xA00  }
0x191: {  	[sflag:s21] =	ssyncset.done $0x0  }
0x192: {  	[sflag:s21] =	ssyncadd.s32 $0xFFFFF600  }
0x193: {  	_ =	swait.ge [sflag:s21], $0xA00  }
0x194: {  	[sflag:s21] =	ssyncset.done $0x0  }
0x195: {  	[sflag:s21] =	ssyncadd.s32 $0xFFFFF600  }
0x196: {  	_ =	swait.ge [sflag:s21], $0xA00  }
0x197: {  	[sflag:s21] =	ssyncset.done $0x0  }
0x198: {  	[sflag:s21] =	ssyncadd.s32 $0xFFFFF600  }
0x199: {  	_ =	swait.ge [sflag:s21], $0xA00  }
0x19a: {  	s11 =	simm.s32 $0x40;
	[sflag:s21] =	ssyncset.done $0x0  }
0x19b: {  	s14 =	simm.s32 $0x20;
	s9 =	rddreg [dreg:$0xc];
	[sflag:s21] =	ssyncadd.s32 $0xFFFFF600  }
0x19c: {  	[hbm4b:s9+s14] =	stream.strided.scatter [tilespmem:s1], [sflag:$0x2], $0xFA00, s11, s14, $0x38;
	[tilespmem:$0x14820] =	vst v63  }
0x19d: {  	_ =	swait.ge [sflag:s19], $0xFA00  }
0x19e: {  	[sflag:s19] =	ssyncset.done $0x0  }
0x19f: {  	s15 =	simm.s32 $0xFA0;
	[sflag:s19] =	ssyncadd.s32 $0xFFFF0600  }
0x1a0: {  	[tilespmem:s1], [sflag:$0x1] =	stream.indirect.gather [hbm4b:s4+s20], $0x20, s15, s20, $0xb8;
	[tilespmem:$0x14820] =	vst v63  }
0x1a1: {  	s26 =	simm.s32 $0x3110;
	s23 =	simm.s32 $0xFF0  }
0x1a2: {  	[tilespmem:s26], [sflag:$0x1] =	stream.indirect.gather [hbm4b:s4+s20], $0x20, s23, s20, $0xb8;
	[tilespmem:$0x14820] =	vst v63  }
0x1a3: {  	s24 =	simm.s32 $0x1040;
	s26 =	simm.s32 $0x3B10  }
0x1a4: {  	[tilespmem:s26], [sflag:$0x1] =	stream.indirect.gather [hbm4b:s4+s20], $0x20, s24, s20, $0xb8;
	[tilespmem:$0x14820] =	vst v63  }
0x1a5: {  	s9 =	simm.s32 $0x1090;
	s11 =	simm.s32 $0x4510  }
0x1a6: {  	[tilespmem:s11], [sflag:$0x1] =	stream.indirect.gather [hbm4b:s4+s20], $0x20, s9, s20, $0xb8;
	[tilespmem:$0x14820] =	vst v63  }
0x1a7: {  	s14 =	simm.s32 $0x10E0;
	s15 =	simm.s32 $0x4F10  }
0x1a8: {  	[tilespmem:s15], [sflag:$0x1] =	stream.indirect.gather [hbm4b:s4+s20], $0x20, s14, s20, $0xb8;
	[tilespmem:$0x14820] =	vst v63  }
0x1a9: {  	s23 =	simm.s32 $0x1130  }
0x1aa: {  	[tilespmem:s5], [sflag:$0x1] =	stream.indirect.gather [hbm4b:s4+s20], $0x20, s23, s20, $0xb8;
	[tilespmem:$0x14820] =	vst v63  }
0x1ab: {  	s24 =	simm.s32 $0x1180  }
0x1ac: {  	[tilespmem:s29], [sflag:$0x1] =	stream.indirect.gather [hbm4b:s4+s20], $0x20, s24, s20, $0xb8;
	[tilespmem:$0x14820] =	vst v63  }
0x1ad: {  	s22 =	simm.s32 $0x6D10;
	s26 =	simm.s32 $0x11D0  }
0x1ae: {  	[tilespmem:s22], [sflag:$0x1] =	stream.indirect.gather [hbm4b:s4+s20], $0x20, s26, s20, $0xb8;
	[tilespmem:$0x14820] =	vst v63  }
0x1af: {  	s7 =	simm.s32 $0x7710;
	s29 =	simm.s32 $0x1220  }
0x1b0: {  	[tilespmem:s7], [sflag:$0x1] =	stream.indirect.gather [hbm4b:s4+s20], $0x20, s29, s20, $0xb8;
	[tilespmem:$0x14820] =	vst v63  }
0x1b1: {  	s5 =	simm.s32 $0x1270  }
0x1b2: {  	[tilespmem:s6], [sflag:$0x1] =	stream.indirect.gather [hbm4b:s4+s20], $0x20, s5, s20, $0xb8;
	[tilespmem:$0x14820] =	vst v63  }
0x1b3: {  	s14 =	simm.s32 $0x8B10;
	s7 =	simm.s32 $0x12C0  }
0x1b4: {  	[tilespmem:s14], [sflag:$0x1] =	stream.indirect.gather [hbm4b:s4+s20], $0x20, s7, s20, $0xb8;
	[tilespmem:$0x14820] =	vst v63  }
0x1b5: {  	s17 =	simm.s32 $0x9510;
	s15 =	simm.s32 $0x1310  }
0x1b6: {  	[tilespmem:s17], [sflag:$0x1] =	stream.indirect.gather [hbm4b:s4+s20], $0x20, s15, s20, $0xb8;
	[tilespmem:$0x14820] =	vst v63  }
0x1b7: {  	s16 =	simm.s32 $0x9F10;
	s17 =	simm.s32 $0x1360  }
0x1b8: {  	[tilespmem:s16], [sflag:$0x1] =	stream.indirect.gather [hbm4b:s4+s20], $0x20, s17, s20, $0xb8;
	[tilespmem:$0x14820] =	vst v63  }
0x1b9: {  	s23 =	simm.s32 $0xA910;
	s22 =	simm.s32 $0x13B0  }
0x1ba: {  	[tilespmem:s23], [sflag:$0x1] =	stream.indirect.gather [hbm4b:s4+s20], $0x20, s22, s20, $0xb8;
	[tilespmem:$0x14820] =	vst v63  }
0x1bb: {  	s18 =	simm.s32 $0xB310;
	s24 =	simm.s32 $0x1400  }
0x1bc: {  	[tilespmem:s18], [sflag:$0x1] =	stream.indirect.gather [hbm4b:s4+s20], $0x20, s24, s20, $0xb8;
	[tilespmem:$0x14820] =	vst v63  }
0x1bd: {  	s25 =	simm.s32 $0xBD10;
	s29 =	simm.s32 $0x1450  }
0x1be: {  	[tilespmem:s25], [sflag:$0x1] =	stream.indirect.gather [hbm4b:s4+s20], $0x20, s29, s20, $0xb8;
	[tilespmem:$0x14820] =	vst v63  }
0x1bf: {  	s5 =	simm.s32 $0x14A0;
	s6 =	simm.s32 $0xC710  }
0x1c0: {  	[tilespmem:s6], [sflag:$0x1] =	stream.indirect.gather [hbm4b:s4+s20], $0x20, s5, s20, $0xb8;
	[tilespmem:$0x14820] =	vst v63  }
0x1c1: {  	s12 =	simm.s32 $0xD110;
	s7 =	simm.s32 $0x14F0  }
0x1c2: {  	[tilespmem:s12], [sflag:$0x1] =	stream.indirect.gather [hbm4b:s4+s20], $0x20, s7, s20, $0xb8;
	[tilespmem:$0x14820] =	vst v63  }
0x1c3: {  	s23 =	simm.s32 $0xDB10;
	s12 =	simm.s32 $0x1540  }
0x1c4: {  	[tilespmem:s23], [sflag:$0x1] =	stream.indirect.gather [hbm4b:s4+s20], $0x20, s12, s20, $0xb8;
	[tilespmem:$0x14820] =	vst v63  }
0x1c5: {  	s24 =	simm.s32 $0x1590  }
0x1c6: {  	[tilespmem:s13], [sflag:$0x1] =	stream.indirect.gather [hbm4b:s4+s20], $0x20, s24, s20, $0xb8;
	[tilespmem:$0x14820] =	vst v63  }
0x1c7: {  	s5 =	simm.s32 $0x15E0  }
0x1c8: {  	[tilespmem:s10], [sflag:$0x1] =	stream.indirect.gather [hbm4b:s4+s20], $0x20, s5, s20, $0xb8;
	[tilespmem:$0x14820] =	vst v63  }
0x1c9: {  	s6 =	simm.s32 $0x1630;
	s10 =	simm.s32 $0xF910  }
0x1ca: {  	[tilespmem:s10], [sflag:$0x1] =	stream.indirect.gather [hbm4b:s4+s20], $0x20, s6, s20, $0xb8;
	[tilespmem:$0x14820] =	vst v63  }
0x1cb: {  	s31 =	simm.s32 $0x10310;
	s13 =	simm.s32 $0x1680  }
0x1cc: {  	[tilespmem:s31], [sflag:$0x1] =	stream.indirect.gather [hbm4b:s4+s20], $0x20, s13, s20, $0xb8;
	[tilespmem:$0x14820] =	vst v63  }
0x1cd: {  	s8 =	simm.s32 $0x10D10;
	s23 =	simm.s32 $0x16D0  }
0x1ce: {  	[tilespmem:s8], [sflag:$0x1] =	stream.indirect.gather [hbm4b:s4+s20], $0x20, s23, s20, $0xb8;
	[tilespmem:$0x14820] =	vst v63  }
0x1cf: {  	s3 =	simm.s32 $0x11710;
	s24 =	simm.s32 $0x1720  }
0x1d0: {  	[tilespmem:s3], [sflag:$0x1] =	stream.indirect.gather [hbm4b:s4+s20], $0x20, s24, s20, $0xb8;
	[tilespmem:$0x14820] =	vst v63  }
0x1d1: {  	_ =	swait.ge [sflag:s21], $0xA00  }
0x1d2: {  	[sflag:s21] =	ssyncset.done $0x0  }
0x1d3: {  	[sflag:s21] =	ssyncadd.s32 $0xFFFFF600  }
0x1d4: {  	_ =	swait.ge [sflag:s21], $0xA00  }
0x1d5: {  	[sflag:s21] =	ssyncset.done $0x0  }
0x1d6: {  	[sflag:s21] =	ssyncadd.s32 $0xFFFFF600  }
0x1d7: {  	_ =	swait.ge [sflag:s21], $0xA00  }
0x1d8: {  	[sflag:s21] =	ssyncset.done $0x0  }
0x1d9: {  	[sflag:s21] =	ssyncadd.s32 $0xFFFFF600  }
0x1da: {  	_ =	swait.ge [sflag:s21], $0xA00  }
0x1db: {  	[sflag:s21] =	ssyncset.done $0x0  }
0x1dc: {  	[sflag:s21] =	ssyncadd.s32 $0xFFFFF600  }
0x1dd: {  	_ =	swait.ge [sflag:s21], $0xA00  }
0x1de: {  	[sflag:s21] =	ssyncset.done $0x0  }
0x1df: {  	[sflag:s21] =	ssyncadd.s32 $0xFFFFF600  }
0x1e0: {  	_ =	swait.ge [sflag:s21], $0xA00  }
0x1e1: {  	[sflag:s21] =	ssyncset.done $0x0  }
0x1e2: {  	[sflag:s21] =	ssyncadd.s32 $0xFFFFF600  }
0x1e3: {  	_ =	swait.ge [sflag:s21], $0xA00  }
0x1e4: {  	[sflag:s21] =	ssyncset.done $0x0  }
0x1e5: {  	[sflag:s21] =	ssyncadd.s32 $0xFFFFF600  }
0x1e6: {  	_ =	swait.ge [sflag:s21], $0xA00  }
0x1e7: {  	[sflag:s21] =	ssyncset.done $0x0  }
0x1e8: {  	[sflag:s21] =	ssyncadd.s32 $0xFFFFF600  }
0x1e9: {  	_ =	swait.ge [sflag:s21], $0xA00  }
0x1ea: {  	[sflag:s21] =	ssyncset.done $0x0  }
0x1eb: {  	[sflag:s21] =	ssyncadd.s32 $0xFFFFF600  }
0x1ec: {  	_ =	swait.ge [sflag:s21], $0xA00  }
0x1ed: {  	[sflag:s21] =	ssyncset.done $0x0  }
0x1ee: {  	[sflag:s21] =	ssyncadd.s32 $0xFFFFF600  }
0x1ef: {  	_ =	swait.ge [sflag:s21], $0xA00  }
0x1f0: {  	[sflag:s21] =	ssyncset.done $0x0  }
0x1f1: {  	[sflag:s21] =	ssyncadd.s32 $0xFFFFF600  }
0x1f2: {  	_ =	swait.ge [sflag:s21], $0xA00  }
0x1f3: {  	[sflag:s21] =	ssyncset.done $0x0  }
0x1f4: {  	[sflag:s21] =	ssyncadd.s32 $0xFFFFF600  }
0x1f5: {  	_ =	swait.ge [sflag:s21], $0xA00  }
0x1f6: {  	[sflag:s21] =	ssyncset.done $0x0  }
0x1f7: {  	[sflag:s21] =	ssyncadd.s32 $0xFFFFF600  }
0x1f8: {  	_ =	swait.ge [sflag:s21], $0xA00  }
0x1f9: {  	[sflag:s21] =	ssyncset.done $0x0  }
0x1fa: {  	[sflag:s21] =	ssyncadd.s32 $0xFFFFF600  }
0x1fb: {  	_ =	swait.ge [sflag:s21], $0xA00  }
0x1fc: {  	[sflag:s21] =	ssyncset.done $0x0  }
0x1fd: {  	[sflag:s21] =	ssyncadd.s32 $0xFFFFF600  }
0x1fe: {  	_ =	swait.ge [sflag:s21], $0xA00  }
0x1ff: {  	[sflag:s21] =	ssyncset.done $0x0  }
0x200: {  	[sflag:s21] =	ssyncadd.s32 $0xFFFFF600  }
0x201: {  	_ =	swait.ge [sflag:s21], $0xA00  }
0x202: {  	[sflag:s21] =	ssyncset.done $0x0  }
0x203: {  	[sflag:s21] =	ssyncadd.s32 $0xFFFFF600  }
0x204: {  	_ =	swait.ge [sflag:s21], $0xA00  }
0x205: {  	[sflag:s21] =	ssyncset.done $0x0  }
0x206: {  	[sflag:s21] =	ssyncadd.s32 $0xFFFFF600  }
0x207: {  	_ =	swait.ge [sflag:s21], $0xA00  }
0x208: {  	[sflag:s21] =	ssyncset.done $0x0  }
0x209: {  	[sflag:s21] =	ssyncadd.s32 $0xFFFFF600  }
0x20a: {  	_ =	swait.ge [sflag:s21], $0xA00  }
0x20b: {  	[sflag:s21] =	ssyncset.done $0x0  }
0x20c: {  	[sflag:s21] =	ssyncadd.s32 $0xFFFFF600  }
0x20d: {  	_ =	swait.ge [sflag:s21], $0xA00  }
0x20e: {  	[sflag:s21] =	ssyncset.done $0x0  }
0x20f: {  	[sflag:s21] =	ssyncadd.s32 $0xFFFFF600  }
0x210: {  	_ =	swait.ge [sflag:s21], $0xA00  }
0x211: {  	[sflag:s21] =	ssyncset.done $0x0  }
0x212: {  	[sflag:s21] =	ssyncadd.s32 $0xFFFFF600  }
0x213: {  	_ =	swait.ge [sflag:s21], $0xA00  }
0x214: {  	[sflag:s21] =	ssyncset.done $0x0  }
0x215: {  	[sflag:s21] =	ssyncadd.s32 $0xFFFFF600  }
0x216: {  	_ =	swait.ge [sflag:s21], $0xA00  }
0x217: {  	[sflag:s21] =	ssyncset.done $0x0  }
0x218: {  	[sflag:s21] =	ssyncadd.s32 $0xFFFFF600  }
0x219: {  	_ =	swait.ge [sflag:s21], $0xA00  }
0x21a: {  	s13 =	simm.s32 $0x20;
	[sflag:s21] =	ssyncset.done $0x0  }
0x21b: {  	s3 =	simm.s32 $0x40;
	s31 =	rddreg [dreg:$0xd];
	[sflag:s21] =	ssyncadd.s32 $0xFFFFF600  }
0x21c: {  	[hbm4b:s31+s13] =	stream.strided.scatter [tilespmem:s1], [sflag:$0x2], $0xFA00, s3, s13, $0x38;
	[tilespmem:$0x14820] =	vst v63  }
0x21d: {  	_ =	swait.ge [sflag:s19], $0xFA00  }
0x21e: {  	[sflag:s19] =	ssyncset.done $0x0  }
0x21f: {  	s31 =	simm.s32 $0x1770;
	[sflag:s19] =	ssyncadd.s32 $0xFFFF0600  }
0x220: {  	[tilespmem:s1], [sflag:$0x1] =	stream.indirect.gather [hbm4b:s4+s20], $0x20, s31, s20, $0xb8;
	[tilespmem:$0x14820] =	vst v63  }
0x221: {  	s3 =	simm.s32 $0x17C0;
	s13 =	simm.s32 $0x3110  }
0x222: {  	[tilespmem:s13], [sflag:$0x1] =	stream.indirect.gather [hbm4b:s4+s20], $0x20, s3, s20, $0xb8;
	[tilespmem:$0x14820] =	vst v63  }
0x223: {  	s23 =	simm.s32 $0x1810;
	s24 =	simm.s32 $0x3B10  }
0x224: {  	[tilespmem:s24], [sflag:$0x1] =	stream.indirect.gather [hbm4b:s4+s20], $0x20, s23, s20, $0xb8;
	[tilespmem:$0x14820] =	vst v63  }
0x225: {  	s3 =	simm.s32 $0x1860;
	s13 =	simm.s32 $0x4510  }
0x226: {  	[tilespmem:s13], [sflag:$0x1] =	stream.indirect.gather [hbm4b:s4+s20], $0x20, s3, s20, $0xb8;
	[tilespmem:$0x14820] =	vst v63  }
0x227: {  	s23 =	simm.s32 $0x18B0;
	s24 =	simm.s32 $0x4F10  }
0x228: {  	[tilespmem:s24], [sflag:$0x1] =	stream.indirect.gather [hbm4b:s4+s20], $0x20, s23, s20, $0xb8;
	[tilespmem:$0x14820] =	vst v63  }
0x229: {  	s3 =	simm.s32 $0x1900;
	s13 =	simm.s32 $0x5910  }
0x22a: {  	[tilespmem:s13], [sflag:$0x1] =	stream.indirect.gather [hbm4b:s4+s20], $0x20, s3, s20, $0xb8;
	[tilespmem:$0x14820] =	vst v63  }
0x22b: {  	s23 =	simm.s32 $0x1950;
	s24 =	simm.s32 $0x6310  }
0x22c: {  	[tilespmem:s24], [sflag:$0x1] =	stream.indirect.gather [hbm4b:s4+s20], $0x20, s23, s20, $0xb8;
	[tilespmem:$0x14820] =	vst v63  }
0x22d: {  	s26 =	simm.s32 $0x6D10;
	s23 =	simm.s32 $0x19A0  }
0x22e: {  	[tilespmem:s26], [sflag:$0x1] =	stream.indirect.gather [hbm4b:s4+s20], $0x20, s23, s20, $0xb8;
	[tilespmem:$0x14820] =	vst v63  }
0x22f: {  	s11 =	simm.s32 $0x7710;
	s24 =	simm.s32 $0x19F0  }
0x230: {  	[tilespmem:s11], [sflag:$0x1] =	stream.indirect.gather [hbm4b:s4+s20], $0x20, s24, s20, $0xb8;
	[tilespmem:$0x14820] =	vst v63  }
0x231: {  	s9 =	simm.s32 $0x8110;
	s26 =	simm.s32 $0x1A40  }
0x232: {  	[tilespmem:s9], [sflag:$0x1] =	stream.indirect.gather [hbm4b:s4+s20], $0x20, s26, s20, $0xb8;
	[tilespmem:$0x14820] =	vst v63  }
0x233: {  	s14 =	simm.s32 $0x8B10;
	s11 =	simm.s32 $0x1A90  }
0x234: {  	[tilespmem:s14], [sflag:$0x1] =	stream.indirect.gather [hbm4b:s4+s20], $0x20, s11, s20, $0xb8;
	[tilespmem:$0x14820] =	vst v63  }
0x235: {  	s15 =	simm.s32 $0x9510;
	s14 =	simm.s32 $0x1AE0  }
0x236: {  	[tilespmem:s15], [sflag:$0x1] =	stream.indirect.gather [hbm4b:s4+s20], $0x20, s14, s20, $0xb8;
	[tilespmem:$0x14820] =	vst v63  }
0x237: {  	s16 =	simm.s32 $0x9F10;
	s23 =	simm.s32 $0x1B30  }
0x238: {  	[tilespmem:s16], [sflag:$0x1] =	stream.indirect.gather [hbm4b:s4+s20], $0x20, s23, s20, $0xb8;
	[tilespmem:$0x14820] =	vst v63  }
0x239: {  	s17 =	simm.s32 $0xA910;
	s24 =	simm.s32 $0x1B80  }
0x23a: {  	[tilespmem:s17], [sflag:$0x1] =	stream.indirect.gather [hbm4b:s4+s20], $0x20, s24, s20, $0xb8;
	[tilespmem:$0x14820] =	vst v63  }
0x23b: {  	s18 =	simm.s32 $0xB310;
	s26 =	simm.s32 $0x1BD0  }
0x23c: {  	[tilespmem:s18], [sflag:$0x1] =	stream.indirect.gather [hbm4b:s4+s20], $0x20, s26, s20, $0xb8;
	[tilespmem:$0x14820] =	vst v63  }
0x23d: {  	s29 =	simm.s32 $0xBD10;
	s14 =	simm.s32 $0x1C20  }
0x23e: {  	[tilespmem:s29], [sflag:$0x1] =	stream.indirect.gather [hbm4b:s4+s20], $0x20, s14, s20, $0xb8;
	[tilespmem:$0x14820] =	vst v63  }
0x23f: {  	s22 =	simm.s32 $0xC710;
	s18 =	simm.s32 $0x1C70  }
0x240: {  	[tilespmem:s22], [sflag:$0x1] =	stream.indirect.gather [hbm4b:s4+s20], $0x20, s18, s20, $0xb8;
	[tilespmem:$0x14820] =	vst v63  }
0x241: {  	s25 =	simm.s32 $0xD110;
	s23 =	simm.s32 $0x1CC0  }
0x242: {  	[tilespmem:s25], [sflag:$0x1] =	stream.indirect.gather [hbm4b:s4+s20], $0x20, s23, s20, $0xb8;
	[tilespmem:$0x14820] =	vst v63  }
0x243: {  	s24 =	simm.s32 $0x1D10;
	s25 =	simm.s32 $0xDB10  }
0x244: {  	[tilespmem:s25], [sflag:$0x1] =	stream.indirect.gather [hbm4b:s4+s20], $0x20, s24, s20, $0xb8;
	[tilespmem:$0x14820] =	vst v63  }
0x245: {  	s12 =	simm.s32 $0xE510;
	s22 =	simm.s32 $0x1D60  }
0x246: {  	[tilespmem:s12], [sflag:$0x1] =	stream.indirect.gather [hbm4b:s4+s20], $0x20, s22, s20, $0xb8;
	[tilespmem:$0x14820] =	vst v63  }
0x247: {  	s7 =	simm.s32 $0xEF10;
	s23 =	simm.s32 $0x1DB0  }
0x248: {  	[tilespmem:s7], [sflag:$0x1] =	stream.indirect.gather [hbm4b:s4+s20], $0x20, s23, s20, $0xb8;
	[tilespmem:$0x14820] =	vst v63  }
0x249: {  	s6 =	simm.s32 $0xF910;
	s24 =	simm.s32 $0x1E00  }
0x24a: {  	[tilespmem:s6], [sflag:$0x1] =	stream.indirect.gather [hbm4b:s4+s20], $0x20, s24, s20, $0xb8;
	[tilespmem:$0x14820] =	vst v63  }
0x24b: {  	s10 =	simm.s32 $0x10310;
	s7 =	simm.s32 $0x1E50  }
0x24c: {  	[tilespmem:s10], [sflag:$0x1] =	stream.indirect.gather [hbm4b:s4+s20], $0x20, s7, s20, $0xb8;
	[tilespmem:$0x14820] =	vst v63  }
0x24d: {  	s8 =	simm.s32 $0x10D10;
	s10 =	simm.s32 $0x1EA0  }
0x24e: {  	[tilespmem:s8], [sflag:$0x1] =	stream.indirect.gather [hbm4b:s4+s20], $0x20, s10, s20, $0xb8;
	[tilespmem:$0x14820] =	vst v63  }
0x24f: {  	s5 =	simm.s32 $0x11710;
	s23 =	simm.s32 $0x1EF0  }
0x250: {  	[tilespmem:s5], [sflag:$0x1] =	stream.indirect.gather [hbm4b:s4+s20], $0x20, s23, s20, $0xb8;
	[tilespmem:$0x14820] =	vst v63  }
0x251: {  	_ =	swait.ge [sflag:s21], $0xA00  }
0x252: {  	[sflag:s21] =	ssyncset.done $0x0  }
0x253: {  	[sflag:s21] =	ssyncadd.s32 $0xFFFFF600  }
0x254: {  	_ =	swait.ge [sflag:s21], $0xA00  }
0x255: {  	[sflag:s21] =	ssyncset.done $0x0  }
0x256: {  	[sflag:s21] =	ssyncadd.s32 $0xFFFFF600  }
0x257: {  	_ =	swait.ge [sflag:s21], $0xA00  }
0x258: {  	[sflag:s21] =	ssyncset.done $0x0  }
0x259: {  	[sflag:s21] =	ssyncadd.s32 $0xFFFFF600  }
0x25a: {  	_ =	swait.ge [sflag:s21], $0xA00  }
0x25b: {  	[sflag:s21] =	ssyncset.done $0x0  }
0x25c: {  	[sflag:s21] =	ssyncadd.s32 $0xFFFFF600  }
0x25d: {  	_ =	swait.ge [sflag:s21], $0xA00  }
0x25e: {  	[sflag:s21] =	ssyncset.done $0x0  }
0x25f: {  	[sflag:s21] =	ssyncadd.s32 $0xFFFFF600  }
0x260: {  	_ =	swait.ge [sflag:s21], $0xA00  }
0x261: {  	[sflag:s21] =	ssyncset.done $0x0  }
0x262: {  	[sflag:s21] =	ssyncadd.s32 $0xFFFFF600  }
0x263: {  	_ =	swait.ge [sflag:s21], $0xA00  }
0x264: {  	[sflag:s21] =	ssyncset.done $0x0  }
0x265: {  	[sflag:s21] =	ssyncadd.s32 $0xFFFFF600  }
0x266: {  	_ =	swait.ge [sflag:s21], $0xA00  }
0x267: {  	[sflag:s21] =	ssyncset.done $0x0  }
0x268: {  	[sflag:s21] =	ssyncadd.s32 $0xFFFFF600  }
0x269: {  	_ =	swait.ge [sflag:s21], $0xA00  }
0x26a: {  	[sflag:s21] =	ssyncset.done $0x0  }
0x26b: {  	[sflag:s21] =	ssyncadd.s32 $0xFFFFF600  }
0x26c: {  	_ =	swait.ge [sflag:s21], $0xA00  }
0x26d: {  	[sflag:s21] =	ssyncset.done $0x0  }
0x26e: {  	[sflag:s21] =	ssyncadd.s32 $0xFFFFF600  }
0x26f: {  	_ =	swait.ge [sflag:s21], $0xA00  }
0x270: {  	[sflag:s21] =	ssyncset.done $0x0  }
0x271: {  	[sflag:s21] =	ssyncadd.s32 $0xFFFFF600  }
0x272: {  	_ =	swait.ge [sflag:s21], $0xA00  }
0x273: {  	[sflag:s21] =	ssyncset.done $0x0  }
0x274: {  	[sflag:s21] =	ssyncadd.s32 $0xFFFFF600  }
0x275: {  	_ =	swait.ge [sflag:s21], $0xA00  }
0x276: {  	[sflag:s21] =	ssyncset.done $0x0  }
0x277: {  	[sflag:s21] =	ssyncadd.s32 $0xFFFFF600  }
0x278: {  	_ =	swait.ge [sflag:s21], $0xA00  }
0x279: {  	[sflag:s21] =	ssyncset.done $0x0  }
0x27a: {  	[sflag:s21] =	ssyncadd.s32 $0xFFFFF600  }
0x27b: {  	_ =	swait.ge [sflag:s21], $0xA00  }
0x27c: {  	[sflag:s21] =	ssyncset.done $0x0  }
0x27d: {  	[sflag:s21] =	ssyncadd.s32 $0xFFFFF600  }
0x27e: {  	_ =	swait.ge [sflag:s21], $0xA00  }
0x27f: {  	[sflag:s21] =	ssyncset.done $0x0  }
0x280: {  	[sflag:s21] =	ssyncadd.s32 $0xFFFFF600  }
0x281: {  	_ =	swait.ge [sflag:s21], $0xA00  }
0x282: {  	[sflag:s21] =	ssyncset.done $0x0  }
0x283: {  	[sflag:s21] =	ssyncadd.s32 $0xFFFFF600  }
0x284: {  	_ =	swait.ge [sflag:s21], $0xA00  }
0x285: {  	[sflag:s21] =	ssyncset.done $0x0  }
0x286: {  	[sflag:s21] =	ssyncadd.s32 $0xFFFFF600  }
0x287: {  	_ =	swait.ge [sflag:s21], $0xA00  }
0x288: {  	[sflag:s21] =	ssyncset.done $0x0  }
0x289: {  	[sflag:s21] =	ssyncadd.s32 $0xFFFFF600  }
0x28a: {  	_ =	swait.ge [sflag:s21], $0xA00  }
0x28b: {  	[sflag:s21] =	ssyncset.done $0x0  }
0x28c: {  	[sflag:s21] =	ssyncadd.s32 $0xFFFFF600  }
0x28d: {  	_ =	swait.ge [sflag:s21], $0xA00  }
0x28e: {  	[sflag:s21] =	ssyncset.done $0x0  }
0x28f: {  	[sflag:s21] =	ssyncadd.s32 $0xFFFFF600  }
0x290: {  	_ =	swait.ge [sflag:s21], $0xA00  }
0x291: {  	[sflag:s21] =	ssyncset.done $0x0  }
0x292: {  	[sflag:s21] =	ssyncadd.s32 $0xFFFFF600  }
0x293: {  	_ =	swait.ge [sflag:s21], $0xA00  }
0x294: {  	[sflag:s21] =	ssyncset.done $0x0  }
0x295: {  	[sflag:s21] =	ssyncadd.s32 $0xFFFFF600  }
0x296: {  	_ =	swait.ge [sflag:s21], $0xA00  }
0x297: {  	[sflag:s21] =	ssyncset.done $0x0  }
0x298: {  	[sflag:s21] =	ssyncadd.s32 $0xFFFFF600  }
0x299: {  	_ =	swait.ge [sflag:s21], $0xA00  }
0x29a: {  	s6 =	simm.s32 $0x20;
	[sflag:s21] =	ssyncset.done $0x0  }
0x29b: {  	s5 =	simm.s32 $0x40;
	s24 =	rddreg [dreg:$0xe];
	[sflag:s21] =	ssyncadd.s32 $0xFFFFF600  }
0x29c: {  	[hbm4b:s24+s6] =	stream.strided.scatter [tilespmem:s1], [sflag:$0x2], $0xFA00, s5, s6, $0x38;
	[tilespmem:$0x14820] =	vst v63  }
0x29d: {  	_ =	swait.ge [sflag:s19], $0xFA00  }
0x29e: {  	[sflag:s19] =	ssyncset.done $0x0  }
0x29f: {  	s10 =	simm.s32 $0x1F40;
	[sflag:s19] =	ssyncadd.s32 $0xFFFF0600  }
0x2a0: {  	[tilespmem:s1], [sflag:$0x1] =	stream.indirect.gather [hbm4b:s4+s20], $0x20, s10, s20, $0xb8;
	[tilespmem:$0x14820] =	vst v63  }
0x2a1: {  	s31 =	simm.s32 $0x3110;
	s23 =	simm.s32 $0x1F90  }
0x2a2: {  	[tilespmem:s31], [sflag:$0x1] =	stream.indirect.gather [hbm4b:s4+s20], $0x20, s23, s20, $0xb8;
	[tilespmem:$0x14820] =	vst v63  }
0x2a3: {  	s24 =	simm.s32 $0x1FE0;
	s31 =	simm.s32 $0x3B10  }
0x2a4: {  	[tilespmem:s31], [sflag:$0x1] =	stream.indirect.gather [hbm4b:s4+s20], $0x20, s24, s20, $0xb8;
	[tilespmem:$0x14820] =	vst v63  }
0x2a5: {  	s5 =	simm.s32 $0x2030;
	s6 =	simm.s32 $0x4510  }
0x2a6: {  	[tilespmem:s6], [sflag:$0x1] =	stream.indirect.gather [hbm4b:s4+s20], $0x20, s5, s20, $0xb8;
	[tilespmem:$0x14820] =	vst v63  }
0x2a7: {  	s10 =	simm.s32 $0x2080;
	s23 =	simm.s32 $0x4F10  }
0x2a8: {  	[tilespmem:s23], [sflag:$0x1] =	stream.indirect.gather [hbm4b:s4+s20], $0x20, s10, s20, $0xb8;
	[tilespmem:$0x14820] =	vst v63  }
0x2a9: {  	s13 =	simm.s32 $0x5910;
	s24 =	simm.s32 $0x20D0  }
0x2aa: {  	[tilespmem:s13], [sflag:$0x1] =	stream.indirect.gather [hbm4b:s4+s20], $0x20, s24, s20, $0xb8;
	[tilespmem:$0x14820] =	vst v63  }
0x2ab: {  	s3 =	simm.s32 $0x6310;
	s31 =	simm.s32 $0x2120  }
0x2ac: {  	[tilespmem:s3], [sflag:$0x1] =	stream.indirect.gather [hbm4b:s4+s20], $0x20, s31, s20, $0xb8;
	[tilespmem:$0x14820] =	vst v63  }
0x2ad: {  	s1 =	simm.s32 $0x2170;
	s3 =	simm.s32 $0x6D10  }
0x2ae: {  	[tilespmem:s3], [sflag:$0x1] =	stream.indirect.gather [hbm4b:s4+s20], $0x20, s1, s20, $0xb8;
	[tilespmem:$0x14820] =	vst v63  }
0x2af: {  	s10 =	simm.s32 $0x21C0;
	s13 =	simm.s32 $0x7710  }
0x2b0: {  	[tilespmem:s13], [sflag:$0x1] =	stream.indirect.gather [hbm4b:s4+s20], $0x20, s10, s20, $0xb8;
	[tilespmem:$0x14820] =	vst v63  }
0x2b1: {  	s23 =	simm.s32 $0x2210;
	s24 =	simm.s32 $0x8110  }
0x2b2: {  	[tilespmem:s24], [sflag:$0x1] =	stream.indirect.gather [hbm4b:s4+s20], $0x20, s23, s20, $0xb8;
	[tilespmem:$0x14820] =	vst v63  }
0x2b3: {  	s9 =	simm.s32 $0x8B10;
	s31 =	simm.s32 $0x2260  }
0x2b4: {  	[tilespmem:s9], [sflag:$0x1] =	stream.indirect.gather [hbm4b:s4+s20], $0x20, s31, s20, $0xb8;
	[tilespmem:$0x14820] =	vst v63  }
0x2b5: {  	s11 =	simm.s32 $0x9510;
	s1 =	simm.s32 $0x22B0  }
0x2b6: {  	[tilespmem:s11], [sflag:$0x1] =	stream.indirect.gather [hbm4b:s4+s20], $0x20, s1, s20, $0xb8;
	[tilespmem:$0x14820] =	vst v63  }
0x2b7: {  	s15 =	simm.s32 $0x9F10;
	s3 =	simm.s32 $0x2300  }
0x2b8: {  	[tilespmem:s15], [sflag:$0x1] =	stream.indirect.gather [hbm4b:s4+s20], $0x20, s3, s20, $0xb8;
	[tilespmem:$0x14820] =	vst v63  }
0x2b9: {  	s16 =	simm.s32 $0xA910;
	s9 =	simm.s32 $0x2350  }
0x2ba: {  	[tilespmem:s16], [sflag:$0x1] =	stream.indirect.gather [hbm4b:s4+s20], $0x20, s9, s20, $0xb8;
	[tilespmem:$0x14820] =	vst v63  }
0x2bb: {  	s17 =	simm.s32 $0xB310;
	s10 =	simm.s32 $0x23A0  }
0x2bc: {  	[tilespmem:s17], [sflag:$0x1] =	stream.indirect.gather [hbm4b:s4+s20], $0x20, s10, s20, $0xb8;
	[tilespmem:$0x14820] =	vst v63  }
0x2bd: {  	s29 =	simm.s32 $0xBD10;
	s11 =	simm.s32 $0x23F0  }
0x2be: {  	[tilespmem:s29], [sflag:$0x1] =	stream.indirect.gather [hbm4b:s4+s20], $0x20, s11, s20, $0xb8;
	[tilespmem:$0x14820] =	vst v63  }
0x2bf: {  	s18 =	simm.s32 $0xC710;
	s13 =	simm.s32 $0x2440  }
0x2c0: {  	[tilespmem:s18], [sflag:$0x1] =	stream.indirect.gather [hbm4b:s4+s20], $0x20, s13, s20, $0xb8;
	[tilespmem:$0x14820] =	vst v63  }
0x2c1: {  	s26 =	simm.s32 $0xD110;
	s15 =	simm.s32 $0x2490  }
0x2c2: {  	[tilespmem:s26], [sflag:$0x1] =	stream.indirect.gather [hbm4b:s4+s20], $0x20, s15, s20, $0xb8;
	[tilespmem:$0x14820] =	vst v63  }
0x2c3: {  	s25 =	simm.s32 $0xDB10;
	s16 =	simm.s32 $0x24E0  }
0x2c4: {  	[tilespmem:s25], [sflag:$0x1] =	stream.indirect.gather [hbm4b:s4+s20], $0x20, s16, s20, $0xb8;
	[tilespmem:$0x14820] =	vst v63  }
0x2c5: {  	s14 =	simm.s32 $0xE510;
	s17 =	simm.s32 $0x2530  }
0x2c6: {  	[tilespmem:s14], [sflag:$0x1] =	stream.indirect.gather [hbm4b:s4+s20], $0x20, s17, s20, $0xb8;
	[tilespmem:$0x14820] =	vst v63  }
0x2c7: {  	s22 =	simm.s32 $0xEF10;
	s18 =	simm.s32 $0x2580  }
0x2c8: {  	[tilespmem:s22], [sflag:$0x1] =	stream.indirect.gather [hbm4b:s4+s20], $0x20, s18, s20, $0xb8;
	[tilespmem:$0x14820] =	vst v63  }
0x2c9: {  	s23 =	simm.s32 $0xF910;
	s22 =	simm.s32 $0x25D0  }
0x2ca: {  	[tilespmem:s23], [sflag:$0x1] =	stream.indirect.gather [hbm4b:s4+s20], $0x20, s22, s20, $0xb8;
	[tilespmem:$0x14820] =	vst v63  }
0x2cb: {  	s12 =	simm.s32 $0x10310;
	s24 =	simm.s32 $0x2620  }
0x2cc: {  	[tilespmem:s12], [sflag:$0x1] =	stream.indirect.gather [hbm4b:s4+s20], $0x20, s24, s20, $0xb8;
	[tilespmem:$0x14820] =	vst v63  }
0x2cd: {  	s8 =	simm.s32 $0x10D10;
	s25 =	simm.s32 $0x2670  }
0x2ce: {  	[tilespmem:s8], [sflag:$0x1] =	stream.indirect.gather [hbm4b:s4+s20], $0x20, s25, s20, $0xb8;
	[tilespmem:$0x14820] =	vst v63  }
0x2cf: {  	s7 =	simm.s32 $0x11710;
	s26 =	simm.s32 $0x26C0  }
0x2d0: {  	[tilespmem:s7], [sflag:$0x1] =	stream.indirect.gather [hbm4b:s4+s20], $0x20, s26, s20, $0xb8;
	[tilespmem:$0x14820] =	vst v63  }
0x2d1: {  	_ =	swait.ge [sflag:s21], $0xA00  }
0x2d2: {  	[sflag:s21] =	ssyncset.done $0x0  }
0x2d3: {  	[sflag:s21] =	ssyncadd.s32 $0xFFFFF600  }
0x2d4: {  	_ =	swait.ge [sflag:s21], $0xA00  }
0x2d5: {  	[sflag:s21] =	ssyncset.done $0x0  }
0x2d6: {  	[sflag:s21] =	ssyncadd.s32 $0xFFFFF600  }
0x2d7: {  	_ =	swait.ge [sflag:s21], $0xA00  }
0x2d8: {  	[sflag:s21] =	ssyncset.done $0x0  }
0x2d9: {  	[sflag:s21] =	ssyncadd.s32 $0xFFFFF600  }
0x2da: {  	_ =	swait.ge [sflag:s21], $0xA00  }
0x2db: {  	[sflag:s21] =	ssyncset.done $0x0  }
0x2dc: {  	[sflag:s21] =	ssyncadd.s32 $0xFFFFF600  }
0x2dd: {  	_ =	swait.ge [sflag:s21], $0xA00  }
0x2de: {  	[sflag:s21] =	ssyncset.done $0x0  }
0x2df: {  	[sflag:s21] =	ssyncadd.s32 $0xFFFFF600  }
0x2e0: {  	_ =	swait.ge [sflag:s21], $0xA00  }
0x2e1: {  	[sflag:s21] =	ssyncset.done $0x0  }
0x2e2: {  	[sflag:s21] =	ssyncadd.s32 $0xFFFFF600  }
0x2e3: {  	_ =	swait.ge [sflag:s21], $0xA00  }
0x2e4: {  	[sflag:s21] =	ssyncset.done $0x0  }
0x2e5: {  	[sflag:s21] =	ssyncadd.s32 $0xFFFFF600  }
0x2e6: {  	_ =	swait.ge [sflag:s21], $0xA00  }
0x2e7: {  	[sflag:s21] =	ssyncset.done $0x0  }
0x2e8: {  	[sflag:s21] =	ssyncadd.s32 $0xFFFFF600  }
0x2e9: {  	_ =	swait.ge [sflag:s21], $0xA00  }
0x2ea: {  	[sflag:s21] =	ssyncset.done $0x0  }
0x2eb: {  	[sflag:s21] =	ssyncadd.s32 $0xFFFFF600  }
0x2ec: {  	_ =	swait.ge [sflag:s21], $0xA00  }
0x2ed: {  	[sflag:s21] =	ssyncset.done $0x0  }
0x2ee: {  	[sflag:s21] =	ssyncadd.s32 $0xFFFFF600  }
0x2ef: {  	_ =	swait.ge [sflag:s21], $0xA00  }
0x2f0: {  	[sflag:s21] =	ssyncset.done $0x0  }
0x2f1: {  	[sflag:s21] =	ssyncadd.s32 $0xFFFFF600  }
0x2f2: {  	_ =	swait.ge [sflag:s21], $0xA00  }
0x2f3: {  	[sflag:s21] =	ssyncset.done $0x0  }
0x2f4: {  	[sflag:s21] =	ssyncadd.s32 $0xFFFFF600  }
0x2f5: {  	_ =	swait.ge [sflag:s21], $0xA00  }
0x2f6: {  	[sflag:s21] =	ssyncset.done $0x0  }
0x2f7: {  	[sflag:s21] =	ssyncadd.s32 $0xFFFFF600  }
0x2f8: {  	_ =	swait.ge [sflag:s21], $0xA00  }
0x2f9: {  	[sflag:s21] =	ssyncset.done $0x0  }
0x2fa: {  	[sflag:s21] =	ssyncadd.s32 $0xFFFFF600  }
0x2fb: {  	_ =	swait.ge [sflag:s21], $0xA00  }
0x2fc: {  	[sflag:s21] =	ssyncset.done $0x0  }
0x2fd: {  	[sflag:s21] =	ssyncadd.s32 $0xFFFFF600  }
0x2fe: {  	_ =	swait.ge [sflag:s21], $0xA00  }
0x2ff: {  	[sflag:s21] =	ssyncset.done $0x0  }
0x300: {  	[sflag:s21] =	ssyncadd.s32 $0xFFFFF600  }
0x301: {  	_ =	swait.ge [sflag:s21], $0xA00  }
0x302: {  	[sflag:s21] =	ssyncset.done $0x0  }
0x303: {  	[sflag:s21] =	ssyncadd.s32 $0xFFFFF600  }
0x304: {  	_ =	swait.ge [sflag:s21], $0xA00  }
0x305: {  	[sflag:s21] =	ssyncset.done $0x0  }
0x306: {  	[sflag:s21] =	ssyncadd.s32 $0xFFFFF600  }
0x307: {  	_ =	swait.ge [sflag:s21], $0xA00  }
0x308: {  	[sflag:s21] =	ssyncset.done $0x0  }
0x309: {  	[sflag:s21] =	ssyncadd.s32 $0xFFFFF600  }
0x30a: {  	_ =	swait.ge [sflag:s21], $0xA00  }
0x30b: {  	[sflag:s21] =	ssyncset.done $0x0  }
0x30c: {  	[sflag:s21] =	ssyncadd.s32 $0xFFFFF600  }
0x30d: {  	_ =	swait.ge [sflag:s21], $0xA00  }
0x30e: {  	[sflag:s21] =	ssyncset.done $0x0  }
0x30f: {  	[sflag:s21] =	ssyncadd.s32 $0xFFFFF600  }
0x310: {  	_ =	swait.ge [sflag:s21], $0xA00  }
0x311: {  	[sflag:s21] =	ssyncset.done $0x0  }
0x312: {  	[sflag:s21] =	ssyncadd.s32 $0xFFFFF600  }
0x313: {  	_ =	swait.ge [sflag:s21], $0xA00  }
0x314: {  	[sflag:s21] =	ssyncset.done $0x0  }
0x315: {  	[sflag:s21] =	ssyncadd.s32 $0xFFFFF600  }
0x316: {  	_ =	swait.ge [sflag:s21], $0xA00  }
0x317: {  	[sflag:s21] =	ssyncset.done $0x0  }
0x318: {  	[sflag:s21] =	ssyncadd.s32 $0xFFFFF600  }
0x319: {  	_ =	swait.ge [sflag:s21], $0xA00  }
0x31a: {  	s5 =	simm.s32 $0x40;
	s6 =	simm.s32 $0x2710;
	[sflag:s21] =	ssyncset.done $0x0  }
0x31b: {  	s3 =	simm.s32 $0x20;
	s29 =	rddreg [dreg:$0xf];
	[sflag:s21] =	ssyncadd.s32 $0xFFFFF600  }
0x31c: {  	[hbm4b:s29+s3] =	stream.strided.scatter [tilespmem:s6], [sflag:$0x2], $0xFA00, s5, s3, $0x38;
	[tilespmem:$0x14820] =	vst v63  }
0x31d: {  	_ =	swait.ge [sflag:s19], $0xFA00  }
0x31e: {  	s30 =	sadd.s32 $0x1, s30;
	s31 =	rddreg [dreg:$0x10]  }
0x31f: {  	p0 =	sne.s32 s30, s31  }
.Ltmp10:
0x320: {  	_ = 	snop;
	(pc) =	sbr.rel @p0 .LBB2_1-.Ltmp10, $3  }
0x321: {  	_ =	sdelay $0x1  }
0x322: {  	[sflag:s19] =	ssyncset.done $0x0  }
0x323: {  	[sflag:s19] =	ssyncadd.s32 $0xFFFF0600  }
0x324: {  	_ =	sfence.sel $0x180000  }
0x325: {  	[bflag:$0x0] =	sbarrier.arrive $0xFFFF  }
0x326: {  	_ =	strace $0x90000047  }
0x327: {  	s0 =	stileid.u32;
	[bflag:$0x2] =	sbarrier.arrive $0xFFFF  }
0x328: {  	p0 =	sne.s32 s0, $0x0;
	s0 =	rddreg [dreg:$0x2]  }
0x329: {  	s0 =	sadd.s32 @!p0 $0x100000, s0  }
0x32a: {  	[sflag:s0] =	ssyncadd.tile.s32 @!p0 $0x1;
	_ =	shalt  }
.Lfunc_end2:
_tile_overlayer_lowered:
.L_overlay_start_2:
0x32b: {  	(tag) =	ssettag $0x2  }
0x32c: {  	s0 =	rddreg [dreg:$0x0];
	s2 =	stileid.u32  }
0x32d: {  	s1 =	rddreg [dreg:$0x1];
	p0 =	sne.s32 s2, $0x0  }
0x32e: {  	s3 =	rddreg [dreg:$0x2];
	[bflag:$0x3] =	sbarrier.arrive $0xFFFF;
	s2 =	simm.s32 @!p0 $0x1C02  }
0x32f: {  	[timem:s3], [sflag:s2] =	dma.local @!p0 [hbm:s0], s1  }
0x330: {  	s0 =	simm.s32 @!p0 $0x2  }
0x331: {  	_ =	swait.ge @!p0 [sflag:s0], s1  }
0x332: {  	s1 =	ssub.s32 @!p0 $0x0, s1;
	[sflag:s0] =	ssyncset.done @!p0 $0x0  }
0x333: {  	[sflag:s0] =	ssyncadd.s32 @!p0 s1  }
0x334: {  	[bflag:$0x3] =	sbarrier.arrive $0xFFFF  }
0x335: {  	_ =	shalt  }

</sc_bundles>
